<compile_context>
chip_gen: v7x
topology: tpu7x:2x2x1
jax: 0.10.2.dev20260603
libtpu: 0.0.44.dev20260713+nightly
codegen_flags: <defaults>
</compile_context>

<pallas_src>
import functools

import jax
import jax.numpy as jnp
from jax import lax
from jax.experimental import pallas as pl
from jax.experimental.pallas import tpu as pltpu
from jax.experimental.pallas import tpu_sc as plsc

NC = 2
NS = 16
NW = NC * NS
F = 16
IDX_MINOR = 128
CH = 4
NBUF = 2


def _chunk_rows(rows_per_tile: int, cap: int) -> int:
    for d in range(min(cap, rows_per_tile), 7, -1):
        if rows_per_tile % d == 0 and d % 8 == 0:
            return d
    return 8


@functools.lru_cache(maxsize=None)
def _build_scatter(num_nodes: int, total_windows: int):
    wq, wr = divmod(total_windows, NW)
    epc = CH * IDX_MINOR
    rows_per_tile = num_nodes // NS
    zrows = _chunk_rows(rows_per_tile, 512)
    n_z = rows_per_tile // zrows

    mesh = plsc.VectorSubcoreMesh(core_axis_name="c", subcore_axis_name="s")

    @functools.partial(
        pl.kernel,
        mesh=mesh,
        compiler_params=pltpu.CompilerParams(use_tc_tiling_on_sc=False),
        out_type=jax.ShapeDtypeStruct((NC * num_nodes, F), jnp.float32),
        scratch_types=[
            pltpu.VMEM((NBUF, CH, IDX_MINOR, F), jnp.float32),
            pltpu.VMEM((NBUF, CH, IDX_MINOR), jnp.int32),
            pltpu.VMEM((zrows, F), jnp.float32),
            pltpu.VMEM_SHARED((num_nodes, F), jnp.float32),
            pltpu.SemaphoreType.DMA,
            pltpu.SemaphoreType.DMA,
        ],
    )
    def scatter_partials(
        edges_hbm, recv_hbm, out_hbm, ebuf, ibuf, dbuf, acc, lsem, ssem
    ):
        c = lax.axis_index("c")
        s = lax.axis_index("s")
        wid = c * NS + s

        def zero_body(i, carry):
            dbuf[i, :] = jnp.zeros((F,), jnp.float32)
            return carry

        lax.fori_loop(0, zrows, zero_body, 0)
        for z in range(n_z):
            pltpu.sync_copy(
                dbuf, acc.at[pl.ds(s * rows_per_tile + z * zrows, zrows)]
            )
        plsc.subcore_barrier()

        steps = wq + jnp.where(wid < wr, 1, 0)
        win_base = wq * wid + jnp.minimum(wid, wr)

        def fire_loads(t, k):
            b0 = (win_base + t) * CH
            pltpu.async_copy(edges_hbm.at[pl.ds(b0, CH)], ebuf.at[k], lsem)
            pltpu.async_copy(recv_hbm.at[pl.ds(b0, CH)], ibuf.at[k], lsem)

        def wait_loads(k):
            pltpu.make_async_copy(
                edges_hbm.at[pl.ds(0, CH)], ebuf.at[k], lsem
            ).wait()
            pltpu.make_async_copy(
                recv_hbm.at[pl.ds(0, CH)], ibuf.at[k], lsem
            ).wait()

        def drain_scatters(k):
            for j in range(CH):
                pltpu.make_async_copy(
                    ebuf.at[k].at[j], acc.at[ibuf.at[k].at[j]], ssem
                ).wait()

        @pl.when(steps > 0)
        def _():
            fire_loads(0, 0)

        def step(t, carry):
            k = lax.rem(t, 2)
            kn = lax.rem(t + 1, 2)

            @pl.when(t > 0)
            def _():
                drain_scatters(kn)

            @pl.when(t + 1 < steps)
            def _():
                fire_loads(t + 1, kn)

            wait_loads(k)
            for j in range(CH):
                pltpu.async_copy(
                    ebuf.at[k].at[j], acc.at[ibuf.at[k].at[j]], ssem,
                    add=True,
                )
            return carry

        lax.fori_loop(0, steps, step, 0)

        @pl.when(steps > 0)
        def _():
            drain_scatters(lax.rem(steps - 1, 2))

        plsc.subcore_barrier()

        out_base = c * num_nodes + s * rows_per_tile
        for z in range(n_z):
            pltpu.sync_copy(
                acc.at[pl.ds(s * rows_per_tile + z * zrows, zrows)], dbuf
            )
            pltpu.sync_copy(dbuf, out_hbm.at[pl.ds(out_base + z * zrows, zrows)])

    return scatter_partials


@functools.lru_cache(maxsize=None)
def _build_sc_merge(num_nodes: int, n_pad: int):
    rows = -(-num_nodes // (NW * 8)) * 8
    mesh = plsc.VectorSubcoreMesh(core_axis_name="c", subcore_axis_name="s")

    @functools.partial(
        pl.kernel,
        mesh=mesh,
        compiler_params=pltpu.CompilerParams(use_tc_tiling_on_sc=False),
        out_type=jax.ShapeDtypeStruct((num_nodes, F), jnp.float32),
        scratch_types=[
            pltpu.VMEM((rows, F), jnp.float32),
            pltpu.VMEM((rows, F), jnp.float32),
            pltpu.SemaphoreType.DMA,
        ],
    )
    def merge(p_hbm, out_hbm, abuf, bbuf, sem):
        c = lax.axis_index("c")
        s = lax.axis_index("s")
        wid = c * NS + s
        start = jnp.minimum(wid * rows, num_nodes - rows)
        cp0 = pltpu.async_copy(p_hbm.at[pl.ds(start, rows)], abuf, sem)
        cp1 = pltpu.async_copy(p_hbm.at[pl.ds(n_pad + start, rows)], bbuf, sem)
        cp0.wait()
        cp1.wait()

        def add_body(i, carry):
            abuf[i, :] = abuf[i, :] + bbuf[i, :]
            return carry

        lax.fori_loop(0, rows, add_body, 0)
        pltpu.sync_copy(abuf, out_hbm.at[pl.ds(start, rows)])

    return merge


def kernel(nodes, edges, receivers):
    num_nodes = nodes.shape[0]
    num_edges, f = edges.shape

    step_edges = IDX_MINOR * CH
    e_pad = -(-num_edges // step_edges) * step_edges
    pad = e_pad - num_edges
    recv = receivers.astype(jnp.int32)
    if pad:
        edges = jnp.concatenate(
            [edges, jnp.zeros((pad, f), edges.dtype)], axis=0
        )
        recv = jnp.concatenate(
            [recv, jnp.arange(pad, dtype=jnp.int32) % num_nodes], axis=0
        )

    n_align = NS * 32
    n_pad = -(-num_nodes // n_align) * n_align
    total_windows = e_pad // step_edges
    e128 = lax.optimization_barrier(edges.reshape(e_pad * f // 128, 128))
    partials = _build_scatter(n_pad, total_windows)(
        e128.reshape(e_pad // IDX_MINOR, IDX_MINOR, f),
        recv.reshape(e_pad // IDX_MINOR, IDX_MINOR),
    )
    return _build_sc_merge(num_nodes, n_pad)(partials)

# --- scband reference (transcript-rebuilt; emitter-appended) ---
"""Pipeline reference for scband-received-edges-to-nodes-aggregator-65249143161000 (READ-ONLY COPY).

The authoritative reference and input builder live on the scoring server;
editing this copy changes nothing except your own understanding.
"""

import jax, jax.numpy as jnp
import numpy as np


def setup_inputs(seed: int = 0) -> dict:
    key = jax.random.key(seed)
    k1, k2, k3 = jax.random.split(key, 3)
    nodes = jax.random.normal(k1, (100000, 128), dtype=jnp.float32)
    edges = jax.random.normal(k2, (3200000, 16), dtype=jnp.float32)
    receivers = jax.random.randint(k3, (3200000,), 0, 100000, dtype=jnp.int64)
    return {"nodes": nodes, "edges": edges, "receivers": receivers}


def reference(nodes, edges, receivers):
    # Faithful translation of receivedEdgesToNodesAggregator.forward:
    # for each node, sum the features of all its incoming edges.
    num_nodes = nodes.shape[0]
    num_edge_features = edges.shape[-1]
    out = jnp.zeros((num_nodes, num_edge_features), dtype=edges.dtype)
    out = out.at[receivers].add(edges)
    return out

if __name__ == "__main__":
    import jax
    _d = setup_inputs()
    print(jax.jit(kernel)(*tuple(_d.values())))

</pallas_src>

<mosaic_0001>
#map = affine_map<(d0, d1) -> (0, 0, 0)>
#map1 = affine_map<(d0, d1) -> (0, 0)>
module attributes {stable_mosaic.version = 14 : i64} {
  func.func @scatter_partials(%arg0: i32, %arg1: i32, %arg2: memref<25000x128x16xf32, #tpu.memory_space<hbm>>, %arg3: memref<25000x128xi32, #tpu.memory_space<hbm>>, %arg4: memref<200704x16xf32, #tpu.memory_space<hbm>>, %arg5: memref<2x4x128x16xf32, #tpu.memory_space<vmem>>, %arg6: memref<2x4x128xi32, #tpu.memory_space<vmem>>, %arg7: memref<448x16xf32, #tpu.memory_space<vmem>>, %arg8: memref<100352x16xf32, #tpu.memory_space<vmem_shared>>, %arg9: memref<!tpu.dma_semaphore, #tpu.memory_space<semaphore_mem>>, %arg10: memref<!tpu.dma_semaphore, #tpu.memory_space<semaphore_mem>>) attributes {dimension_semantics = [#tpu.dimension_semantics<core_parallel>, #tpu.dimension_semantics<subcore_parallel>], iteration_bounds = array<i64: 2, 16>, scalar_prefetch = 0 : i64, scratch_operands = 6 : i64, tpu.core_type = #tpu.core_type<sc_vector_subcore>, window_params = [{transform_indices = #map}, {transform_indices = #map1}, {transform_indices = #map1}]} {
    %mul3A = arith.constant 16 : i32
    %mul3A_0 = arith.muli %arg0, %mul3A : i32
    %add3A = arith.addi %mul3A_0, %arg1 : i32
    %scan3A = arith.constant 0 : i32
    %scan3A_1 = arith.constant 0 : i32
    %scan3A_2 = arith.constant 448 : i32
    %scan3A_3 = arith.addi %scan3A_1, %scan3A_2 : i32
    %scan3A_4 = arith.constant 1 : i32
    scf.for %scan3A_176 = %scan3A_1 to %scan3A_3 step %scan3A_4  : i32 {
      %broadcast_in_dim3A = arith.constant 0.000000e+00 : f32
      %broadcast_in_dim3A_177 = vector.broadcast %broadcast_in_dim3A : f32 to vector<16xf32>
      %swap3A = arith.index_cast %scan3A_176 : i32 to index
      %swap3A_178 = arith.constant 0 : index
      %swap3A_179 = tpu.vector_load %arg7[%swap3A, %swap3A_178] {strides = array<i32>} : memref<448x16xf32, #tpu.memory_space<vmem>>, vector<1x16xf32>,
      %swap3A_180 = vector.shape_cast %swap3A_179 : vector<1x16xf32> to vector<16xf32>
      %swap3A_181 = vector.shape_cast %broadcast_in_dim3A_177 : vector<16xf32> to vector<1x16xf32>
      tpu.vector_store %arg7[%swap3A, %swap3A_178], %swap3A_181 {strides = array<i32>} : memref<448x16xf32, #tpu.memory_space<vmem>>, vector<1x16xf32>,
    }
    %scan3A_5 = arith.constant 448 : i32
    %mul3A_6 = arith.constant 6272 : i32
    %mul3A_7 = arith.muli %arg1, %mul3A_6 : i32
    %add3A_8 = arith.constant 0 : i32
    %add3A_9 = arith.addi %mul3A_7, %add3A_8 : i32
    "tpu.region"() ({
      %run_scoped3A = tpu.sem_alloc : memref<!tpu.dma_semaphore, #tpu.memory_space<semaphore_mem>>
      %dma_start3A = arith.constant 0 : i32
      %dma_start3A_176 = tpu.memref_slice %arg8[%add3A_9, %dma_start3A] : memref<100352x16xf32, #tpu.memory_space<vmem_shared>> -> memref<448x16xf32, #tpu.memory_space<vmem_shared>>
      %dma_start3A_177 = arith.constant 0 : i32
      %dma_start3A_178 = tpu.memref_slice %arg8[%add3A_9, %dma_start3A_177] : memref<100352x16xf32, #tpu.memory_space<vmem_shared>> -> memref<448x16xf32, #tpu.memory_space<vmem_shared>>
      tpu.enqueue_dma source(%arg7 : memref<448x16xf32, #tpu.memory_space<vmem>>) target(%dma_start3A_178 : memref<448x16xf32, #tpu.memory_space<vmem_shared>>) target_semaphore(%run_scoped3A : memref<!tpu.dma_semaphore, #tpu.memory_space<semaphore_mem>>)
      %dma_wait3A = arith.constant 0 : i32
      %dma_wait3A_179 = tpu.memref_slice %arg8[%add3A_9, %dma_wait3A] : memref<100352x16xf32, #tpu.memory_space<vmem_shared>> -> memref<448x16xf32, #tpu.memory_space<vmem_shared>>
      %dma_wait3A_180 = arith.constant 0 : i32
      %dma_wait3A_181 = tpu.memref_slice %arg8[%add3A_9, %dma_wait3A_180] : memref<100352x16xf32, #tpu.memory_space<vmem_shared>> -> memref<448x16xf32, #tpu.memory_space<vmem_shared>>
      tpu.wait_dma2 semaphore(%run_scoped3A : memref<!tpu.dma_semaphore, #tpu.memory_space<semaphore_mem>>) src(%arg7 : memref<448x16xf32, #tpu.memory_space<vmem>>) dst(%dma_wait3A_181 : memref<448x16xf32, #tpu.memory_space<vmem_shared>>)
      tpu.yield
    }) : () -> ()
    %mul3A_10 = arith.constant 6272 : i32
    %mul3A_11 = arith.muli %arg1, %mul3A_10 : i32
    %add3A_12 = arith.constant 448 : i32
    %add3A_13 = arith.addi %mul3A_11, %add3A_12 : i32
    "tpu.region"() ({
      %run_scoped3A = tpu.sem_alloc : memref<!tpu.dma_semaphore, #tpu.memory_space<semaphore_mem>>
      %dma_start3A = arith.constant 0 : i32
      %dma_start3A_176 = tpu.memref_slice %arg8[%add3A_13, %dma_start3A] : memref<100352x16xf32, #tpu.memory_space<vmem_shared>> -> memref<448x16xf32, #tpu.memory_space<vmem_shared>>
      %dma_start3A_177 = arith.constant 0 : i32
      %dma_start3A_178 = tpu.memref_slice %arg8[%add3A_13, %dma_start3A_177] : memref<100352x16xf32, #tpu.memory_space<vmem_shared>> -> memref<448x16xf32, #tpu.memory_space<vmem_shared>>
      tpu.enqueue_dma source(%arg7 : memref<448x16xf32, #tpu.memory_space<vmem>>) target(%dma_start3A_178 : memref<448x16xf32, #tpu.memory_space<vmem_shared>>) target_semaphore(%run_scoped3A : memref<!tpu.dma_semaphore, #tpu.memory_space<semaphore_mem>>)
      %dma_wait3A = arith.constant 0 : i32
      %dma_wait3A_179 = tpu.memref_slice %arg8[%add3A_13, %dma_wait3A] : memref<100352x16xf32, #tpu.memory_space<vmem_shared>> -> memref<448x16xf32, #tpu.memory_space<vmem_shared>>
      %dma_wait3A_180 = arith.constant 0 : i32
      %dma_wait3A_181 = tpu.memref_slice %arg8[%add3A_13, %dma_wait3A_180] : memref<100352x16xf32, #tpu.memory_space<vmem_shared>> -> memref<448x16xf32, #tpu.memory_space<vmem_shared>>
      tpu.wait_dma2 semaphore(%run_scoped3A : memref<!tpu.dma_semaphore, #tpu.memory_space<semaphore_mem>>) src(%arg7 : memref<448x16xf32, #tpu.memory_space<vmem>>) dst(%dma_wait3A_181 : memref<448x16xf32, #tpu.memory_space<vmem_shared>>)
      tpu.yield
    }) : () -> ()
    %mul3A_14 = arith.constant 6272 : i32
    %mul3A_15 = arith.muli %arg1, %mul3A_14 : i32
    %add3A_16 = arith.constant 896 : i32
    %add3A_17 = arith.addi %mul3A_15, %add3A_16 : i32
    "tpu.region"() ({
      %run_scoped3A = tpu.sem_alloc : memref<!tpu.dma_semaphore, #tpu.memory_space<semaphore_mem>>
      %dma_start3A = arith.constant 0 : i32
      %dma_start3A_176 = tpu.memref_slice %arg8[%add3A_17, %dma_start3A] : memref<100352x16xf32, #tpu.memory_space<vmem_shared>> -> memref<448x16xf32, #tpu.memory_space<vmem_shared>>
      %dma_start3A_177 = arith.constant 0 : i32
      %dma_start3A_178 = tpu.memref_slice %arg8[%add3A_17, %dma_start3A_177] : memref<100352x16xf32, #tpu.memory_space<vmem_shared>> -> memref<448x16xf32, #tpu.memory_space<vmem_shared>>
      tpu.enqueue_dma source(%arg7 : memref<448x16xf32, #tpu.memory_space<vmem>>) target(%dma_start3A_178 : memref<448x16xf32, #tpu.memory_space<vmem_shared>>) target_semaphore(%run_scoped3A : memref<!tpu.dma_semaphore, #tpu.memory_space<semaphore_mem>>)
      %dma_wait3A = arith.constant 0 : i32
      %dma_wait3A_179 = tpu.memref_slice %arg8[%add3A_17, %dma_wait3A] : memref<100352x16xf32, #tpu.memory_space<vmem_shared>> -> memref<448x16xf32, #tpu.memory_space<vmem_shared>>
      %dma_wait3A_180 = arith.constant 0 : i32
      %dma_wait3A_181 = tpu.memref_slice %arg8[%add3A_17, %dma_wait3A_180] : memref<100352x16xf32, #tpu.memory_space<vmem_shared>> -> memref<448x16xf32, #tpu.memory_space<vmem_shared>>
      tpu.wait_dma2 semaphore(%run_scoped3A : memref<!tpu.dma_semaphore, #tpu.memory_space<semaphore_mem>>) src(%arg7 : memref<448x16xf32, #tpu.memory_space<vmem>>) dst(%dma_wait3A_181 : memref<448x16xf32, #tpu.memory_space<vmem_shared>>)
      tpu.yield
    }) : () -> ()
    %mul3A_18 = arith.constant 6272 : i32
    %mul3A_19 = arith.muli %arg1, %mul3A_18 : i32
    %add3A_20 = arith.constant 1344 : i32
    %add3A_21 = arith.addi %mul3A_19, %add3A_20 : i32
    "tpu.region"() ({
      %run_scoped3A = tpu.sem_alloc : memref<!tpu.dma_semaphore, #tpu.memory_space<semaphore_mem>>
      %dma_start3A = arith.constant 0 : i32
      %dma_start3A_176 = tpu.memref_slice %arg8[%add3A_21, %dma_start3A] : memref<100352x16xf32, #tpu.memory_space<vmem_shared>> -> memref<448x16xf32, #tpu.memory_space<vmem_shared>>
      %dma_start3A_177 = arith.constant 0 : i32
      %dma_start3A_178 = tpu.memref_slice %arg8[%add3A_21, %dma_start3A_177] : memref<100352x16xf32, #tpu.memory_space<vmem_shared>> -> memref<448x16xf32, #tpu.memory_space<vmem_shared>>
      tpu.enqueue_dma source(%arg7 : memref<448x16xf32, #tpu.memory_space<vmem>>) target(%dma_start3A_178 : memref<448x16xf32, #tpu.memory_space<vmem_shared>>) target_semaphore(%run_scoped3A : memref<!tpu.dma_semaphore, #tpu.memory_space<semaphore_mem>>)
      %dma_wait3A = arith.constant 0 : i32
      %dma_wait3A_179 = tpu.memref_slice %arg8[%add3A_21, %dma_wait3A] : memref<100352x16xf32, #tpu.memory_space<vmem_shared>> -> memref<448x16xf32, #tpu.memory_space<vmem_shared>>
      %dma_wait3A_180 = arith.constant 0 : i32
      %dma_wait3A_181 = tpu.memref_slice %arg8[%add3A_21, %dma_wait3A_180] : memref<100352x16xf32, #tpu.memory_space<vmem_shared>> -> memref<448x16xf32, #tpu.memory_space<vmem_shared>>
      tpu.wait_dma2 semaphore(%run_scoped3A : memref<!tpu.dma_semaphore, #tpu.memory_space<semaphore_mem>>) src(%arg7 : memref<448x16xf32, #tpu.memory_space<vmem>>) dst(%dma_wait3A_181 : memref<448x16xf32, #tpu.memory_space<vmem_shared>>)
      tpu.yield
    }) : () -> ()
    %mul3A_22 = arith.constant 6272 : i32
    %mul3A_23 = arith.muli %arg1, %mul3A_22 : i32
    %add3A_24 = arith.constant 1792 : i32
    %add3A_25 = arith.addi %mul3A_23, %add3A_24 : i32
    "tpu.region"() ({
      %run_scoped3A = tpu.sem_alloc : memref<!tpu.dma_semaphore, #tpu.memory_space<semaphore_mem>>
      %dma_start3A = arith.constant 0 : i32
      %dma_start3A_176 = tpu.memref_slice %arg8[%add3A_25, %dma_start3A] : memref<100352x16xf32, #tpu.memory_space<vmem_shared>> -> memref<448x16xf32, #tpu.memory_space<vmem_shared>>
      %dma_start3A_177 = arith.constant 0 : i32
      %dma_start3A_178 = tpu.memref_slice %arg8[%add3A_25, %dma_start3A_177] : memref<100352x16xf32, #tpu.memory_space<vmem_shared>> -> memref<448x16xf32, #tpu.memory_space<vmem_shared>>
      tpu.enqueue_dma source(%arg7 : memref<448x16xf32, #tpu.memory_space<vmem>>) target(%dma_start3A_178 : memref<448x16xf32, #tpu.memory_space<vmem_shared>>) target_semaphore(%run_scoped3A : memref<!tpu.dma_semaphore, #tpu.memory_space<semaphore_mem>>)
      %dma_wait3A = arith.constant 0 : i32
      %dma_wait3A_179 = tpu.memref_slice %arg8[%add3A_25, %dma_wait3A] : memref<100352x16xf32, #tpu.memory_space<vmem_shared>> -> memref<448x16xf32, #tpu.memory_space<vmem_shared>>
      %dma_wait3A_180 = arith.constant 0 : i32
      %dma_wait3A_181 = tpu.memref_slice %arg8[%add3A_25, %dma_wait3A_180] : memref<100352x16xf32, #tpu.memory_space<vmem_shared>> -> memref<448x16xf32, #tpu.memory_space<vmem_shared>>
      tpu.wait_dma2 semaphore(%run_scoped3A : memref<!tpu.dma_semaphore, #tpu.memory_space<semaphore_mem>>) src(%arg7 : memref<448x16xf32, #tpu.memory_space<vmem>>) dst(%dma_wait3A_181 : memref<448x16xf32, #tpu.memory_space<vmem_shared>>)
      tpu.yield
    }) : () -> ()
    %mul3A_26 = arith.constant 6272 : i32
    %mul3A_27 = arith.muli %arg1, %mul3A_26 : i32
    %add3A_28 = arith.constant 2240 : i32
    %add3A_29 = arith.addi %mul3A_27, %add3A_28 : i32
    "tpu.region"() ({
      %run_scoped3A = tpu.sem_alloc : memref<!tpu.dma_semaphore, #tpu.memory_space<semaphore_mem>>
      %dma_start3A = arith.constant 0 : i32
      %dma_start3A_176 = tpu.memref_slice %arg8[%add3A_29, %dma_start3A] : memref<100352x16xf32, #tpu.memory_space<vmem_shared>> -> memref<448x16xf32, #tpu.memory_space<vmem_shared>>
      %dma_start3A_177 = arith.constant 0 : i32
      %dma_start3A_178 = tpu.memref_slice %arg8[%add3A_29, %dma_start3A_177] : memref<100352x16xf32, #tpu.memory_space<vmem_shared>> -> memref<448x16xf32, #tpu.memory_space<vmem_shared>>
      tpu.enqueue_dma source(%arg7 : memref<448x16xf32, #tpu.memory_space<vmem>>) target(%dma_start3A_178 : memref<448x16xf32, #tpu.memory_space<vmem_shared>>) target_semaphore(%run_scoped3A : memref<!tpu.dma_semaphore, #tpu.memory_space<semaphore_mem>>)
      %dma_wait3A = arith.constant 0 : i32
      %dma_wait3A_179 = tpu.memref_slice %arg8[%add3A_29, %dma_wait3A] : memref<100352x16xf32, #tpu.memory_space<vmem_shared>> -> memref<448x16xf32, #tpu.memory_space<vmem_shared>>
      %dma_wait3A_180 = arith.constant 0 : i32
      %dma_wait3A_181 = tpu.memref_slice %arg8[%add3A_29, %dma_wait3A_180] : memref<100352x16xf32, #tpu.memory_space<vmem_shared>> -> memref<448x16xf32, #tpu.memory_space<vmem_shared>>
      tpu.wait_dma2 semaphore(%run_scoped3A : memref<!tpu.dma_semaphore, #tpu.memory_space<semaphore_mem>>) src(%arg7 : memref<448x16xf32, #tpu.memory_space<vmem>>) dst(%dma_wait3A_181 : memref<448x16xf32, #tpu.memory_space<vmem_shared>>)
      tpu.yield
    }) : () -> ()
    %mul3A_30 = arith.constant 6272 : i32
    %mul3A_31 = arith.muli %arg1, %mul3A_30 : i32
    %add3A_32 = arith.constant 2688 : i32
    %add3A_33 = arith.addi %mul3A_31, %add3A_32 : i32
    "tpu.region"() ({
      %run_scoped3A = tpu.sem_alloc : memref<!tpu.dma_semaphore, #tpu.memory_space<semaphore_mem>>
      %dma_start3A = arith.constant 0 : i32
      %dma_start3A_176 = tpu.memref_slice %arg8[%add3A_33, %dma_start3A] : memref<100352x16xf32, #tpu.memory_space<vmem_shared>> -> memref<448x16xf32, #tpu.memory_space<vmem_shared>>
      %dma_start3A_177 = arith.constant 0 : i32
      %dma_start3A_178 = tpu.memref_slice %arg8[%add3A_33, %dma_start3A_177] : memref<100352x16xf32, #tpu.memory_space<vmem_shared>> -> memref<448x16xf32, #tpu.memory_space<vmem_shared>>
      tpu.enqueue_dma source(%arg7 : memref<448x16xf32, #tpu.memory_space<vmem>>) target(%dma_start3A_178 : memref<448x16xf32, #tpu.memory_space<vmem_shared>>) target_semaphore(%run_scoped3A : memref<!tpu.dma_semaphore, #tpu.memory_space<semaphore_mem>>)
      %dma_wait3A = arith.constant 0 : i32
      %dma_wait3A_179 = tpu.memref_slice %arg8[%add3A_33, %dma_wait3A] : memref<100352x16xf32, #tpu.memory_space<vmem_shared>> -> memref<448x16xf32, #tpu.memory_space<vmem_shared>>
      %dma_wait3A_180 = arith.constant 0 : i32
      %dma_wait3A_181 = tpu.memref_slice %arg8[%add3A_33, %dma_wait3A_180] : memref<100352x16xf32, #tpu.memory_space<vmem_shared>> -> memref<448x16xf32, #tpu.memory_space<vmem_shared>>
      tpu.wait_dma2 semaphore(%run_scoped3A : memref<!tpu.dma_semaphore, #tpu.memory_space<semaphore_mem>>) src(%arg7 : memref<448x16xf32, #tpu.memory_space<vmem>>) dst(%dma_wait3A_181 : memref<448x16xf32, #tpu.memory_space<vmem_shared>>)
      tpu.yield
    }) : () -> ()
    %mul3A_34 = arith.constant 6272 : i32
    %mul3A_35 = arith.muli %arg1, %mul3A_34 : i32
    %add3A_36 = arith.constant 3136 : i32
    %add3A_37 = arith.addi %mul3A_35, %add3A_36 : i32
    "tpu.region"() ({
      %run_scoped3A = tpu.sem_alloc : memref<!tpu.dma_semaphore, #tpu.memory_space<semaphore_mem>>
      %dma_start3A = arith.constant 0 : i32
      %dma_start3A_176 = tpu.memref_slice %arg8[%add3A_37, %dma_start3A] : memref<100352x16xf32, #tpu.memory_space<vmem_shared>> -> memref<448x16xf32, #tpu.memory_space<vmem_shared>>
      %dma_start3A_177 = arith.constant 0 : i32
      %dma_start3A_178 = tpu.memref_slice %arg8[%add3A_37, %dma_start3A_177] : memref<100352x16xf32, #tpu.memory_space<vmem_shared>> -> memref<448x16xf32, #tpu.memory_space<vmem_shared>>
      tpu.enqueue_dma source(%arg7 : memref<448x16xf32, #tpu.memory_space<vmem>>) target(%dma_start3A_178 : memref<448x16xf32, #tpu.memory_space<vmem_shared>>) target_semaphore(%run_scoped3A : memref<!tpu.dma_semaphore, #tpu.memory_space<semaphore_mem>>)
      %dma_wait3A = arith.constant 0 : i32
      %dma_wait3A_179 = tpu.memref_slice %arg8[%add3A_37, %dma_wait3A] : memref<100352x16xf32, #tpu.memory_space<vmem_shared>> -> memref<448x16xf32, #tpu.memory_space<vmem_shared>>
      %dma_wait3A_180 = arith.constant 0 : i32
      %dma_wait3A_181 = tpu.memref_slice %arg8[%add3A_37, %dma_wait3A_180] : memref<100352x16xf32, #tpu.memory_space<vmem_shared>> -> memref<448x16xf32, #tpu.memory_space<vmem_shared>>
      tpu.wait_dma2 semaphore(%run_scoped3A : memref<!tpu.dma_semaphore, #tpu.memory_space<semaphore_mem>>) src(%arg7 : memref<448x16xf32, #tpu.memory_space<vmem>>) dst(%dma_wait3A_181 : memref<448x16xf32, #tpu.memory_space<vmem_shared>>)
      tpu.yield
    }) : () -> ()
    %mul3A_38 = arith.constant 6272 : i32
    %mul3A_39 = arith.muli %arg1, %mul3A_38 : i32
    %add3A_40 = arith.constant 3584 : i32
    %add3A_41 = arith.addi %mul3A_39, %add3A_40 : i32
    "tpu.region"() ({
      %run_scoped3A = tpu.sem_alloc : memref<!tpu.dma_semaphore, #tpu.memory_space<semaphore_mem>>
      %dma_start3A = arith.constant 0 : i32
      %dma_start3A_176 = tpu.memref_slice %arg8[%add3A_41, %dma_start3A] : memref<100352x16xf32, #tpu.memory_space<vmem_shared>> -> memref<448x16xf32, #tpu.memory_space<vmem_shared>>
      %dma_start3A_177 = arith.constant 0 : i32
      %dma_start3A_178 = tpu.memref_slice %arg8[%add3A_41, %dma_start3A_177] : memref<100352x16xf32, #tpu.memory_space<vmem_shared>> -> memref<448x16xf32, #tpu.memory_space<vmem_shared>>
      tpu.enqueue_dma source(%arg7 : memref<448x16xf32, #tpu.memory_space<vmem>>) target(%dma_start3A_178 : memref<448x16xf32, #tpu.memory_space<vmem_shared>>) target_semaphore(%run_scoped3A : memref<!tpu.dma_semaphore, #tpu.memory_space<semaphore_mem>>)
      %dma_wait3A = arith.constant 0 : i32
      %dma_wait3A_179 = tpu.memref_slice %arg8[%add3A_41, %dma_wait3A] : memref<100352x16xf32, #tpu.memory_space<vmem_shared>> -> memref<448x16xf32, #tpu.memory_space<vmem_shared>>
      %dma_wait3A_180 = arith.constant 0 : i32
      %dma_wait3A_181 = tpu.memref_slice %arg8[%add3A_41, %dma_wait3A_180] : memref<100352x16xf32, #tpu.memory_space<vmem_shared>> -> memref<448x16xf32, #tpu.memory_space<vmem_shared>>
      tpu.wait_dma2 semaphore(%run_scoped3A : memref<!tpu.dma_semaphore, #tpu.memory_space<semaphore_mem>>) src(%arg7 : memref<448x16xf32, #tpu.memory_space<vmem>>) dst(%dma_wait3A_181 : memref<448x16xf32, #tpu.memory_space<vmem_shared>>)
      tpu.yield
    }) : () -> ()
    %mul3A_42 = arith.constant 6272 : i32
    %mul3A_43 = arith.muli %arg1, %mul3A_42 : i32
    %add3A_44 = arith.constant 4032 : i32
    %add3A_45 = arith.addi %mul3A_43, %add3A_44 : i32
    "tpu.region"() ({
      %run_scoped3A = tpu.sem_alloc : memref<!tpu.dma_semaphore, #tpu.memory_space<semaphore_mem>>
      %dma_start3A = arith.constant 0 : i32
      %dma_start3A_176 = tpu.memref_slice %arg8[%add3A_45, %dma_start3A] : memref<100352x16xf32, #tpu.memory_space<vmem_shared>> -> memref<448x16xf32, #tpu.memory_space<vmem_shared>>
      %dma_start3A_177 = arith.constant 0 : i32
      %dma_start3A_178 = tpu.memref_slice %arg8[%add3A_45, %dma_start3A_177] : memref<100352x16xf32, #tpu.memory_space<vmem_shared>> -> memref<448x16xf32, #tpu.memory_space<vmem_shared>>
      tpu.enqueue_dma source(%arg7 : memref<448x16xf32, #tpu.memory_space<vmem>>) target(%dma_start3A_178 : memref<448x16xf32, #tpu.memory_space<vmem_shared>>) target_semaphore(%run_scoped3A : memref<!tpu.dma_semaphore, #tpu.memory_space<semaphore_mem>>)
      %dma_wait3A = arith.constant 0 : i32
      %dma_wait3A_179 = tpu.memref_slice %arg8[%add3A_45, %dma_wait3A] : memref<100352x16xf32, #tpu.memory_space<vmem_shared>> -> memref<448x16xf32, #tpu.memory_space<vmem_shared>>
      %dma_wait3A_180 = arith.constant 0 : i32
      %dma_wait3A_181 = tpu.memref_slice %arg8[%add3A_45, %dma_wait3A_180] : memref<100352x16xf32, #tpu.memory_space<vmem_shared>> -> memref<448x16xf32, #tpu.memory_space<vmem_shared>>
      tpu.wait_dma2 semaphore(%run_scoped3A : memref<!tpu.dma_semaphore, #tpu.memory_space<semaphore_mem>>) src(%arg7 : memref<448x16xf32, #tpu.memory_space<vmem>>) dst(%dma_wait3A_181 : memref<448x16xf32, #tpu.memory_space<vmem_shared>>)
      tpu.yield
    }) : () -> ()
    %mul3A_46 = arith.constant 6272 : i32
    %mul3A_47 = arith.muli %arg1, %mul3A_46 : i32
    %add3A_48 = arith.constant 4480 : i32
    %add3A_49 = arith.addi %mul3A_47, %add3A_48 : i32
    "tpu.region"() ({
      %run_scoped3A = tpu.sem_alloc : memref<!tpu.dma_semaphore, #tpu.memory_space<semaphore_mem>>
      %dma_start3A = arith.constant 0 : i32
      %dma_start3A_176 = tpu.memref_slice %arg8[%add3A_49, %dma_start3A] : memref<100352x16xf32, #tpu.memory_space<vmem_shared>> -> memref<448x16xf32, #tpu.memory_space<vmem_shared>>
      %dma_start3A_177 = arith.constant 0 : i32
      %dma_start3A_178 = tpu.memref_slice %arg8[%add3A_49, %dma_start3A_177] : memref<100352x16xf32, #tpu.memory_space<vmem_shared>> -> memref<448x16xf32, #tpu.memory_space<vmem_shared>>
      tpu.enqueue_dma source(%arg7 : memref<448x16xf32, #tpu.memory_space<vmem>>) target(%dma_start3A_178 : memref<448x16xf32, #tpu.memory_space<vmem_shared>>) target_semaphore(%run_scoped3A : memref<!tpu.dma_semaphore, #tpu.memory_space<semaphore_mem>>)
      %dma_wait3A = arith.constant 0 : i32
      %dma_wait3A_179 = tpu.memref_slice %arg8[%add3A_49, %dma_wait3A] : memref<100352x16xf32, #tpu.memory_space<vmem_shared>> -> memref<448x16xf32, #tpu.memory_space<vmem_shared>>
      %dma_wait3A_180 = arith.constant 0 : i32
      %dma_wait3A_181 = tpu.memref_slice %arg8[%add3A_49, %dma_wait3A_180] : memref<100352x16xf32, #tpu.memory_space<vmem_shared>> -> memref<448x16xf32, #tpu.memory_space<vmem_shared>>
      tpu.wait_dma2 semaphore(%run_scoped3A : memref<!tpu.dma_semaphore, #tpu.memory_space<semaphore_mem>>) src(%arg7 : memref<448x16xf32, #tpu.memory_space<vmem>>) dst(%dma_wait3A_181 : memref<448x16xf32, #tpu.memory_space<vmem_shared>>)
      tpu.yield
    }) : () -> ()
    %mul3A_50 = arith.constant 6272 : i32
    %mul3A_51 = arith.muli %arg1, %mul3A_50 : i32
    %add3A_52 = arith.constant 4928 : i32
    %add3A_53 = arith.addi %mul3A_51, %add3A_52 : i32
    "tpu.region"() ({
      %run_scoped3A = tpu.sem_alloc : memref<!tpu.dma_semaphore, #tpu.memory_space<semaphore_mem>>
      %dma_start3A = arith.constant 0 : i32
      %dma_start3A_176 = tpu.memref_slice %arg8[%add3A_53, %dma_start3A] : memref<100352x16xf32, #tpu.memory_space<vmem_shared>> -> memref<448x16xf32, #tpu.memory_space<vmem_shared>>
      %dma_start3A_177 = arith.constant 0 : i32
      %dma_start3A_178 = tpu.memref_slice %arg8[%add3A_53, %dma_start3A_177] : memref<100352x16xf32, #tpu.memory_space<vmem_shared>> -> memref<448x16xf32, #tpu.memory_space<vmem_shared>>
      tpu.enqueue_dma source(%arg7 : memref<448x16xf32, #tpu.memory_space<vmem>>) target(%dma_start3A_178 : memref<448x16xf32, #tpu.memory_space<vmem_shared>>) target_semaphore(%run_scoped3A : memref<!tpu.dma_semaphore, #tpu.memory_space<semaphore_mem>>)
      %dma_wait3A = arith.constant 0 : i32
      %dma_wait3A_179 = tpu.memref_slice %arg8[%add3A_53, %dma_wait3A] : memref<100352x16xf32, #tpu.memory_space<vmem_shared>> -> memref<448x16xf32, #tpu.memory_space<vmem_shared>>
      %dma_wait3A_180 = arith.constant 0 : i32
      %dma_wait3A_181 = tpu.memref_slice %arg8[%add3A_53, %dma_wait3A_180] : memref<100352x16xf32, #tpu.memory_space<vmem_shared>> -> memref<448x16xf32, #tpu.memory_space<vmem_shared>>
      tpu.wait_dma2 semaphore(%run_scoped3A : memref<!tpu.dma_semaphore, #tpu.memory_space<semaphore_mem>>) src(%arg7 : memref<448x16xf32, #tpu.memory_space<vmem>>) dst(%dma_wait3A_181 : memref<448x16xf32, #tpu.memory_space<vmem_shared>>)
      tpu.yield
    }) : () -> ()
    %mul3A_54 = arith.constant 6272 : i32
    %mul3A_55 = arith.muli %arg1, %mul3A_54 : i32
    %add3A_56 = arith.constant 5376 : i32
    %add3A_57 = arith.addi %mul3A_55, %add3A_56 : i32
    "tpu.region"() ({
      %run_scoped3A = tpu.sem_alloc : memref<!tpu.dma_semaphore, #tpu.memory_space<semaphore_mem>>
      %dma_start3A = arith.constant 0 : i32
      %dma_start3A_176 = tpu.memref_slice %arg8[%add3A_57, %dma_start3A] : memref<100352x16xf32, #tpu.memory_space<vmem_shared>> -> memref<448x16xf32, #tpu.memory_space<vmem_shared>>
      %dma_start3A_177 = arith.constant 0 : i32
      %dma_start3A_178 = tpu.memref_slice %arg8[%add3A_57, %dma_start3A_177] : memref<100352x16xf32, #tpu.memory_space<vmem_shared>> -> memref<448x16xf32, #tpu.memory_space<vmem_shared>>
      tpu.enqueue_dma source(%arg7 : memref<448x16xf32, #tpu.memory_space<vmem>>) target(%dma_start3A_178 : memref<448x16xf32, #tpu.memory_space<vmem_shared>>) target_semaphore(%run_scoped3A : memref<!tpu.dma_semaphore, #tpu.memory_space<semaphore_mem>>)
      %dma_wait3A = arith.constant 0 : i32
      %dma_wait3A_179 = tpu.memref_slice %arg8[%add3A_57, %dma_wait3A] : memref<100352x16xf32, #tpu.memory_space<vmem_shared>> -> memref<448x16xf32, #tpu.memory_space<vmem_shared>>
      %dma_wait3A_180 = arith.constant 0 : i32
      %dma_wait3A_181 = tpu.memref_slice %arg8[%add3A_57, %dma_wait3A_180] : memref<100352x16xf32, #tpu.memory_space<vmem_shared>> -> memref<448x16xf32, #tpu.memory_space<vmem_shared>>
      tpu.wait_dma2 semaphore(%run_scoped3A : memref<!tpu.dma_semaphore, #tpu.memory_space<semaphore_mem>>) src(%arg7 : memref<448x16xf32, #tpu.memory_space<vmem>>) dst(%dma_wait3A_181 : memref<448x16xf32, #tpu.memory_space<vmem_shared>>)
      tpu.yield
    }) : () -> ()
    %mul3A_58 = arith.constant 6272 : i32
    %mul3A_59 = arith.muli %arg1, %mul3A_58 : i32
    %add3A_60 = arith.constant 5824 : i32
    %add3A_61 = arith.addi %mul3A_59, %add3A_60 : i32
    "tpu.region"() ({
      %run_scoped3A = tpu.sem_alloc : memref<!tpu.dma_semaphore, #tpu.memory_space<semaphore_mem>>
      %dma_start3A = arith.constant 0 : i32
      %dma_start3A_176 = tpu.memref_slice %arg8[%add3A_61, %dma_start3A] : memref<100352x16xf32, #tpu.memory_space<vmem_shared>> -> memref<448x16xf32, #tpu.memory_space<vmem_shared>>
      %dma_start3A_177 = arith.constant 0 : i32
      %dma_start3A_178 = tpu.memref_slice %arg8[%add3A_61, %dma_start3A_177] : memref<100352x16xf32, #tpu.memory_space<vmem_shared>> -> memref<448x16xf32, #tpu.memory_space<vmem_shared>>
      tpu.enqueue_dma source(%arg7 : memref<448x16xf32, #tpu.memory_space<vmem>>) target(%dma_start3A_178 : memref<448x16xf32, #tpu.memory_space<vmem_shared>>) target_semaphore(%run_scoped3A : memref<!tpu.dma_semaphore, #tpu.memory_space<semaphore_mem>>)
      %dma_wait3A = arith.constant 0 : i32
      %dma_wait3A_179 = tpu.memref_slice %arg8[%add3A_61, %dma_wait3A] : memref<100352x16xf32, #tpu.memory_space<vmem_shared>> -> memref<448x16xf32, #tpu.memory_space<vmem_shared>>
      %dma_wait3A_180 = arith.constant 0 : i32
      %dma_wait3A_181 = tpu.memref_slice %arg8[%add3A_61, %dma_wait3A_180] : memref<100352x16xf32, #tpu.memory_space<vmem_shared>> -> memref<448x16xf32, #tpu.memory_space<vmem_shared>>
      tpu.wait_dma2 semaphore(%run_scoped3A : memref<!tpu.dma_semaphore, #tpu.memory_space<semaphore_mem>>) src(%arg7 : memref<448x16xf32, #tpu.memory_space<vmem>>) dst(%dma_wait3A_181 : memref<448x16xf32, #tpu.memory_space<vmem_shared>>)
      tpu.yield
    }) : () -> ()
    %barrier3A = arith.constant 0 : index
    tpu.barrier barrier_id(%barrier3A)
    %lt3A = arith.constant 10 : i32
    %lt3A_62 = arith.cmpi slt, %add3A, %lt3A : i32
    %jit3A = arith.constant 1 : i32
    %jit3A_63 = arith.constant 0 : i32
    %select_n3A = arith.select %lt3A_62, %jit3A, %jit3A_63 : i32
    %add3A_64 = arith.constant 195 : i32
    %add3A_65 = arith.addi %add3A_64, %select_n3A : i32
    %mul3A_66 = arith.constant 195 : i32
    %mul3A_67 = arith.muli %mul3A_66, %add3A : i32
    %min3A = arith.constant 10 : i32
    %min3A_68 = arith.minsi %add3A, %min3A : i32
    %add3A_69 = arith.addi %mul3A_67, %min3A_68 : i32
    %gt3A = arith.constant 0 : i32
    %gt3A_70 = arith.cmpi sgt, %add3A_65, %gt3A : i32
    %convert_element_type3A = arith.extui %gt3A_70 : i1 to i32
    %cond3A = arith.constant 0 : i32
    %cond3A_71 = arith.cmpi ne, %convert_element_type3A, %cond3A : i32
    scf.if %cond3A_71 {
      %add3A_176 = arith.constant 0 : i32
      %add3A_177 = arith.addi %add3A_69, %add3A_176 : i32
      %mul3A_178 = arith.constant 4 : i32
      %mul3A_179 = arith.muli %add3A_177, %mul3A_178 : i32
      %dma_start3A = arith.constant 0 : i32
      %dma_start3A_180 = arith.constant 0 : i32
      %dma_start3A_181 = arith.constant 0 : i32
      %dma_start3A_182 = arith.constant 0 : i32
      %dma_start3A_183 = tpu.memref_slice %arg5[%dma_start3A, %dma_start3A_180, %dma_start3A_181, %dma_start3A_182] : memref<2x4x128x16xf32, #tpu.memory_space<vmem>> -> memref<1x4x128x16xf32, #tpu.memory_space<vmem>>
      %dma_start3A_184 = tpu.memref_squeeze %dma_start3A_183 : memref<1x4x128x16xf32, #tpu.memory_space<vmem>> -> memref<4x128x16xf32, #tpu.memory_space<vmem>>
      %dma_start3A_185 = arith.constant 0 : i32
      %dma_start3A_186 = arith.constant 0 : i32
      %dma_start3A_187 = tpu.memref_slice %arg2[%mul3A_179, %dma_start3A_185, %dma_start3A_186] : memref<25000x128x16xf32, #tpu.memory_space<hbm>> -> memref<4x128x16xf32, #tpu.memory_space<hbm>>
      %dma_start3A_188 = arith.constant 0 : i32
      %dma_start3A_189 = arith.constant 0 : i32
      %dma_start3A_190 = arith.constant 0 : i32
      %dma_start3A_191 = tpu.memref_slice %arg5[%dma_start3A, %dma_start3A_188, %dma_start3A_189, %dma_start3A_190] : memref<2x4x128x16xf32, #tpu.memory_space<vmem>> -> memref<1x4x128x16xf32, #tpu.memory_space<vmem>>
      %dma_start3A_192 = tpu.memref_squeeze %dma_start3A_191 : memref<1x4x128x16xf32, #tpu.memory_space<vmem>> -> memref<4x128x16xf32, #tpu.memory_space<vmem>>
      %dma_start3A_193 = arith.constant 0 : i32
      %dma_start3A_194 = arith.constant 0 : i32
      %dma_start3A_195 = tpu.memref_slice %arg2[%mul3A_179, %dma_start3A_193, %dma_start3A_194] : memref<25000x128x16xf32, #tpu.memory_space<hbm>> -> memref<4x128x16xf32, #tpu.memory_space<hbm>>
      tpu.enqueue_dma source(%dma_start3A_195 : memref<4x128x16xf32, #tpu.memory_space<hbm>>) target(%dma_start3A_192 : memref<4x128x16xf32, #tpu.memory_space<vmem>>) target_semaphore(%arg9 : memref<!tpu.dma_semaphore, #tpu.memory_space<semaphore_mem>>)
      %dma_start3A_196 = arith.constant 0 : i32
      %dma_start3A_197 = arith.constant 0 : i32
      %dma_start3A_198 = arith.constant 0 : i32
      %dma_start3A_199 = tpu.memref_slice %arg6[%dma_start3A_196, %dma_start3A_197, %dma_start3A_198] : memref<2x4x128xi32, #tpu.memory_space<vmem>> -> memref<1x4x128xi32, #tpu.memory_space<vmem>>
      %dma_start3A_200 = tpu.memref_squeeze %dma_start3A_199 : memref<1x4x128xi32, #tpu.memory_space<vmem>> -> memref<4x128xi32, #tpu.memory_space<vmem>>
      %dma_start3A_201 = arith.constant 0 : i32
      %dma_start3A_202 = tpu.memref_slice %arg3[%mul3A_179, %dma_start3A_201] : memref<25000x128xi32, #tpu.memory_space<hbm>> -> memref<4x128xi32, #tpu.memory_space<hbm>>
      %dma_start3A_203 = arith.constant 0 : i32
      %dma_start3A_204 = arith.constant 0 : i32
      %dma_start3A_205 = tpu.memref_slice %arg6[%dma_start3A_196, %dma_start3A_203, %dma_start3A_204] : memref<2x4x128xi32, #tpu.memory_space<vmem>> -> memref<1x4x128xi32, #tpu.memory_space<vmem>>
      %dma_start3A_206 = tpu.memref_squeeze %dma_start3A_205 : memref<1x4x128xi32, #tpu.memory_space<vmem>> -> memref<4x128xi32, #tpu.memory_space<vmem>>
      %dma_start3A_207 = arith.constant 0 : i32
      %dma_start3A_208 = tpu.memref_slice %arg3[%mul3A_179, %dma_start3A_207] : memref<25000x128xi32, #tpu.memory_space<hbm>> -> memref<4x128xi32, #tpu.memory_space<hbm>>
      tpu.enqueue_dma source(%dma_start3A_208 : memref<4x128xi32, #tpu.memory_space<hbm>>) target(%dma_start3A_206 : memref<4x128xi32, #tpu.memory_space<vmem>>) target_semaphore(%arg9 : memref<!tpu.dma_semaphore, #tpu.memory_space<semaphore_mem>>)
    } else {
    }
    %while3A = arith.constant 0 : i32
    %while3A_72 = arith.constant 0 : i32
    %while3A_73 = arith.subi %add3A_65, %while3A_72 : i32
    %while3A_74 = arith.addi %while3A_72, %while3A_73 : i32
    %while3A_75 = arith.constant 1 : i32
    %while3A_76 = arith.divsi %while3A_73, %while3A_75 : i32
    %while3A_77 = arith.muli %while3A_76, %while3A_75 : i32
    %while3A_78 = arith.addi %while3A_72, %while3A_77 : i32
    %while3A_79 = arith.constant 1 : i32
    scf.for %while3A_176 = %while3A_72 to %while3A_78 step %while3A_79  : i32 {
      %rem3A = arith.constant 2 : i32
      %rem3A_177 = arith.remsi %while3A_176, %rem3A : i32
      %add3A_178 = arith.constant 1 : i32
      %add3A_179 = arith.addi %while3A_176, %add3A_178 : i32
      %rem3A_180 = arith.constant 2 : i32
      %rem3A_181 = arith.remsi %add3A_179, %rem3A_180 : i32
      %gt3A_182 = arith.constant 0 : i32
      %gt3A_183 = arith.cmpi sgt, %while3A_176, %gt3A_182 : i32
      %convert_element_type3A_184 = arith.extui %gt3A_183 : i1 to i32
      %cond3A_185 = arith.constant 0 : i32
      %cond3A_186 = arith.cmpi ne, %convert_element_type3A_184, %cond3A_185 : i32
      scf.if %cond3A_186 {
        %dma_wait3A_307 = arith.constant 0 : i32
        %dma_wait3A_308 = arith.constant 0 : i32
        %dma_wait3A_309 = arith.constant 0 : i32
        %dma_wait3A_310 = arith.constant 0 : i32
        %dma_wait3A_311 = arith.constant 0 : i32
        %dma_wait3A_312 = tpu.memref_slice %arg5[%rem3A_181, %dma_wait3A_309, %dma_wait3A_310, %dma_wait3A_311] : memref<2x4x128x16xf32, #tpu.memory_space<vmem>> -> memref<1x4x128x16xf32, #tpu.memory_space<vmem>>
        %dma_wait3A_313 = tpu.memref_squeeze %dma_wait3A_312 : memref<1x4x128x16xf32, #tpu.memory_space<vmem>> -> memref<4x128x16xf32, #tpu.memory_space<vmem>>
        %dma_wait3A_314 = arith.constant 0 : i32
        %dma_wait3A_315 = arith.constant 0 : i32
        %dma_wait3A_316 = tpu.memref_slice %dma_wait3A_313[%dma_wait3A_307, %dma_wait3A_314, %dma_wait3A_315] : memref<4x128x16xf32, #tpu.memory_space<vmem>> -> memref<1x128x16xf32, #tpu.memory_space<vmem>>
        %dma_wait3A_317 = tpu.memref_squeeze %dma_wait3A_316 : memref<1x128x16xf32, #tpu.memory_space<vmem>> -> memref<128x16xf32, #tpu.memory_space<vmem>>
        %dma_wait3A_318 = arith.constant 0 : i32
        %dma_wait3A_319 = arith.constant 0 : i32
        %dma_wait3A_320 = tpu.memref_slice %arg6[%rem3A_181, %dma_wait3A_318, %dma_wait3A_319] : memref<2x4x128xi32, #tpu.memory_space<vmem>> -> memref<1x4x128xi32, #tpu.memory_space<vmem>>
        %dma_wait3A_321 = tpu.memref_squeeze %dma_wait3A_320 : memref<1x4x128xi32, #tpu.memory_space<vmem>> -> memref<4x128xi32, #tpu.memory_space<vmem>>
        %dma_wait3A_322 = arith.constant 0 : i32
        %dma_wait3A_323 = tpu.memref_slice %dma_wait3A_321[%dma_wait3A_308, %dma_wait3A_322] : memref<4x128xi32, #tpu.memory_space<vmem>> -> memref<1x128xi32, #tpu.memory_space<vmem>>
        %dma_wait3A_324 = tpu.memref_squeeze %dma_wait3A_323 : memref<1x128xi32, #tpu.memory_space<vmem>> -> memref<128xi32, #tpu.memory_space<vmem>>
        %dma_wait3A_325 = arith.constant 0 : i32
        %dma_wait3A_326 = arith.constant 0 : i32
        %dma_wait3A_327 = tpu.memref_slice %arg8[%dma_wait3A_325, %dma_wait3A_326] : memref<100352x16xf32, #tpu.memory_space<vmem_shared>> -> memref<100352x16xf32, #tpu.memory_space<vmem_shared>>
        tpu.wait_indirect_dma semaphore(%arg10 : memref<!tpu.dma_semaphore, #tpu.memory_space<semaphore_mem>>) src(%dma_wait3A_317 : memref<128x16xf32, #tpu.memory_space<vmem>>) dst(%dma_wait3A_327 : memref<100352x16xf32, #tpu.memory_space<vmem_shared>>)
        %dma_wait3A_328 = arith.constant 1 : i32
        %dma_wait3A_329 = arith.constant 1 : i32
        %dma_wait3A_330 = arith.constant 0 : i32
        %dma_wait3A_331 = arith.constant 0 : i32
        %dma_wait3A_332 = arith.constant 0 : i32
        %dma_wait3A_333 = tpu.memref_slice %arg5[%rem3A_181, %dma_wait3A_330, %dma_wait3A_331, %dma_wait3A_332] : memref<2x4x128x16xf32, #tpu.memory_space<vmem>> -> memref<1x4x128x16xf32, #tpu.memory_space<vmem>>
        %dma_wait3A_334 = tpu.memref_squeeze %dma_wait3A_333 : memref<1x4x128x16xf32, #tpu.memory_space<vmem>> -> memref<4x128x16xf32, #tpu.memory_space<vmem>>
        %dma_wait3A_335 = arith.constant 0 : i32
        %dma_wait3A_336 = arith.constant 0 : i32
        %dma_wait3A_337 = tpu.memref_slice %dma_wait3A_334[%dma_wait3A_328, %dma_wait3A_335, %dma_wait3A_336] : memref<4x128x16xf32, #tpu.memory_space<vmem>> -> memref<1x128x16xf32, #tpu.memory_space<vmem>>
        %dma_wait3A_338 = tpu.memref_squeeze %dma_wait3A_337 : memref<1x128x16xf32, #tpu.memory_space<vmem>> -> memref<128x16xf32, #tpu.memory_space<vmem>>
        %dma_wait3A_339 = arith.constant 0 : i32
        %dma_wait3A_340 = arith.constant 0 : i32
        %dma_wait3A_341 = tpu.memref_slice %arg6[%rem3A_181, %dma_wait3A_339, %dma_wait3A_340] : memref<2x4x128xi32, #tpu.memory_space<vmem>> -> memref<1x4x128xi32, #tpu.memory_space<vmem>>
        %dma_wait3A_342 = tpu.memref_squeeze %dma_wait3A_341 : memref<1x4x128xi32, #tpu.memory_space<vmem>> -> memref<4x128xi32, #tpu.memory_space<vmem>>
        %dma_wait3A_343 = arith.constant 0 : i32
        %dma_wait3A_344 = tpu.memref_slice %dma_wait3A_342[%dma_wait3A_329, %dma_wait3A_343] : memref<4x128xi32, #tpu.memory_space<vmem>> -> memref<1x128xi32, #tpu.memory_space<vmem>>
        %dma_wait3A_345 = tpu.memref_squeeze %dma_wait3A_344 : memref<1x128xi32, #tpu.memory_space<vmem>> -> memref<128xi32, #tpu.memory_space<vmem>>
        %dma_wait3A_346 = arith.constant 0 : i32
        %dma_wait3A_347 = arith.constant 0 : i32
        %dma_wait3A_348 = tpu.memref_slice %arg8[%dma_wait3A_346, %dma_wait3A_347] : memref<100352x16xf32, #tpu.memory_space<vmem_shared>> -> memref<100352x16xf32, #tpu.memory_space<vmem_shared>>
        tpu.wait_indirect_dma semaphore(%arg10 : memref<!tpu.dma_semaphore, #tpu.memory_space<semaphore_mem>>) src(%dma_wait3A_338 : memref<128x16xf32, #tpu.memory_space<vmem>>) dst(%dma_wait3A_348 : memref<100352x16xf32, #tpu.memory_space<vmem_shared>>)
        %dma_wait3A_349 = arith.constant 2 : i32
        %dma_wait3A_350 = arith.constant 2 : i32
        %dma_wait3A_351 = arith.constant 0 : i32
        %dma_wait3A_352 = arith.constant 0 : i32
        %dma_wait3A_353 = arith.constant 0 : i32
        %dma_wait3A_354 = tpu.memref_slice %arg5[%rem3A_181, %dma_wait3A_351, %dma_wait3A_352, %dma_wait3A_353] : memref<2x4x128x16xf32, #tpu.memory_space<vmem>> -> memref<1x4x128x16xf32, #tpu.memory_space<vmem>>
        %dma_wait3A_355 = tpu.memref_squeeze %dma_wait3A_354 : memref<1x4x128x16xf32, #tpu.memory_space<vmem>> -> memref<4x128x16xf32, #tpu.memory_space<vmem>>
        %dma_wait3A_356 = arith.constant 0 : i32
        %dma_wait3A_357 = arith.constant 0 : i32
        %dma_wait3A_358 = tpu.memref_slice %dma_wait3A_355[%dma_wait3A_349, %dma_wait3A_356, %dma_wait3A_357] : memref<4x128x16xf32, #tpu.memory_space<vmem>> -> memref<1x128x16xf32, #tpu.memory_space<vmem>>
        %dma_wait3A_359 = tpu.memref_squeeze %dma_wait3A_358 : memref<1x128x16xf32, #tpu.memory_space<vmem>> -> memref<128x16xf32, #tpu.memory_space<vmem>>
        %dma_wait3A_360 = arith.constant 0 : i32
        %dma_wait3A_361 = arith.constant 0 : i32
        %dma_wait3A_362 = tpu.memref_slice %arg6[%rem3A_181, %dma_wait3A_360, %dma_wait3A_361] : memref<2x4x128xi32, #tpu.memory_space<vmem>> -> memref<1x4x128xi32, #tpu.memory_space<vmem>>
        %dma_wait3A_363 = tpu.memref_squeeze %dma_wait3A_362 : memref<1x4x128xi32, #tpu.memory_space<vmem>> -> memref<4x128xi32, #tpu.memory_space<vmem>>
        %dma_wait3A_364 = arith.constant 0 : i32
        %dma_wait3A_365 = tpu.memref_slice %dma_wait3A_363[%dma_wait3A_350, %dma_wait3A_364] : memref<4x128xi32, #tpu.memory_space<vmem>> -> memref<1x128xi32, #tpu.memory_space<vmem>>
        %dma_wait3A_366 = tpu.memref_squeeze %dma_wait3A_365 : memref<1x128xi32, #tpu.memory_space<vmem>> -> memref<128xi32, #tpu.memory_space<vmem>>
        %dma_wait3A_367 = arith.constant 0 : i32
        %dma_wait3A_368 = arith.constant 0 : i32
        %dma_wait3A_369 = tpu.memref_slice %arg8[%dma_wait3A_367, %dma_wait3A_368] : memref<100352x16xf32, #tpu.memory_space<vmem_shared>> -> memref<100352x16xf32, #tpu.memory_space<vmem_shared>>
        tpu.wait_indirect_dma semaphore(%arg10 : memref<!tpu.dma_semaphore, #tpu.memory_space<semaphore_mem>>) src(%dma_wait3A_359 : memref<128x16xf32, #tpu.memory_space<vmem>>) dst(%dma_wait3A_369 : memref<100352x16xf32, #tpu.memory_space<vmem_shared>>)
        %dma_wait3A_370 = arith.constant 3 : i32
        %dma_wait3A_371 = arith.constant 3 : i32
        %dma_wait3A_372 = arith.constant 0 : i32
        %dma_wait3A_373 = arith.constant 0 : i32
        %dma_wait3A_374 = arith.constant 0 : i32
        %dma_wait3A_375 = tpu.memref_slice %arg5[%rem3A_181, %dma_wait3A_372, %dma_wait3A_373, %dma_wait3A_374] : memref<2x4x128x16xf32, #tpu.memory_space<vmem>> -> memref<1x4x128x16xf32, #tpu.memory_space<vmem>>
        %dma_wait3A_376 = tpu.memref_squeeze %dma_wait3A_375 : memref<1x4x128x16xf32, #tpu.memory_space<vmem>> -> memref<4x128x16xf32, #tpu.memory_space<vmem>>
        %dma_wait3A_377 = arith.constant 0 : i32
        %dma_wait3A_378 = arith.constant 0 : i32
        %dma_wait3A_379 = tpu.memref_slice %dma_wait3A_376[%dma_wait3A_370, %dma_wait3A_377, %dma_wait3A_378] : memref<4x128x16xf32, #tpu.memory_space<vmem>> -> memref<1x128x16xf32, #tpu.memory_space<vmem>>
        %dma_wait3A_380 = tpu.memref_squeeze %dma_wait3A_379 : memref<1x128x16xf32, #tpu.memory_space<vmem>> -> memref<128x16xf32, #tpu.memory_space<vmem>>
        %dma_wait3A_381 = arith.constant 0 : i32
        %dma_wait3A_382 = arith.constant 0 : i32
        %dma_wait3A_383 = tpu.memref_slice %arg6[%rem3A_181, %dma_wait3A_381, %dma_wait3A_382] : memref<2x4x128xi32, #tpu.memory_space<vmem>> -> memref<1x4x128xi32, #tpu.memory_space<vmem>>
        %dma_wait3A_384 = tpu.memref_squeeze %dma_wait3A_383 : memref<1x4x128xi32, #tpu.memory_space<vmem>> -> memref<4x128xi32, #tpu.memory_space<vmem>>
        %dma_wait3A_385 = arith.constant 0 : i32
        %dma_wait3A_386 = tpu.memref_slice %dma_wait3A_384[%dma_wait3A_371, %dma_wait3A_385] : memref<4x128xi32, #tpu.memory_space<vmem>> -> memref<1x128xi32, #tpu.memory_space<vmem>>
        %dma_wait3A_387 = tpu.memref_squeeze %dma_wait3A_386 : memref<1x128xi32, #tpu.memory_space<vmem>> -> memref<128xi32, #tpu.memory_space<vmem>>
        %dma_wait3A_388 = arith.constant 0 : i32
        %dma_wait3A_389 = arith.constant 0 : i32
        %dma_wait3A_390 = tpu.memref_slice %arg8[%dma_wait3A_388, %dma_wait3A_389] : memref<100352x16xf32, #tpu.memory_space<vmem_shared>> -> memref<100352x16xf32, #tpu.memory_space<vmem_shared>>
        tpu.wait_indirect_dma semaphore(%arg10 : memref<!tpu.dma_semaphore, #tpu.memory_space<semaphore_mem>>) src(%dma_wait3A_380 : memref<128x16xf32, #tpu.memory_space<vmem>>) dst(%dma_wait3A_390 : memref<100352x16xf32, #tpu.memory_space<vmem_shared>>)
      } else {
      }
      %add3A_187 = arith.constant 1 : i32
      %add3A_188 = arith.addi %while3A_176, %add3A_187 : i32
      %lt3A_189 = arith.cmpi slt, %add3A_188, %add3A_65 : i32
      %convert_element_type3A_190 = arith.extui %lt3A_189 : i1 to i32
      %cond3A_191 = arith.constant 0 : i32
      %cond3A_192 = arith.cmpi ne, %convert_element_type3A_190, %cond3A_191 : i32
      scf.if %cond3A_192 {
        %add3A_307 = arith.constant 1 : i32
        %add3A_308 = arith.addi %while3A_176, %add3A_307 : i32
        %add3A_309 = arith.addi %add3A_69, %add3A_308 : i32
        %mul3A_310 = arith.constant 4 : i32
        %mul3A_311 = arith.muli %add3A_309, %mul3A_310 : i32
        %dma_start3A_312 = arith.constant 0 : i32
        %dma_start3A_313 = arith.constant 0 : i32
        %dma_start3A_314 = arith.constant 0 : i32
        %dma_start3A_315 = tpu.memref_slice %arg5[%rem3A_181, %dma_start3A_312, %dma_start3A_313, %dma_start3A_314] : memref<2x4x128x16xf32, #tpu.memory_space<vmem>> -> memref<1x4x128x16xf32, #tpu.memory_space<vmem>>
        %dma_start3A_316 = tpu.memref_squeeze %dma_start3A_315 : memref<1x4x128x16xf32, #tpu.memory_space<vmem>> -> memref<4x128x16xf32, #tpu.memory_space<vmem>>
        %dma_start3A_317 = arith.constant 0 : i32
        %dma_start3A_318 = arith.constant 0 : i32
        %dma_start3A_319 = tpu.memref_slice %arg2[%mul3A_311, %dma_start3A_317, %dma_start3A_318] : memref<25000x128x16xf32, #tpu.memory_space<hbm>> -> memref<4x128x16xf32, #tpu.memory_space<hbm>>
        %dma_start3A_320 = arith.constant 0 : i32
        %dma_start3A_321 = arith.constant 0 : i32
        %dma_start3A_322 = arith.constant 0 : i32
        %dma_start3A_323 = tpu.memref_slice %arg5[%rem3A_181, %dma_start3A_320, %dma_start3A_321, %dma_start3A_322] : memref<2x4x128x16xf32, #tpu.memory_space<vmem>> -> memref<1x4x128x16xf32, #tpu.memory_space<vmem>>
        %dma_start3A_324 = tpu.memref_squeeze %dma_start3A_323 : memref<1x4x128x16xf32, #tpu.memory_space<vmem>> -> memref<4x128x16xf32, #tpu.memory_space<vmem>>
        %dma_start3A_325 = arith.constant 0 : i32
        %dma_start3A_326 = arith.constant 0 : i32
        %dma_start3A_327 = tpu.memref_slice %arg2[%mul3A_311, %dma_start3A_325, %dma_start3A_326] : memref<25000x128x16xf32, #tpu.memory_space<hbm>> -> memref<4x128x16xf32, #tpu.memory_space<hbm>>
        tpu.enqueue_dma source(%dma_start3A_327 : memref<4x128x16xf32, #tpu.memory_space<hbm>>) target(%dma_start3A_324 : memref<4x128x16xf32, #tpu.memory_space<vmem>>) target_semaphore(%arg9 : memref<!tpu.dma_semaphore, #tpu.memory_space<semaphore_mem>>)
        %dma_start3A_328 = arith.constant 0 : i32
        %dma_start3A_329 = arith.constant 0 : i32
        %dma_start3A_330 = tpu.memref_slice %arg6[%rem3A_181, %dma_start3A_328, %dma_start3A_329] : memref<2x4x128xi32, #tpu.memory_space<vmem>> -> memref<1x4x128xi32, #tpu.memory_space<vmem>>
        %dma_start3A_331 = tpu.memref_squeeze %dma_start3A_330 : memref<1x4x128xi32, #tpu.memory_space<vmem>> -> memref<4x128xi32, #tpu.memory_space<vmem>>
        %dma_start3A_332 = arith.constant 0 : i32
        %dma_start3A_333 = tpu.memref_slice %arg3[%mul3A_311, %dma_start3A_332] : memref<25000x128xi32, #tpu.memory_space<hbm>> -> memref<4x128xi32, #tpu.memory_space<hbm>>
        %dma_start3A_334 = arith.constant 0 : i32
        %dma_start3A_335 = arith.constant 0 : i32
        %dma_start3A_336 = tpu.memref_slice %arg6[%rem3A_181, %dma_start3A_334, %dma_start3A_335] : memref<2x4x128xi32, #tpu.memory_space<vmem>> -> memref<1x4x128xi32, #tpu.memory_space<vmem>>
        %dma_start3A_337 = tpu.memref_squeeze %dma_start3A_336 : memref<1x4x128xi32, #tpu.memory_space<vmem>> -> memref<4x128xi32, #tpu.memory_space<vmem>>
        %dma_start3A_338 = arith.constant 0 : i32
        %dma_start3A_339 = tpu.memref_slice %arg3[%mul3A_311, %dma_start3A_338] : memref<25000x128xi32, #tpu.memory_space<hbm>> -> memref<4x128xi32, #tpu.memory_space<hbm>>
        tpu.enqueue_dma source(%dma_start3A_339 : memref<4x128xi32, #tpu.memory_space<hbm>>) target(%dma_start3A_337 : memref<4x128xi32, #tpu.memory_space<vmem>>) target_semaphore(%arg9 : memref<!tpu.dma_semaphore, #tpu.memory_space<semaphore_mem>>)
      } else {
      }
      %dma_wait3A = arith.constant 0 : i32
      %dma_wait3A_193 = arith.constant 0 : i32
      %dma_wait3A_194 = arith.constant 0 : i32
      %dma_wait3A_195 = tpu.memref_slice %arg5[%rem3A_177, %dma_wait3A, %dma_wait3A_193, %dma_wait3A_194] : memref<2x4x128x16xf32, #tpu.memory_space<vmem>> -> memref<1x4x128x16xf32, #tpu.memory_space<vmem>>
      %dma_wait3A_196 = tpu.memref_squeeze %dma_wait3A_195 : memref<1x4x128x16xf32, #tpu.memory_space<vmem>> -> memref<4x128x16xf32, #tpu.memory_space<vmem>>
      %dma_wait3A_197 = arith.constant 0 : i32
      %dma_wait3A_198 = arith.constant 0 : i32
      %dma_wait3A_199 = arith.constant 0 : i32
      %dma_wait3A_200 = tpu.memref_slice %arg2[%dma_wait3A_197, %dma_wait3A_198, %dma_wait3A_199] : memref<25000x128x16xf32, #tpu.memory_space<hbm>> -> memref<4x128x16xf32, #tpu.memory_space<hbm>>
      %dma_wait3A_201 = arith.constant 0 : i32
      %dma_wait3A_202 = arith.constant 0 : i32
      %dma_wait3A_203 = arith.constant 0 : i32
      %dma_wait3A_204 = tpu.memref_slice %arg5[%rem3A_177, %dma_wait3A_201, %dma_wait3A_202, %dma_wait3A_203] : memref<2x4x128x16xf32, #tpu.memory_space<vmem>> -> memref<1x4x128x16xf32, #tpu.memory_space<vmem>>
      %dma_wait3A_205 = tpu.memref_squeeze %dma_wait3A_204 : memref<1x4x128x16xf32, #tpu.memory_space<vmem>> -> memref<4x128x16xf32, #tpu.memory_space<vmem>>
      %dma_wait3A_206 = arith.constant 0 : i32
      %dma_wait3A_207 = arith.constant 0 : i32
      %dma_wait3A_208 = arith.constant 0 : i32
      %dma_wait3A_209 = tpu.memref_slice %arg2[%dma_wait3A_206, %dma_wait3A_207, %dma_wait3A_208] : memref<25000x128x16xf32, #tpu.memory_space<hbm>> -> memref<4x128x16xf32, #tpu.memory_space<hbm>>
      tpu.wait_dma2 semaphore(%arg9 : memref<!tpu.dma_semaphore, #tpu.memory_space<semaphore_mem>>) src(%dma_wait3A_209 : memref<4x128x16xf32, #tpu.memory_space<hbm>>) dst(%dma_wait3A_205 : memref<4x128x16xf32, #tpu.memory_space<vmem>>)
      %dma_wait3A_210 = arith.constant 0 : i32
      %dma_wait3A_211 = arith.constant 0 : i32
      %dma_wait3A_212 = tpu.memref_slice %arg6[%rem3A_177, %dma_wait3A_210, %dma_wait3A_211] : memref<2x4x128xi32, #tpu.memory_space<vmem>> -> memref<1x4x128xi32, #tpu.memory_space<vmem>>
      %dma_wait3A_213 = tpu.memref_squeeze %dma_wait3A_212 : memref<1x4x128xi32, #tpu.memory_space<vmem>> -> memref<4x128xi32, #tpu.memory_space<vmem>>
      %dma_wait3A_214 = arith.constant 0 : i32
      %dma_wait3A_215 = arith.constant 0 : i32
      %dma_wait3A_216 = tpu.memref_slice %arg3[%dma_wait3A_214, %dma_wait3A_215] : memref<25000x128xi32, #tpu.memory_space<hbm>> -> memref<4x128xi32, #tpu.memory_space<hbm>>
      %dma_wait3A_217 = arith.constant 0 : i32
      %dma_wait3A_218 = arith.constant 0 : i32
      %dma_wait3A_219 = tpu.memref_slice %arg6[%rem3A_177, %dma_wait3A_217, %dma_wait3A_218] : memref<2x4x128xi32, #tpu.memory_space<vmem>> -> memref<1x4x128xi32, #tpu.memory_space<vmem>>
      %dma_wait3A_220 = tpu.memref_squeeze %dma_wait3A_219 : memref<1x4x128xi32, #tpu.memory_space<vmem>> -> memref<4x128xi32, #tpu.memory_space<vmem>>
      %dma_wait3A_221 = arith.constant 0 : i32
      %dma_wait3A_222 = arith.constant 0 : i32
      %dma_wait3A_223 = tpu.memref_slice %arg3[%dma_wait3A_221, %dma_wait3A_222] : memref<25000x128xi32, #tpu.memory_space<hbm>> -> memref<4x128xi32, #tpu.memory_space<hbm>>
      tpu.wait_dma2 semaphore(%arg9 : memref<!tpu.dma_semaphore, #tpu.memory_space<semaphore_mem>>) src(%dma_wait3A_223 : memref<4x128xi32, #tpu.memory_space<hbm>>) dst(%dma_wait3A_220 : memref<4x128xi32, #tpu.memory_space<vmem>>)
      %dma_start3A = arith.constant 0 : i32
      %dma_start3A_224 = arith.constant 0 : i32
      %dma_start3A_225 = arith.constant 0 : i32
      %dma_start3A_226 = arith.constant 0 : i32
      %dma_start3A_227 = arith.constant 0 : i32
      %dma_start3A_228 = tpu.memref_slice %arg5[%rem3A_177, %dma_start3A_225, %dma_start3A_226, %dma_start3A_227] : memref<2x4x128x16xf32, #tpu.memory_space<vmem>> -> memref<1x4x128x16xf32, #tpu.memory_space<vmem>>
      %dma_start3A_229 = tpu.memref_squeeze %dma_start3A_228 : memref<1x4x128x16xf32, #tpu.memory_space<vmem>> -> memref<4x128x16xf32, #tpu.memory_space<vmem>>
      %dma_start3A_230 = arith.constant 0 : i32
      %dma_start3A_231 = arith.constant 0 : i32
      %dma_start3A_232 = tpu.memref_slice %dma_start3A_229[%dma_start3A, %dma_start3A_230, %dma_start3A_231] : memref<4x128x16xf32, #tpu.memory_space<vmem>> -> memref<1x128x16xf32, #tpu.memory_space<vmem>>
      %dma_start3A_233 = tpu.memref_squeeze %dma_start3A_232 : memref<1x128x16xf32, #tpu.memory_space<vmem>> -> memref<128x16xf32, #tpu.memory_space<vmem>>
      %dma_start3A_234 = arith.constant 0 : i32
      %dma_start3A_235 = arith.constant 0 : i32
      %dma_start3A_236 = tpu.memref_slice %arg6[%rem3A_177, %dma_start3A_234, %dma_start3A_235] : memref<2x4x128xi32, #tpu.memory_space<vmem>> -> memref<1x4x128xi32, #tpu.memory_space<vmem>>
      %dma_start3A_237 = tpu.memref_squeeze %dma_start3A_236 : memref<1x4x128xi32, #tpu.memory_space<vmem>> -> memref<4x128xi32, #tpu.memory_space<vmem>>
      %dma_start3A_238 = arith.constant 0 : i32
      %dma_start3A_239 = tpu.memref_slice %dma_start3A_237[%dma_start3A_224, %dma_start3A_238] : memref<4x128xi32, #tpu.memory_space<vmem>> -> memref<1x128xi32, #tpu.memory_space<vmem>>
      %dma_start3A_240 = tpu.memref_squeeze %dma_start3A_239 : memref<1x128xi32, #tpu.memory_space<vmem>> -> memref<128xi32, #tpu.memory_space<vmem>>
      %dma_start3A_241 = arith.constant 0 : i32
      %dma_start3A_242 = arith.constant 0 : i32
      %dma_start3A_243 = tpu.memref_slice %arg8[%dma_start3A_241, %dma_start3A_242] : memref<100352x16xf32, #tpu.memory_space<vmem_shared>> -> memref<100352x16xf32, #tpu.memory_space<vmem_shared>>
      tpu.enqueue_indirect_dma source(%dma_start3A_233 : memref<128x16xf32, #tpu.memory_space<vmem>>) target(%dma_start3A_243 : memref<100352x16xf32, #tpu.memory_space<vmem_shared>>) offsets(%dma_start3A_240 : memref<128xi32, #tpu.memory_space<vmem>>) semaphore(%arg10 : memref<!tpu.dma_semaphore, #tpu.memory_space<semaphore_mem>>) {add = true}
      %dma_start3A_244 = arith.constant 1 : i32
      %dma_start3A_245 = arith.constant 1 : i32
      %dma_start3A_246 = arith.constant 0 : i32
      %dma_start3A_247 = arith.constant 0 : i32
      %dma_start3A_248 = arith.constant 0 : i32
      %dma_start3A_249 = tpu.memref_slice %arg5[%rem3A_177, %dma_start3A_246, %dma_start3A_247, %dma_start3A_248] : memref<2x4x128x16xf32, #tpu.memory_space<vmem>> -> memref<1x4x128x16xf32, #tpu.memory_space<vmem>>
      %dma_start3A_250 = tpu.memref_squeeze %dma_start3A_249 : memref<1x4x128x16xf32, #tpu.memory_space<vmem>> -> memref<4x128x16xf32, #tpu.memory_space<vmem>>
      %dma_start3A_251 = arith.constant 0 : i32
      %dma_start3A_252 = arith.constant 0 : i32
      %dma_start3A_253 = tpu.memref_slice %dma_start3A_250[%dma_start3A_244, %dma_start3A_251, %dma_start3A_252] : memref<4x128x16xf32, #tpu.memory_space<vmem>> -> memref<1x128x16xf32, #tpu.memory_space<vmem>>
      %dma_start3A_254 = tpu.memref_squeeze %dma_start3A_253 : memref<1x128x16xf32, #tpu.memory_space<vmem>> -> memref<128x16xf32, #tpu.memory_space<vmem>>
      %dma_start3A_255 = arith.constant 0 : i32
      %dma_start3A_256 = arith.constant 0 : i32
      %dma_start3A_257 = tpu.memref_slice %arg6[%rem3A_177, %dma_start3A_255, %dma_start3A_256] : memref<2x4x128xi32, #tpu.memory_space<vmem>> -> memref<1x4x128xi32, #tpu.memory_space<vmem>>
      %dma_start3A_258 = tpu.memref_squeeze %dma_start3A_257 : memref<1x4x128xi32, #tpu.memory_space<vmem>> -> memref<4x128xi32, #tpu.memory_space<vmem>>
      %dma_start3A_259 = arith.constant 0 : i32
      %dma_start3A_260 = tpu.memref_slice %dma_start3A_258[%dma_start3A_245, %dma_start3A_259] : memref<4x128xi32, #tpu.memory_space<vmem>> -> memref<1x128xi32, #tpu.memory_space<vmem>>
      %dma_start3A_261 = tpu.memref_squeeze %dma_start3A_260 : memref<1x128xi32, #tpu.memory_space<vmem>> -> memref<128xi32, #tpu.memory_space<vmem>>
      %dma_start3A_262 = arith.constant 0 : i32
      %dma_start3A_263 = arith.constant 0 : i32
      %dma_start3A_264 = tpu.memref_slice %arg8[%dma_start3A_262, %dma_start3A_263] : memref<100352x16xf32, #tpu.memory_space<vmem_shared>> -> memref<100352x16xf32, #tpu.memory_space<vmem_shared>>
      tpu.enqueue_indirect_dma source(%dma_start3A_254 : memref<128x16xf32, #tpu.memory_space<vmem>>) target(%dma_start3A_264 : memref<100352x16xf32, #tpu.memory_space<vmem_shared>>) offsets(%dma_start3A_261 : memref<128xi32, #tpu.memory_space<vmem>>) semaphore(%arg10 : memref<!tpu.dma_semaphore, #tpu.memory_space<semaphore_mem>>) {add = true}
      %dma_start3A_265 = arith.constant 2 : i32
      %dma_start3A_266 = arith.constant 2 : i32
      %dma_start3A_267 = arith.constant 0 : i32
      %dma_start3A_268 = arith.constant 0 : i32
      %dma_start3A_269 = arith.constant 0 : i32
      %dma_start3A_270 = tpu.memref_slice %arg5[%rem3A_177, %dma_start3A_267, %dma_start3A_268, %dma_start3A_269] : memref<2x4x128x16xf32, #tpu.memory_space<vmem>> -> memref<1x4x128x16xf32, #tpu.memory_space<vmem>>
      %dma_start3A_271 = tpu.memref_squeeze %dma_start3A_270 : memref<1x4x128x16xf32, #tpu.memory_space<vmem>> -> memref<4x128x16xf32, #tpu.memory_space<vmem>>
      %dma_start3A_272 = arith.constant 0 : i32
      %dma_start3A_273 = arith.constant 0 : i32
      %dma_start3A_274 = tpu.memref_slice %dma_start3A_271[%dma_start3A_265, %dma_start3A_272, %dma_start3A_273] : memref<4x128x16xf32, #tpu.memory_space<vmem>> -> memref<1x128x16xf32, #tpu.memory_space<vmem>>
      %dma_start3A_275 = tpu.memref_squeeze %dma_start3A_274 : memref<1x128x16xf32, #tpu.memory_space<vmem>> -> memref<128x16xf32, #tpu.memory_space<vmem>>
      %dma_start3A_276 = arith.constant 0 : i32
      %dma_start3A_277 = arith.constant 0 : i32
      %dma_start3A_278 = tpu.memref_slice %arg6[%rem3A_177, %dma_start3A_276, %dma_start3A_277] : memref<2x4x128xi32, #tpu.memory_space<vmem>> -> memref<1x4x128xi32, #tpu.memory_space<vmem>>
      %dma_start3A_279 = tpu.memref_squeeze %dma_start3A_278 : memref<1x4x128xi32, #tpu.memory_space<vmem>> -> memref<4x128xi32, #tpu.memory_space<vmem>>
      %dma_start3A_280 = arith.constant 0 : i32
      %dma_start3A_281 = tpu.memref_slice %dma_start3A_279[%dma_start3A_266, %dma_start3A_280] : memref<4x128xi32, #tpu.memory_space<vmem>> -> memref<1x128xi32, #tpu.memory_space<vmem>>
      %dma_start3A_282 = tpu.memref_squeeze %dma_start3A_281 : memref<1x128xi32, #tpu.memory_space<vmem>> -> memref<128xi32, #tpu.memory_space<vmem>>
      %dma_start3A_283 = arith.constant 0 : i32
      %dma_start3A_284 = arith.constant 0 : i32
      %dma_start3A_285 = tpu.memref_slice %arg8[%dma_start3A_283, %dma_start3A_284] : memref<100352x16xf32, #tpu.memory_space<vmem_shared>> -> memref<100352x16xf32, #tpu.memory_space<vmem_shared>>
      tpu.enqueue_indirect_dma source(%dma_start3A_275 : memref<128x16xf32, #tpu.memory_space<vmem>>) target(%dma_start3A_285 : memref<100352x16xf32, #tpu.memory_space<vmem_shared>>) offsets(%dma_start3A_282 : memref<128xi32, #tpu.memory_space<vmem>>) semaphore(%arg10 : memref<!tpu.dma_semaphore, #tpu.memory_space<semaphore_mem>>) {add = true}
      %dma_start3A_286 = arith.constant 3 : i32
      %dma_start3A_287 = arith.constant 3 : i32
      %dma_start3A_288 = arith.constant 0 : i32
      %dma_start3A_289 = arith.constant 0 : i32
      %dma_start3A_290 = arith.constant 0 : i32
      %dma_start3A_291 = tpu.memref_slice %arg5[%rem3A_177, %dma_start3A_288, %dma_start3A_289, %dma_start3A_290] : memref<2x4x128x16xf32, #tpu.memory_space<vmem>> -> memref<1x4x128x16xf32, #tpu.memory_space<vmem>>
      %dma_start3A_292 = tpu.memref_squeeze %dma_start3A_291 : memref<1x4x128x16xf32, #tpu.memory_space<vmem>> -> memref<4x128x16xf32, #tpu.memory_space<vmem>>
      %dma_start3A_293 = arith.constant 0 : i32
      %dma_start3A_294 = arith.constant 0 : i32
      %dma_start3A_295 = tpu.memref_slice %dma_start3A_292[%dma_start3A_286, %dma_start3A_293, %dma_start3A_294] : memref<4x128x16xf32, #tpu.memory_space<vmem>> -> memref<1x128x16xf32, #tpu.memory_space<vmem>>
      %dma_start3A_296 = tpu.memref_squeeze %dma_start3A_295 : memref<1x128x16xf32, #tpu.memory_space<vmem>> -> memref<128x16xf32, #tpu.memory_space<vmem>>
      %dma_start3A_297 = arith.constant 0 : i32
      %dma_start3A_298 = arith.constant 0 : i32
      %dma_start3A_299 = tpu.memref_slice %arg6[%rem3A_177, %dma_start3A_297, %dma_start3A_298] : memref<2x4x128xi32, #tpu.memory_space<vmem>> -> memref<1x4x128xi32, #tpu.memory_space<vmem>>
      %dma_start3A_300 = tpu.memref_squeeze %dma_start3A_299 : memref<1x4x128xi32, #tpu.memory_space<vmem>> -> memref<4x128xi32, #tpu.memory_space<vmem>>
      %dma_start3A_301 = arith.constant 0 : i32
      %dma_start3A_302 = tpu.memref_slice %dma_start3A_300[%dma_start3A_287, %dma_start3A_301] : memref<4x128xi32, #tpu.memory_space<vmem>> -> memref<1x128xi32, #tpu.memory_space<vmem>>
      %dma_start3A_303 = tpu.memref_squeeze %dma_start3A_302 : memref<1x128xi32, #tpu.memory_space<vmem>> -> memref<128xi32, #tpu.memory_space<vmem>>
      %dma_start3A_304 = arith.constant 0 : i32
      %dma_start3A_305 = arith.constant 0 : i32
      %dma_start3A_306 = tpu.memref_slice %arg8[%dma_start3A_304, %dma_start3A_305] : memref<100352x16xf32, #tpu.memory_space<vmem_shared>> -> memref<100352x16xf32, #tpu.memory_space<vmem_shared>>
      tpu.enqueue_indirect_dma source(%dma_start3A_296 : memref<128x16xf32, #tpu.memory_space<vmem>>) target(%dma_start3A_306 : memref<100352x16xf32, #tpu.memory_space<vmem_shared>>) offsets(%dma_start3A_303 : memref<128xi32, #tpu.memory_space<vmem>>) semaphore(%arg10 : memref<!tpu.dma_semaphore, #tpu.memory_space<semaphore_mem>>) {add = true}
    }
    %while3A_80 = arith.constant 1 : i32
    scf.for %while3A_176 = %while3A_78 to %while3A_74 step %while3A_80  : i32 {
      %rem3A = arith.constant 2 : i32
      %rem3A_177 = arith.remsi %while3A_176, %rem3A : i32
      %add3A_178 = arith.constant 1 : i32
      %add3A_179 = arith.addi %while3A_176, %add3A_178 : i32
      %rem3A_180 = arith.constant 2 : i32
      %rem3A_181 = arith.remsi %add3A_179, %rem3A_180 : i32
      %gt3A_182 = arith.constant 0 : i32
      %gt3A_183 = arith.cmpi sgt, %while3A_176, %gt3A_182 : i32
      %convert_element_type3A_184 = arith.extui %gt3A_183 : i1 to i32
      %cond3A_185 = arith.constant 0 : i32
      %cond3A_186 = arith.cmpi ne, %convert_element_type3A_184, %cond3A_185 : i32
      scf.if %cond3A_186 {
        %dma_wait3A_307 = arith.constant 0 : i32
        %dma_wait3A_308 = arith.constant 0 : i32
        %dma_wait3A_309 = arith.constant 0 : i32
        %dma_wait3A_310 = arith.constant 0 : i32
        %dma_wait3A_311 = arith.constant 0 : i32
        %dma_wait3A_312 = tpu.memref_slice %arg5[%rem3A_181, %dma_wait3A_309, %dma_wait3A_310, %dma_wait3A_311] : memref<2x4x128x16xf32, #tpu.memory_space<vmem>> -> memref<1x4x128x16xf32, #tpu.memory_space<vmem>>
        %dma_wait3A_313 = tpu.memref_squeeze %dma_wait3A_312 : memref<1x4x128x16xf32, #tpu.memory_space<vmem>> -> memref<4x128x16xf32, #tpu.memory_space<vmem>>
        %dma_wait3A_314 = arith.constant 0 : i32
        %dma_wait3A_315 = arith.constant 0 : i32
        %dma_wait3A_316 = tpu.memref_slice %dma_wait3A_313[%dma_wait3A_307, %dma_wait3A_314, %dma_wait3A_315] : memref<4x128x16xf32, #tpu.memory_space<vmem>> -> memref<1x128x16xf32, #tpu.memory_space<vmem>>
        %dma_wait3A_317 = tpu.memref_squeeze %dma_wait3A_316 : memref<1x128x16xf32, #tpu.memory_space<vmem>> -> memref<128x16xf32, #tpu.memory_space<vmem>>
        %dma_wait3A_318 = arith.constant 0 : i32
        %dma_wait3A_319 = arith.constant 0 : i32
        %dma_wait3A_320 = tpu.memref_slice %arg6[%rem3A_181, %dma_wait3A_318, %dma_wait3A_319] : memref<2x4x128xi32, #tpu.memory_space<vmem>> -> memref<1x4x128xi32, #tpu.memory_space<vmem>>
        %dma_wait3A_321 = tpu.memref_squeeze %dma_wait3A_320 : memref<1x4x128xi32, #tpu.memory_space<vmem>> -> memref<4x128xi32, #tpu.memory_space<vmem>>
        %dma_wait3A_322 = arith.constant 0 : i32
        %dma_wait3A_323 = tpu.memref_slice %dma_wait3A_321[%dma_wait3A_308, %dma_wait3A_322] : memref<4x128xi32, #tpu.memory_space<vmem>> -> memref<1x128xi32, #tpu.memory_space<vmem>>
        %dma_wait3A_324 = tpu.memref_squeeze %dma_wait3A_323 : memref<1x128xi32, #tpu.memory_space<vmem>> -> memref<128xi32, #tpu.memory_space<vmem>>
        %dma_wait3A_325 = arith.constant 0 : i32
        %dma_wait3A_326 = arith.constant 0 : i32
        %dma_wait3A_327 = tpu.memref_slice %arg8[%dma_wait3A_325, %dma_wait3A_326] : memref<100352x16xf32, #tpu.memory_space<vmem_shared>> -> memref<100352x16xf32, #tpu.memory_space<vmem_shared>>
        tpu.wait_indirect_dma semaphore(%arg10 : memref<!tpu.dma_semaphore, #tpu.memory_space<semaphore_mem>>) src(%dma_wait3A_317 : memref<128x16xf32, #tpu.memory_space<vmem>>) dst(%dma_wait3A_327 : memref<100352x16xf32, #tpu.memory_space<vmem_shared>>)
        %dma_wait3A_328 = arith.constant 1 : i32
        %dma_wait3A_329 = arith.constant 1 : i32
        %dma_wait3A_330 = arith.constant 0 : i32
        %dma_wait3A_331 = arith.constant 0 : i32
        %dma_wait3A_332 = arith.constant 0 : i32
        %dma_wait3A_333 = tpu.memref_slice %arg5[%rem3A_181, %dma_wait3A_330, %dma_wait3A_331, %dma_wait3A_332] : memref<2x4x128x16xf32, #tpu.memory_space<vmem>> -> memref<1x4x128x16xf32, #tpu.memory_space<vmem>>
        %dma_wait3A_334 = tpu.memref_squeeze %dma_wait3A_333 : memref<1x4x128x16xf32, #tpu.memory_space<vmem>> -> memref<4x128x16xf32, #tpu.memory_space<vmem>>
        %dma_wait3A_335 = arith.constant 0 : i32
        %dma_wait3A_336 = arith.constant 0 : i32
        %dma_wait3A_337 = tpu.memref_slice %dma_wait3A_334[%dma_wait3A_328, %dma_wait3A_335, %dma_wait3A_336] : memref<4x128x16xf32, #tpu.memory_space<vmem>> -> memref<1x128x16xf32, #tpu.memory_space<vmem>>
        %dma_wait3A_338 = tpu.memref_squeeze %dma_wait3A_337 : memref<1x128x16xf32, #tpu.memory_space<vmem>> -> memref<128x16xf32, #tpu.memory_space<vmem>>
        %dma_wait3A_339 = arith.constant 0 : i32
        %dma_wait3A_340 = arith.constant 0 : i32
        %dma_wait3A_341 = tpu.memref_slice %arg6[%rem3A_181, %dma_wait3A_339, %dma_wait3A_340] : memref<2x4x128xi32, #tpu.memory_space<vmem>> -> memref<1x4x128xi32, #tpu.memory_space<vmem>>
        %dma_wait3A_342 = tpu.memref_squeeze %dma_wait3A_341 : memref<1x4x128xi32, #tpu.memory_space<vmem>> -> memref<4x128xi32, #tpu.memory_space<vmem>>
        %dma_wait3A_343 = arith.constant 0 : i32
        %dma_wait3A_344 = tpu.memref_slice %dma_wait3A_342[%dma_wait3A_329, %dma_wait3A_343] : memref<4x128xi32, #tpu.memory_space<vmem>> -> memref<1x128xi32, #tpu.memory_space<vmem>>
        %dma_wait3A_345 = tpu.memref_squeeze %dma_wait3A_344 : memref<1x128xi32, #tpu.memory_space<vmem>> -> memref<128xi32, #tpu.memory_space<vmem>>
        %dma_wait3A_346 = arith.constant 0 : i32
        %dma_wait3A_347 = arith.constant 0 : i32
        %dma_wait3A_348 = tpu.memref_slice %arg8[%dma_wait3A_346, %dma_wait3A_347] : memref<100352x16xf32, #tpu.memory_space<vmem_shared>> -> memref<100352x16xf32, #tpu.memory_space<vmem_shared>>
        tpu.wait_indirect_dma semaphore(%arg10 : memref<!tpu.dma_semaphore, #tpu.memory_space<semaphore_mem>>) src(%dma_wait3A_338 : memref<128x16xf32, #tpu.memory_space<vmem>>) dst(%dma_wait3A_348 : memref<100352x16xf32, #tpu.memory_space<vmem_shared>>)
        %dma_wait3A_349 = arith.constant 2 : i32
        %dma_wait3A_350 = arith.constant 2 : i32
        %dma_wait3A_351 = arith.constant 0 : i32
        %dma_wait3A_352 = arith.constant 0 : i32
        %dma_wait3A_353 = arith.constant 0 : i32
        %dma_wait3A_354 = tpu.memref_slice %arg5[%rem3A_181, %dma_wait3A_351, %dma_wait3A_352, %dma_wait3A_353] : memref<2x4x128x16xf32, #tpu.memory_space<vmem>> -> memref<1x4x128x16xf32, #tpu.memory_space<vmem>>
        %dma_wait3A_355 = tpu.memref_squeeze %dma_wait3A_354 : memref<1x4x128x16xf32, #tpu.memory_space<vmem>> -> memref<4x128x16xf32, #tpu.memory_space<vmem>>
        %dma_wait3A_356 = arith.constant 0 : i32
        %dma_wait3A_357 = arith.constant 0 : i32
        %dma_wait3A_358 = tpu.memref_slice %dma_wait3A_355[%dma_wait3A_349, %dma_wait3A_356, %dma_wait3A_357] : memref<4x128x16xf32, #tpu.memory_space<vmem>> -> memref<1x128x16xf32, #tpu.memory_space<vmem>>
        %dma_wait3A_359 = tpu.memref_squeeze %dma_wait3A_358 : memref<1x128x16xf32, #tpu.memory_space<vmem>> -> memref<128x16xf32, #tpu.memory_space<vmem>>
        %dma_wait3A_360 = arith.constant 0 : i32
        %dma_wait3A_361 = arith.constant 0 : i32
        %dma_wait3A_362 = tpu.memref_slice %arg6[%rem3A_181, %dma_wait3A_360, %dma_wait3A_361] : memref<2x4x128xi32, #tpu.memory_space<vmem>> -> memref<1x4x128xi32, #tpu.memory_space<vmem>>
        %dma_wait3A_363 = tpu.memref_squeeze %dma_wait3A_362 : memref<1x4x128xi32, #tpu.memory_space<vmem>> -> memref<4x128xi32, #tpu.memory_space<vmem>>
        %dma_wait3A_364 = arith.constant 0 : i32
        %dma_wait3A_365 = tpu.memref_slice %dma_wait3A_363[%dma_wait3A_350, %dma_wait3A_364] : memref<4x128xi32, #tpu.memory_space<vmem>> -> memref<1x128xi32, #tpu.memory_space<vmem>>
        %dma_wait3A_366 = tpu.memref_squeeze %dma_wait3A_365 : memref<1x128xi32, #tpu.memory_space<vmem>> -> memref<128xi32, #tpu.memory_space<vmem>>
        %dma_wait3A_367 = arith.constant 0 : i32
        %dma_wait3A_368 = arith.constant 0 : i32
        %dma_wait3A_369 = tpu.memref_slice %arg8[%dma_wait3A_367, %dma_wait3A_368] : memref<100352x16xf32, #tpu.memory_space<vmem_shared>> -> memref<100352x16xf32, #tpu.memory_space<vmem_shared>>
        tpu.wait_indirect_dma semaphore(%arg10 : memref<!tpu.dma_semaphore, #tpu.memory_space<semaphore_mem>>) src(%dma_wait3A_359 : memref<128x16xf32, #tpu.memory_space<vmem>>) dst(%dma_wait3A_369 : memref<100352x16xf32, #tpu.memory_space<vmem_shared>>)
        %dma_wait3A_370 = arith.constant 3 : i32
        %dma_wait3A_371 = arith.constant 3 : i32
        %dma_wait3A_372 = arith.constant 0 : i32
        %dma_wait3A_373 = arith.constant 0 : i32
        %dma_wait3A_374 = arith.constant 0 : i32
        %dma_wait3A_375 = tpu.memref_slice %arg5[%rem3A_181, %dma_wait3A_372, %dma_wait3A_373, %dma_wait3A_374] : memref<2x4x128x16xf32, #tpu.memory_space<vmem>> -> memref<1x4x128x16xf32, #tpu.memory_space<vmem>>
        %dma_wait3A_376 = tpu.memref_squeeze %dma_wait3A_375 : memref<1x4x128x16xf32, #tpu.memory_space<vmem>> -> memref<4x128x16xf32, #tpu.memory_space<vmem>>
        %dma_wait3A_377 = arith.constant 0 : i32
        %dma_wait3A_378 = arith.constant 0 : i32
        %dma_wait3A_379 = tpu.memref_slice %dma_wait3A_376[%dma_wait3A_370, %dma_wait3A_377, %dma_wait3A_378] : memref<4x128x16xf32, #tpu.memory_space<vmem>> -> memref<1x128x16xf32, #tpu.memory_space<vmem>>
        %dma_wait3A_380 = tpu.memref_squeeze %dma_wait3A_379 : memref<1x128x16xf32, #tpu.memory_space<vmem>> -> memref<128x16xf32, #tpu.memory_space<vmem>>
        %dma_wait3A_381 = arith.constant 0 : i32
        %dma_wait3A_382 = arith.constant 0 : i32
        %dma_wait3A_383 = tpu.memref_slice %arg6[%rem3A_181, %dma_wait3A_381, %dma_wait3A_382] : memref<2x4x128xi32, #tpu.memory_space<vmem>> -> memref<1x4x128xi32, #tpu.memory_space<vmem>>
        %dma_wait3A_384 = tpu.memref_squeeze %dma_wait3A_383 : memref<1x4x128xi32, #tpu.memory_space<vmem>> -> memref<4x128xi32, #tpu.memory_space<vmem>>
        %dma_wait3A_385 = arith.constant 0 : i32
        %dma_wait3A_386 = tpu.memref_slice %dma_wait3A_384[%dma_wait3A_371, %dma_wait3A_385] : memref<4x128xi32, #tpu.memory_space<vmem>> -> memref<1x128xi32, #tpu.memory_space<vmem>>
        %dma_wait3A_387 = tpu.memref_squeeze %dma_wait3A_386 : memref<1x128xi32, #tpu.memory_space<vmem>> -> memref<128xi32, #tpu.memory_space<vmem>>
        %dma_wait3A_388 = arith.constant 0 : i32
        %dma_wait3A_389 = arith.constant 0 : i32
        %dma_wait3A_390 = tpu.memref_slice %arg8[%dma_wait3A_388, %dma_wait3A_389] : memref<100352x16xf32, #tpu.memory_space<vmem_shared>> -> memref<100352x16xf32, #tpu.memory_space<vmem_shared>>
        tpu.wait_indirect_dma semaphore(%arg10 : memref<!tpu.dma_semaphore, #tpu.memory_space<semaphore_mem>>) src(%dma_wait3A_380 : memref<128x16xf32, #tpu.memory_space<vmem>>) dst(%dma_wait3A_390 : memref<100352x16xf32, #tpu.memory_space<vmem_shared>>)
      } else {
      }
      %add3A_187 = arith.constant 1 : i32
      %add3A_188 = arith.addi %while3A_176, %add3A_187 : i32
      %lt3A_189 = arith.cmpi slt, %add3A_188, %add3A_65 : i32
      %convert_element_type3A_190 = arith.extui %lt3A_189 : i1 to i32
      %cond3A_191 = arith.constant 0 : i32
      %cond3A_192 = arith.cmpi ne, %convert_element_type3A_190, %cond3A_191 : i32
      scf.if %cond3A_192 {
        %add3A_307 = arith.constant 1 : i32
        %add3A_308 = arith.addi %while3A_176, %add3A_307 : i32
        %add3A_309 = arith.addi %add3A_69, %add3A_308 : i32
        %mul3A_310 = arith.constant 4 : i32
        %mul3A_311 = arith.muli %add3A_309, %mul3A_310 : i32
        %dma_start3A_312 = arith.constant 0 : i32
        %dma_start3A_313 = arith.constant 0 : i32
        %dma_start3A_314 = arith.constant 0 : i32
        %dma_start3A_315 = tpu.memref_slice %arg5[%rem3A_181, %dma_start3A_312, %dma_start3A_313, %dma_start3A_314] : memref<2x4x128x16xf32, #tpu.memory_space<vmem>> -> memref<1x4x128x16xf32, #tpu.memory_space<vmem>>
        %dma_start3A_316 = tpu.memref_squeeze %dma_start3A_315 : memref<1x4x128x16xf32, #tpu.memory_space<vmem>> -> memref<4x128x16xf32, #tpu.memory_space<vmem>>
        %dma_start3A_317 = arith.constant 0 : i32
        %dma_start3A_318 = arith.constant 0 : i32
        %dma_start3A_319 = tpu.memref_slice %arg2[%mul3A_311, %dma_start3A_317, %dma_start3A_318] : memref<25000x128x16xf32, #tpu.memory_space<hbm>> -> memref<4x128x16xf32, #tpu.memory_space<hbm>>
        %dma_start3A_320 = arith.constant 0 : i32
        %dma_start3A_321 = arith.constant 0 : i32
        %dma_start3A_322 = arith.constant 0 : i32
        %dma_start3A_323 = tpu.memref_slice %arg5[%rem3A_181, %dma_start3A_320, %dma_start3A_321, %dma_start3A_322] : memref<2x4x128x16xf32, #tpu.memory_space<vmem>> -> memref<1x4x128x16xf32, #tpu.memory_space<vmem>>
        %dma_start3A_324 = tpu.memref_squeeze %dma_start3A_323 : memref<1x4x128x16xf32, #tpu.memory_space<vmem>> -> memref<4x128x16xf32, #tpu.memory_space<vmem>>
        %dma_start3A_325 = arith.constant 0 : i32
        %dma_start3A_326 = arith.constant 0 : i32
        %dma_start3A_327 = tpu.memref_slice %arg2[%mul3A_311, %dma_start3A_325, %dma_start3A_326] : memref<25000x128x16xf32, #tpu.memory_space<hbm>> -> memref<4x128x16xf32, #tpu.memory_space<hbm>>
        tpu.enqueue_dma source(%dma_start3A_327 : memref<4x128x16xf32, #tpu.memory_space<hbm>>) target(%dma_start3A_324 : memref<4x128x16xf32, #tpu.memory_space<vmem>>) target_semaphore(%arg9 : memref<!tpu.dma_semaphore, #tpu.memory_space<semaphore_mem>>)
        %dma_start3A_328 = arith.constant 0 : i32
        %dma_start3A_329 = arith.constant 0 : i32
        %dma_start3A_330 = tpu.memref_slice %arg6[%rem3A_181, %dma_start3A_328, %dma_start3A_329] : memref<2x4x128xi32, #tpu.memory_space<vmem>> -> memref<1x4x128xi32, #tpu.memory_space<vmem>>
        %dma_start3A_331 = tpu.memref_squeeze %dma_start3A_330 : memref<1x4x128xi32, #tpu.memory_space<vmem>> -> memref<4x128xi32, #tpu.memory_space<vmem>>
        %dma_start3A_332 = arith.constant 0 : i32
        %dma_start3A_333 = tpu.memref_slice %arg3[%mul3A_311, %dma_start3A_332] : memref<25000x128xi32, #tpu.memory_space<hbm>> -> memref<4x128xi32, #tpu.memory_space<hbm>>
        %dma_start3A_334 = arith.constant 0 : i32
        %dma_start3A_335 = arith.constant 0 : i32
        %dma_start3A_336 = tpu.memref_slice %arg6[%rem3A_181, %dma_start3A_334, %dma_start3A_335] : memref<2x4x128xi32, #tpu.memory_space<vmem>> -> memref<1x4x128xi32, #tpu.memory_space<vmem>>
        %dma_start3A_337 = tpu.memref_squeeze %dma_start3A_336 : memref<1x4x128xi32, #tpu.memory_space<vmem>> -> memref<4x128xi32, #tpu.memory_space<vmem>>
        %dma_start3A_338 = arith.constant 0 : i32
        %dma_start3A_339 = tpu.memref_slice %arg3[%mul3A_311, %dma_start3A_338] : memref<25000x128xi32, #tpu.memory_space<hbm>> -> memref<4x128xi32, #tpu.memory_space<hbm>>
        tpu.enqueue_dma source(%dma_start3A_339 : memref<4x128xi32, #tpu.memory_space<hbm>>) target(%dma_start3A_337 : memref<4x128xi32, #tpu.memory_space<vmem>>) target_semaphore(%arg9 : memref<!tpu.dma_semaphore, #tpu.memory_space<semaphore_mem>>)
      } else {
      }
      %dma_wait3A = arith.constant 0 : i32
      %dma_wait3A_193 = arith.constant 0 : i32
      %dma_wait3A_194 = arith.constant 0 : i32
      %dma_wait3A_195 = tpu.memref_slice %arg5[%rem3A_177, %dma_wait3A, %dma_wait3A_193, %dma_wait3A_194] : memref<2x4x128x16xf32, #tpu.memory_space<vmem>> -> memref<1x4x128x16xf32, #tpu.memory_space<vmem>>
      %dma_wait3A_196 = tpu.memref_squeeze %dma_wait3A_195 : memref<1x4x128x16xf32, #tpu.memory_space<vmem>> -> memref<4x128x16xf32, #tpu.memory_space<vmem>>
      %dma_wait3A_197 = arith.constant 0 : i32
      %dma_wait3A_198 = arith.constant 0 : i32
      %dma_wait3A_199 = arith.constant 0 : i32
      %dma_wait3A_200 = tpu.memref_slice %arg2[%dma_wait3A_197, %dma_wait3A_198, %dma_wait3A_199] : memref<25000x128x16xf32, #tpu.memory_space<hbm>> -> memref<4x128x16xf32, #tpu.memory_space<hbm>>
      %dma_wait3A_201 = arith.constant 0 : i32
      %dma_wait3A_202 = arith.constant 0 : i32
      %dma_wait3A_203 = arith.constant 0 : i32
      %dma_wait3A_204 = tpu.memref_slice %arg5[%rem3A_177, %dma_wait3A_201, %dma_wait3A_202, %dma_wait3A_203] : memref<2x4x128x16xf32, #tpu.memory_space<vmem>> -> memref<1x4x128x16xf32, #tpu.memory_space<vmem>>
      %dma_wait3A_205 = tpu.memref_squeeze %dma_wait3A_204 : memref<1x4x128x16xf32, #tpu.memory_space<vmem>> -> memref<4x128x16xf32, #tpu.memory_space<vmem>>
      %dma_wait3A_206 = arith.constant 0 : i32
      %dma_wait3A_207 = arith.constant 0 : i32
      %dma_wait3A_208 = arith.constant 0 : i32
      %dma_wait3A_209 = tpu.memref_slice %arg2[%dma_wait3A_206, %dma_wait3A_207, %dma_wait3A_208] : memref<25000x128x16xf32, #tpu.memory_space<hbm>> -> memref<4x128x16xf32, #tpu.memory_space<hbm>>
      tpu.wait_dma2 semaphore(%arg9 : memref<!tpu.dma_semaphore, #tpu.memory_space<semaphore_mem>>) src(%dma_wait3A_209 : memref<4x128x16xf32, #tpu.memory_space<hbm>>) dst(%dma_wait3A_205 : memref<4x128x16xf32, #tpu.memory_space<vmem>>)
      %dma_wait3A_210 = arith.constant 0 : i32
      %dma_wait3A_211 = arith.constant 0 : i32
      %dma_wait3A_212 = tpu.memref_slice %arg6[%rem3A_177, %dma_wait3A_210, %dma_wait3A_211] : memref<2x4x128xi32, #tpu.memory_space<vmem>> -> memref<1x4x128xi32, #tpu.memory_space<vmem>>
      %dma_wait3A_213 = tpu.memref_squeeze %dma_wait3A_212 : memref<1x4x128xi32, #tpu.memory_space<vmem>> -> memref<4x128xi32, #tpu.memory_space<vmem>>
      %dma_wait3A_214 = arith.constant 0 : i32
      %dma_wait3A_215 = arith.constant 0 : i32
      %dma_wait3A_216 = tpu.memref_slice %arg3[%dma_wait3A_214, %dma_wait3A_215] : memref<25000x128xi32, #tpu.memory_space<hbm>> -> memref<4x128xi32, #tpu.memory_space<hbm>>
      %dma_wait3A_217 = arith.constant 0 : i32
      %dma_wait3A_218 = arith.constant 0 : i32
      %dma_wait3A_219 = tpu.memref_slice %arg6[%rem3A_177, %dma_wait3A_217, %dma_wait3A_218] : memref<2x4x128xi32, #tpu.memory_space<vmem>> -> memref<1x4x128xi32, #tpu.memory_space<vmem>>
      %dma_wait3A_220 = tpu.memref_squeeze %dma_wait3A_219 : memref<1x4x128xi32, #tpu.memory_space<vmem>> -> memref<4x128xi32, #tpu.memory_space<vmem>>
      %dma_wait3A_221 = arith.constant 0 : i32
      %dma_wait3A_222 = arith.constant 0 : i32
      %dma_wait3A_223 = tpu.memref_slice %arg3[%dma_wait3A_221, %dma_wait3A_222] : memref<25000x128xi32, #tpu.memory_space<hbm>> -> memref<4x128xi32, #tpu.memory_space<hbm>>
      tpu.wait_dma2 semaphore(%arg9 : memref<!tpu.dma_semaphore, #tpu.memory_space<semaphore_mem>>) src(%dma_wait3A_223 : memref<4x128xi32, #tpu.memory_space<hbm>>) dst(%dma_wait3A_220 : memref<4x128xi32, #tpu.memory_space<vmem>>)
      %dma_start3A = arith.constant 0 : i32
      %dma_start3A_224 = arith.constant 0 : i32
      %dma_start3A_225 = arith.constant 0 : i32
      %dma_start3A_226 = arith.constant 0 : i32
      %dma_start3A_227 = arith.constant 0 : i32
      %dma_start3A_228 = tpu.memref_slice %arg5[%rem3A_177, %dma_start3A_225, %dma_start3A_226, %dma_start3A_227] : memref<2x4x128x16xf32, #tpu.memory_space<vmem>> -> memref<1x4x128x16xf32, #tpu.memory_space<vmem>>
      %dma_start3A_229 = tpu.memref_squeeze %dma_start3A_228 : memref<1x4x128x16xf32, #tpu.memory_space<vmem>> -> memref<4x128x16xf32, #tpu.memory_space<vmem>>
      %dma_start3A_230 = arith.constant 0 : i32
      %dma_start3A_231 = arith.constant 0 : i32
      %dma_start3A_232 = tpu.memref_slice %dma_start3A_229[%dma_start3A, %dma_start3A_230, %dma_start3A_231] : memref<4x128x16xf32, #tpu.memory_space<vmem>> -> memref<1x128x16xf32, #tpu.memory_space<vmem>>
      %dma_start3A_233 = tpu.memref_squeeze %dma_start3A_232 : memref<1x128x16xf32, #tpu.memory_space<vmem>> -> memref<128x16xf32, #tpu.memory_space<vmem>>
      %dma_start3A_234 = arith.constant 0 : i32
      %dma_start3A_235 = arith.constant 0 : i32
      %dma_start3A_236 = tpu.memref_slice %arg6[%rem3A_177, %dma_start3A_234, %dma_start3A_235] : memref<2x4x128xi32, #tpu.memory_space<vmem>> -> memref<1x4x128xi32, #tpu.memory_space<vmem>>
      %dma_start3A_237 = tpu.memref_squeeze %dma_start3A_236 : memref<1x4x128xi32, #tpu.memory_space<vmem>> -> memref<4x128xi32, #tpu.memory_space<vmem>>
      %dma_start3A_238 = arith.constant 0 : i32
      %dma_start3A_239 = tpu.memref_slice %dma_start3A_237[%dma_start3A_224, %dma_start3A_238] : memref<4x128xi32, #tpu.memory_space<vmem>> -> memref<1x128xi32, #tpu.memory_space<vmem>>
      %dma_start3A_240 = tpu.memref_squeeze %dma_start3A_239 : memref<1x128xi32, #tpu.memory_space<vmem>> -> memref<128xi32, #tpu.memory_space<vmem>>
      %dma_start3A_241 = arith.constant 0 : i32
      %dma_start3A_242 = arith.constant 0 : i32
      %dma_start3A_243 = tpu.memref_slice %arg8[%dma_start3A_241, %dma_start3A_242] : memref<100352x16xf32, #tpu.memory_space<vmem_shared>> -> memref<100352x16xf32, #tpu.memory_space<vmem_shared>>
      tpu.enqueue_indirect_dma source(%dma_start3A_233 : memref<128x16xf32, #tpu.memory_space<vmem>>) target(%dma_start3A_243 : memref<100352x16xf32, #tpu.memory_space<vmem_shared>>) offsets(%dma_start3A_240 : memref<128xi32, #tpu.memory_space<vmem>>) semaphore(%arg10 : memref<!tpu.dma_semaphore, #tpu.memory_space<semaphore_mem>>) {add = true}
      %dma_start3A_244 = arith.constant 1 : i32
      %dma_start3A_245 = arith.constant 1 : i32
      %dma_start3A_246 = arith.constant 0 : i32
      %dma_start3A_247 = arith.constant 0 : i32
      %dma_start3A_248 = arith.constant 0 : i32
      %dma_start3A_249 = tpu.memref_slice %arg5[%rem3A_177, %dma_start3A_246, %dma_start3A_247, %dma_start3A_248] : memref<2x4x128x16xf32, #tpu.memory_space<vmem>> -> memref<1x4x128x16xf32, #tpu.memory_space<vmem>>
      %dma_start3A_250 = tpu.memref_squeeze %dma_start3A_249 : memref<1x4x128x16xf32, #tpu.memory_space<vmem>> -> memref<4x128x16xf32, #tpu.memory_space<vmem>>
      %dma_start3A_251 = arith.constant 0 : i32
      %dma_start3A_252 = arith.constant 0 : i32
      %dma_start3A_253 = tpu.memref_slice %dma_start3A_250[%dma_start3A_244, %dma_start3A_251, %dma_start3A_252] : memref<4x128x16xf32, #tpu.memory_space<vmem>> -> memref<1x128x16xf32, #tpu.memory_space<vmem>>
      %dma_start3A_254 = tpu.memref_squeeze %dma_start3A_253 : memref<1x128x16xf32, #tpu.memory_space<vmem>> -> memref<128x16xf32, #tpu.memory_space<vmem>>
      %dma_start3A_255 = arith.constant 0 : i32
      %dma_start3A_256 = arith.constant 0 : i32
      %dma_start3A_257 = tpu.memref_slice %arg6[%rem3A_177, %dma_start3A_255, %dma_start3A_256] : memref<2x4x128xi32, #tpu.memory_space<vmem>> -> memref<1x4x128xi32, #tpu.memory_space<vmem>>
      %dma_start3A_258 = tpu.memref_squeeze %dma_start3A_257 : memref<1x4x128xi32, #tpu.memory_space<vmem>> -> memref<4x128xi32, #tpu.memory_space<vmem>>
      %dma_start3A_259 = arith.constant 0 : i32
      %dma_start3A_260 = tpu.memref_slice %dma_start3A_258[%dma_start3A_245, %dma_start3A_259] : memref<4x128xi32, #tpu.memory_space<vmem>> -> memref<1x128xi32, #tpu.memory_space<vmem>>
      %dma_start3A_261 = tpu.memref_squeeze %dma_start3A_260 : memref<1x128xi32, #tpu.memory_space<vmem>> -> memref<128xi32, #tpu.memory_space<vmem>>
      %dma_start3A_262 = arith.constant 0 : i32
      %dma_start3A_263 = arith.constant 0 : i32
      %dma_start3A_264 = tpu.memref_slice %arg8[%dma_start3A_262, %dma_start3A_263] : memref<100352x16xf32, #tpu.memory_space<vmem_shared>> -> memref<100352x16xf32, #tpu.memory_space<vmem_shared>>
      tpu.enqueue_indirect_dma source(%dma_start3A_254 : memref<128x16xf32, #tpu.memory_space<vmem>>) target(%dma_start3A_264 : memref<100352x16xf32, #tpu.memory_space<vmem_shared>>) offsets(%dma_start3A_261 : memref<128xi32, #tpu.memory_space<vmem>>) semaphore(%arg10 : memref<!tpu.dma_semaphore, #tpu.memory_space<semaphore_mem>>) {add = true}
      %dma_start3A_265 = arith.constant 2 : i32
      %dma_start3A_266 = arith.constant 2 : i32
      %dma_start3A_267 = arith.constant 0 : i32
      %dma_start3A_268 = arith.constant 0 : i32
      %dma_start3A_269 = arith.constant 0 : i32
      %dma_start3A_270 = tpu.memref_slice %arg5[%rem3A_177, %dma_start3A_267, %dma_start3A_268, %dma_start3A_269] : memref<2x4x128x16xf32, #tpu.memory_space<vmem>> -> memref<1x4x128x16xf32, #tpu.memory_space<vmem>>
      %dma_start3A_271 = tpu.memref_squeeze %dma_start3A_270 : memref<1x4x128x16xf32, #tpu.memory_space<vmem>> -> memref<4x128x16xf32, #tpu.memory_space<vmem>>
      %dma_start3A_272 = arith.constant 0 : i32
      %dma_start3A_273 = arith.constant 0 : i32
      %dma_start3A_274 = tpu.memref_slice %dma_start3A_271[%dma_start3A_265, %dma_start3A_272, %dma_start3A_273] : memref<4x128x16xf32, #tpu.memory_space<vmem>> -> memref<1x128x16xf32, #tpu.memory_space<vmem>>
      %dma_start3A_275 = tpu.memref_squeeze %dma_start3A_274 : memref<1x128x16xf32, #tpu.memory_space<vmem>> -> memref<128x16xf32, #tpu.memory_space<vmem>>
      %dma_start3A_276 = arith.constant 0 : i32
      %dma_start3A_277 = arith.constant 0 : i32
      %dma_start3A_278 = tpu.memref_slice %arg6[%rem3A_177, %dma_start3A_276, %dma_start3A_277] : memref<2x4x128xi32, #tpu.memory_space<vmem>> -> memref<1x4x128xi32, #tpu.memory_space<vmem>>
      %dma_start3A_279 = tpu.memref_squeeze %dma_start3A_278 : memref<1x4x128xi32, #tpu.memory_space<vmem>> -> memref<4x128xi32, #tpu.memory_space<vmem>>
      %dma_start3A_280 = arith.constant 0 : i32
      %dma_start3A_281 = tpu.memref_slice %dma_start3A_279[%dma_start3A_266, %dma_start3A_280] : memref<4x128xi32, #tpu.memory_space<vmem>> -> memref<1x128xi32, #tpu.memory_space<vmem>>
      %dma_start3A_282 = tpu.memref_squeeze %dma_start3A_281 : memref<1x128xi32, #tpu.memory_space<vmem>> -> memref<128xi32, #tpu.memory_space<vmem>>
      %dma_start3A_283 = arith.constant 0 : i32
      %dma_start3A_284 = arith.constant 0 : i32
      %dma_start3A_285 = tpu.memref_slice %arg8[%dma_start3A_283, %dma_start3A_284] : memref<100352x16xf32, #tpu.memory_space<vmem_shared>> -> memref<100352x16xf32, #tpu.memory_space<vmem_shared>>
      tpu.enqueue_indirect_dma source(%dma_start3A_275 : memref<128x16xf32, #tpu.memory_space<vmem>>) target(%dma_start3A_285 : memref<100352x16xf32, #tpu.memory_space<vmem_shared>>) offsets(%dma_start3A_282 : memref<128xi32, #tpu.memory_space<vmem>>) semaphore(%arg10 : memref<!tpu.dma_semaphore, #tpu.memory_space<semaphore_mem>>) {add = true}
      %dma_start3A_286 = arith.constant 3 : i32
      %dma_start3A_287 = arith.constant 3 : i32
      %dma_start3A_288 = arith.constant 0 : i32
      %dma_start3A_289 = arith.constant 0 : i32
      %dma_start3A_290 = arith.constant 0 : i32
      %dma_start3A_291 = tpu.memref_slice %arg5[%rem3A_177, %dma_start3A_288, %dma_start3A_289, %dma_start3A_290] : memref<2x4x128x16xf32, #tpu.memory_space<vmem>> -> memref<1x4x128x16xf32, #tpu.memory_space<vmem>>
      %dma_start3A_292 = tpu.memref_squeeze %dma_start3A_291 : memref<1x4x128x16xf32, #tpu.memory_space<vmem>> -> memref<4x128x16xf32, #tpu.memory_space<vmem>>
      %dma_start3A_293 = arith.constant 0 : i32
      %dma_start3A_294 = arith.constant 0 : i32
      %dma_start3A_295 = tpu.memref_slice %dma_start3A_292[%dma_start3A_286, %dma_start3A_293, %dma_start3A_294] : memref<4x128x16xf32, #tpu.memory_space<vmem>> -> memref<1x128x16xf32, #tpu.memory_space<vmem>>
      %dma_start3A_296 = tpu.memref_squeeze %dma_start3A_295 : memref<1x128x16xf32, #tpu.memory_space<vmem>> -> memref<128x16xf32, #tpu.memory_space<vmem>>
      %dma_start3A_297 = arith.constant 0 : i32
      %dma_start3A_298 = arith.constant 0 : i32
      %dma_start3A_299 = tpu.memref_slice %arg6[%rem3A_177, %dma_start3A_297, %dma_start3A_298] : memref<2x4x128xi32, #tpu.memory_space<vmem>> -> memref<1x4x128xi32, #tpu.memory_space<vmem>>
      %dma_start3A_300 = tpu.memref_squeeze %dma_start3A_299 : memref<1x4x128xi32, #tpu.memory_space<vmem>> -> memref<4x128xi32, #tpu.memory_space<vmem>>
      %dma_start3A_301 = arith.constant 0 : i32
      %dma_start3A_302 = tpu.memref_slice %dma_start3A_300[%dma_start3A_287, %dma_start3A_301] : memref<4x128xi32, #tpu.memory_space<vmem>> -> memref<1x128xi32, #tpu.memory_space<vmem>>
      %dma_start3A_303 = tpu.memref_squeeze %dma_start3A_302 : memref<1x128xi32, #tpu.memory_space<vmem>> -> memref<128xi32, #tpu.memory_space<vmem>>
      %dma_start3A_304 = arith.constant 0 : i32
      %dma_start3A_305 = arith.constant 0 : i32
      %dma_start3A_306 = tpu.memref_slice %arg8[%dma_start3A_304, %dma_start3A_305] : memref<100352x16xf32, #tpu.memory_space<vmem_shared>> -> memref<100352x16xf32, #tpu.memory_space<vmem_shared>>
      tpu.enqueue_indirect_dma source(%dma_start3A_296 : memref<128x16xf32, #tpu.memory_space<vmem>>) target(%dma_start3A_306 : memref<100352x16xf32, #tpu.memory_space<vmem_shared>>) offsets(%dma_start3A_303 : memref<128xi32, #tpu.memory_space<vmem>>) semaphore(%arg10 : memref<!tpu.dma_semaphore, #tpu.memory_space<semaphore_mem>>) {add = true}
    }
    %gt3A_81 = arith.constant 0 : i32
    %gt3A_82 = arith.cmpi sgt, %add3A_65, %gt3A_81 : i32
    %convert_element_type3A_83 = arith.extui %gt3A_82 : i1 to i32
    %cond3A_84 = arith.constant 0 : i32
    %cond3A_85 = arith.cmpi ne, %convert_element_type3A_83, %cond3A_84 : i32
    scf.if %cond3A_85 {
      %sub3A = arith.constant 1 : i32
      %sub3A_176 = arith.subi %add3A_65, %sub3A : i32
      %rem3A = arith.constant 2 : i32
      %rem3A_177 = arith.remsi %sub3A_176, %rem3A : i32
      %dma_wait3A = arith.constant 0 : i32
      %dma_wait3A_178 = arith.constant 0 : i32
      %dma_wait3A_179 = arith.constant 0 : i32
      %dma_wait3A_180 = arith.constant 0 : i32
      %dma_wait3A_181 = arith.constant 0 : i32
      %dma_wait3A_182 = tpu.memref_slice %arg5[%rem3A_177, %dma_wait3A_179, %dma_wait3A_180, %dma_wait3A_181] : memref<2x4x128x16xf32, #tpu.memory_space<vmem>> -> memref<1x4x128x16xf32, #tpu.memory_space<vmem>>
      %dma_wait3A_183 = tpu.memref_squeeze %dma_wait3A_182 : memref<1x4x128x16xf32, #tpu.memory_space<vmem>> -> memref<4x128x16xf32, #tpu.memory_space<vmem>>
      %dma_wait3A_184 = arith.constant 0 : i32
      %dma_wait3A_185 = arith.constant 0 : i32
      %dma_wait3A_186 = tpu.memref_slice %dma_wait3A_183[%dma_wait3A, %dma_wait3A_184, %dma_wait3A_185] : memref<4x128x16xf32, #tpu.memory_space<vmem>> -> memref<1x128x16xf32, #tpu.memory_space<vmem>>
      %dma_wait3A_187 = tpu.memref_squeeze %dma_wait3A_186 : memref<1x128x16xf32, #tpu.memory_space<vmem>> -> memref<128x16xf32, #tpu.memory_space<vmem>>
      %dma_wait3A_188 = arith.constant 0 : i32
      %dma_wait3A_189 = arith.constant 0 : i32
      %dma_wait3A_190 = tpu.memref_slice %arg6[%rem3A_177, %dma_wait3A_188, %dma_wait3A_189] : memref<2x4x128xi32, #tpu.memory_space<vmem>> -> memref<1x4x128xi32, #tpu.memory_space<vmem>>
      %dma_wait3A_191 = tpu.memref_squeeze %dma_wait3A_190 : memref<1x4x128xi32, #tpu.memory_space<vmem>> -> memref<4x128xi32, #tpu.memory_space<vmem>>
      %dma_wait3A_192 = arith.constant 0 : i32
      %dma_wait3A_193 = tpu.memref_slice %dma_wait3A_191[%dma_wait3A_178, %dma_wait3A_192] : memref<4x128xi32, #tpu.memory_space<vmem>> -> memref<1x128xi32, #tpu.memory_space<vmem>>
      %dma_wait3A_194 = tpu.memref_squeeze %dma_wait3A_193 : memref<1x128xi32, #tpu.memory_space<vmem>> -> memref<128xi32, #tpu.memory_space<vmem>>
      %dma_wait3A_195 = arith.constant 0 : i32
      %dma_wait3A_196 = arith.constant 0 : i32
      %dma_wait3A_197 = tpu.memref_slice %arg8[%dma_wait3A_195, %dma_wait3A_196] : memref<100352x16xf32, #tpu.memory_space<vmem_shared>> -> memref<100352x16xf32, #tpu.memory_space<vmem_shared>>
      tpu.wait_indirect_dma semaphore(%arg10 : memref<!tpu.dma_semaphore, #tpu.memory_space<semaphore_mem>>) src(%dma_wait3A_187 : memref<128x16xf32, #tpu.memory_space<vmem>>) dst(%dma_wait3A_197 : memref<100352x16xf32, #tpu.memory_space<vmem_shared>>)
      %dma_wait3A_198 = arith.constant 1 : i32
      %dma_wait3A_199 = arith.constant 1 : i32
      %dma_wait3A_200 = arith.constant 0 : i32
      %dma_wait3A_201 = arith.constant 0 : i32
      %dma_wait3A_202 = arith.constant 0 : i32
      %dma_wait3A_203 = tpu.memref_slice %arg5[%rem3A_177, %dma_wait3A_200, %dma_wait3A_201, %dma_wait3A_202] : memref<2x4x128x16xf32, #tpu.memory_space<vmem>> -> memref<1x4x128x16xf32, #tpu.memory_space<vmem>>
      %dma_wait3A_204 = tpu.memref_squeeze %dma_wait3A_203 : memref<1x4x128x16xf32, #tpu.memory_space<vmem>> -> memref<4x128x16xf32, #tpu.memory_space<vmem>>
      %dma_wait3A_205 = arith.constant 0 : i32
      %dma_wait3A_206 = arith.constant 0 : i32
      %dma_wait3A_207 = tpu.memref_slice %dma_wait3A_204[%dma_wait3A_198, %dma_wait3A_205, %dma_wait3A_206] : memref<4x128x16xf32, #tpu.memory_space<vmem>> -> memref<1x128x16xf32, #tpu.memory_space<vmem>>
      %dma_wait3A_208 = tpu.memref_squeeze %dma_wait3A_207 : memref<1x128x16xf32, #tpu.memory_space<vmem>> -> memref<128x16xf32, #tpu.memory_space<vmem>>
      %dma_wait3A_209 = arith.constant 0 : i32
      %dma_wait3A_210 = arith.constant 0 : i32
      %dma_wait3A_211 = tpu.memref_slice %arg6[%rem3A_177, %dma_wait3A_209, %dma_wait3A_210] : memref<2x4x128xi32, #tpu.memory_space<vmem>> -> memref<1x4x128xi32, #tpu.memory_space<vmem>>
      %dma_wait3A_212 = tpu.memref_squeeze %dma_wait3A_211 : memref<1x4x128xi32, #tpu.memory_space<vmem>> -> memref<4x128xi32, #tpu.memory_space<vmem>>
      %dma_wait3A_213 = arith.constant 0 : i32
      %dma_wait3A_214 = tpu.memref_slice %dma_wait3A_212[%dma_wait3A_199, %dma_wait3A_213] : memref<4x128xi32, #tpu.memory_space<vmem>> -> memref<1x128xi32, #tpu.memory_space<vmem>>
      %dma_wait3A_215 = tpu.memref_squeeze %dma_wait3A_214 : memref<1x128xi32, #tpu.memory_space<vmem>> -> memref<128xi32, #tpu.memory_space<vmem>>
      %dma_wait3A_216 = arith.constant 0 : i32
      %dma_wait3A_217 = arith.constant 0 : i32
      %dma_wait3A_218 = tpu.memref_slice %arg8[%dma_wait3A_216, %dma_wait3A_217] : memref<100352x16xf32, #tpu.memory_space<vmem_shared>> -> memref<100352x16xf32, #tpu.memory_space<vmem_shared>>
      tpu.wait_indirect_dma semaphore(%arg10 : memref<!tpu.dma_semaphore, #tpu.memory_space<semaphore_mem>>) src(%dma_wait3A_208 : memref<128x16xf32, #tpu.memory_space<vmem>>) dst(%dma_wait3A_218 : memref<100352x16xf32, #tpu.memory_space<vmem_shared>>)
      %dma_wait3A_219 = arith.constant 2 : i32
      %dma_wait3A_220 = arith.constant 2 : i32
      %dma_wait3A_221 = arith.constant 0 : i32
      %dma_wait3A_222 = arith.constant 0 : i32
      %dma_wait3A_223 = arith.constant 0 : i32
      %dma_wait3A_224 = tpu.memref_slice %arg5[%rem3A_177, %dma_wait3A_221, %dma_wait3A_222, %dma_wait3A_223] : memref<2x4x128x16xf32, #tpu.memory_space<vmem>> -> memref<1x4x128x16xf32, #tpu.memory_space<vmem>>
      %dma_wait3A_225 = tpu.memref_squeeze %dma_wait3A_224 : memref<1x4x128x16xf32, #tpu.memory_space<vmem>> -> memref<4x128x16xf32, #tpu.memory_space<vmem>>
      %dma_wait3A_226 = arith.constant 0 : i32
      %dma_wait3A_227 = arith.constant 0 : i32
      %dma_wait3A_228 = tpu.memref_slice %dma_wait3A_225[%dma_wait3A_219, %dma_wait3A_226, %dma_wait3A_227] : memref<4x128x16xf32, #tpu.memory_space<vmem>> -> memref<1x128x16xf32, #tpu.memory_space<vmem>>
      %dma_wait3A_229 = tpu.memref_squeeze %dma_wait3A_228 : memref<1x128x16xf32, #tpu.memory_space<vmem>> -> memref<128x16xf32, #tpu.memory_space<vmem>>
      %dma_wait3A_230 = arith.constant 0 : i32
      %dma_wait3A_231 = arith.constant 0 : i32
      %dma_wait3A_232 = tpu.memref_slice %arg6[%rem3A_177, %dma_wait3A_230, %dma_wait3A_231] : memref<2x4x128xi32, #tpu.memory_space<vmem>> -> memref<1x4x128xi32, #tpu.memory_space<vmem>>
      %dma_wait3A_233 = tpu.memref_squeeze %dma_wait3A_232 : memref<1x4x128xi32, #tpu.memory_space<vmem>> -> memref<4x128xi32, #tpu.memory_space<vmem>>
      %dma_wait3A_234 = arith.constant 0 : i32
      %dma_wait3A_235 = tpu.memref_slice %dma_wait3A_233[%dma_wait3A_220, %dma_wait3A_234] : memref<4x128xi32, #tpu.memory_space<vmem>> -> memref<1x128xi32, #tpu.memory_space<vmem>>
      %dma_wait3A_236 = tpu.memref_squeeze %dma_wait3A_235 : memref<1x128xi32, #tpu.memory_space<vmem>> -> memref<128xi32, #tpu.memory_space<vmem>>
      %dma_wait3A_237 = arith.constant 0 : i32
      %dma_wait3A_238 = arith.constant 0 : i32
      %dma_wait3A_239 = tpu.memref_slice %arg8[%dma_wait3A_237, %dma_wait3A_238] : memref<100352x16xf32, #tpu.memory_space<vmem_shared>> -> memref<100352x16xf32, #tpu.memory_space<vmem_shared>>
      tpu.wait_indirect_dma semaphore(%arg10 : memref<!tpu.dma_semaphore, #tpu.memory_space<semaphore_mem>>) src(%dma_wait3A_229 : memref<128x16xf32, #tpu.memory_space<vmem>>) dst(%dma_wait3A_239 : memref<100352x16xf32, #tpu.memory_space<vmem_shared>>)
      %dma_wait3A_240 = arith.constant 3 : i32
      %dma_wait3A_241 = arith.constant 3 : i32
      %dma_wait3A_242 = arith.constant 0 : i32
      %dma_wait3A_243 = arith.constant 0 : i32
      %dma_wait3A_244 = arith.constant 0 : i32
      %dma_wait3A_245 = tpu.memref_slice %arg5[%rem3A_177, %dma_wait3A_242, %dma_wait3A_243, %dma_wait3A_244] : memref<2x4x128x16xf32, #tpu.memory_space<vmem>> -> memref<1x4x128x16xf32, #tpu.memory_space<vmem>>
      %dma_wait3A_246 = tpu.memref_squeeze %dma_wait3A_245 : memref<1x4x128x16xf32, #tpu.memory_space<vmem>> -> memref<4x128x16xf32, #tpu.memory_space<vmem>>
      %dma_wait3A_247 = arith.constant 0 : i32
      %dma_wait3A_248 = arith.constant 0 : i32
      %dma_wait3A_249 = tpu.memref_slice %dma_wait3A_246[%dma_wait3A_240, %dma_wait3A_247, %dma_wait3A_248] : memref<4x128x16xf32, #tpu.memory_space<vmem>> -> memref<1x128x16xf32, #tpu.memory_space<vmem>>
      %dma_wait3A_250 = tpu.memref_squeeze %dma_wait3A_249 : memref<1x128x16xf32, #tpu.memory_space<vmem>> -> memref<128x16xf32, #tpu.memory_space<vmem>>
      %dma_wait3A_251 = arith.constant 0 : i32
      %dma_wait3A_252 = arith.constant 0 : i32
      %dma_wait3A_253 = tpu.memref_slice %arg6[%rem3A_177, %dma_wait3A_251, %dma_wait3A_252] : memref<2x4x128xi32, #tpu.memory_space<vmem>> -> memref<1x4x128xi32, #tpu.memory_space<vmem>>
      %dma_wait3A_254 = tpu.memref_squeeze %dma_wait3A_253 : memref<1x4x128xi32, #tpu.memory_space<vmem>> -> memref<4x128xi32, #tpu.memory_space<vmem>>
      %dma_wait3A_255 = arith.constant 0 : i32
      %dma_wait3A_256 = tpu.memref_slice %dma_wait3A_254[%dma_wait3A_241, %dma_wait3A_255] : memref<4x128xi32, #tpu.memory_space<vmem>> -> memref<1x128xi32, #tpu.memory_space<vmem>>
      %dma_wait3A_257 = tpu.memref_squeeze %dma_wait3A_256 : memref<1x128xi32, #tpu.memory_space<vmem>> -> memref<128xi32, #tpu.memory_space<vmem>>
      %dma_wait3A_258 = arith.constant 0 : i32
      %dma_wait3A_259 = arith.constant 0 : i32
      %dma_wait3A_260 = tpu.memref_slice %arg8[%dma_wait3A_258, %dma_wait3A_259] : memref<100352x16xf32, #tpu.memory_space<vmem_shared>> -> memref<100352x16xf32, #tpu.memory_space<vmem_shared>>
      tpu.wait_indirect_dma semaphore(%arg10 : memref<!tpu.dma_semaphore, #tpu.memory_space<semaphore_mem>>) src(%dma_wait3A_250 : memref<128x16xf32, #tpu.memory_space<vmem>>) dst(%dma_wait3A_260 : memref<100352x16xf32, #tpu.memory_space<vmem_shared>>)
    } else {
    }
    %barrier3A_86 = arith.constant 0 : index
    tpu.barrier barrier_id(%barrier3A_86)
    %mul3A_87 = arith.constant 100352 : i32
    %mul3A_88 = arith.muli %arg0, %mul3A_87 : i32
    %mul3A_89 = arith.constant 6272 : i32
    %mul3A_90 = arith.muli %arg1, %mul3A_89 : i32
    %add3A_91 = arith.addi %mul3A_88, %mul3A_90 : i32
    %mul3A_92 = arith.constant 6272 : i32
    %mul3A_93 = arith.muli %arg1, %mul3A_92 : i32
    %add3A_94 = arith.constant 0 : i32
    %add3A_95 = arith.addi %mul3A_93, %add3A_94 : i32
    "tpu.region"() ({
      %run_scoped3A = tpu.sem_alloc : memref<!tpu.dma_semaphore, #tpu.memory_space<semaphore_mem>>
      %dma_start3A = arith.constant 0 : i32
      %dma_start3A_176 = tpu.memref_slice %arg8[%add3A_95, %dma_start3A] : memref<100352x16xf32, #tpu.memory_space<vmem_shared>> -> memref<448x16xf32, #tpu.memory_space<vmem_shared>>
      %dma_start3A_177 = arith.constant 0 : i32
      %dma_start3A_178 = tpu.memref_slice %arg8[%add3A_95, %dma_start3A_177] : memref<100352x16xf32, #tpu.memory_space<vmem_shared>> -> memref<448x16xf32, #tpu.memory_space<vmem_shared>>
      tpu.enqueue_dma source(%dma_start3A_178 : memref<448x16xf32, #tpu.memory_space<vmem_shared>>) target(%arg7 : memref<448x16xf32, #tpu.memory_space<vmem>>) target_semaphore(%run_scoped3A : memref<!tpu.dma_semaphore, #tpu.memory_space<semaphore_mem>>)
      %dma_wait3A = arith.constant 0 : i32
      %dma_wait3A_179 = tpu.memref_slice %arg8[%add3A_95, %dma_wait3A] : memref<100352x16xf32, #tpu.memory_space<vmem_shared>> -> memref<448x16xf32, #tpu.memory_space<vmem_shared>>
      %dma_wait3A_180 = arith.constant 0 : i32
      %dma_wait3A_181 = tpu.memref_slice %arg8[%add3A_95, %dma_wait3A_180] : memref<100352x16xf32, #tpu.memory_space<vmem_shared>> -> memref<448x16xf32, #tpu.memory_space<vmem_shared>>
      tpu.wait_dma2 semaphore(%run_scoped3A : memref<!tpu.dma_semaphore, #tpu.memory_space<semaphore_mem>>) src(%dma_wait3A_181 : memref<448x16xf32, #tpu.memory_space<vmem_shared>>) dst(%arg7 : memref<448x16xf32, #tpu.memory_space<vmem>>)
      tpu.yield
    }) : () -> ()
    %add3A_96 = arith.constant 0 : i32
    %add3A_97 = arith.addi %add3A_91, %add3A_96 : i32
    "tpu.region"() ({
      %run_scoped3A = tpu.sem_alloc : memref<!tpu.dma_semaphore, #tpu.memory_space<semaphore_mem>>
      %dma_start3A = arith.constant 0 : i32
      %dma_start3A_176 = tpu.memref_slice %arg4[%add3A_97, %dma_start3A] : memref<200704x16xf32, #tpu.memory_space<hbm>> -> memref<448x16xf32, #tpu.memory_space<hbm>>
      %dma_start3A_177 = arith.constant 0 : i32
      %dma_start3A_178 = tpu.memref_slice %arg4[%add3A_97, %dma_start3A_177] : memref<200704x16xf32, #tpu.memory_space<hbm>> -> memref<448x16xf32, #tpu.memory_space<hbm>>
      tpu.enqueue_dma source(%arg7 : memref<448x16xf32, #tpu.memory_space<vmem>>) target(%dma_start3A_178 : memref<448x16xf32, #tpu.memory_space<hbm>>) target_semaphore(%run_scoped3A : memref<!tpu.dma_semaphore, #tpu.memory_space<semaphore_mem>>)
      %dma_wait3A = arith.constant 0 : i32
      %dma_wait3A_179 = tpu.memref_slice %arg4[%add3A_97, %dma_wait3A] : memref<200704x16xf32, #tpu.memory_space<hbm>> -> memref<448x16xf32, #tpu.memory_space<hbm>>
      %dma_wait3A_180 = arith.constant 0 : i32
      %dma_wait3A_181 = tpu.memref_slice %arg4[%add3A_97, %dma_wait3A_180] : memref<200704x16xf32, #tpu.memory_space<hbm>> -> memref<448x16xf32, #tpu.memory_space<hbm>>
      tpu.wait_dma2 semaphore(%run_scoped3A : memref<!tpu.dma_semaphore, #tpu.memory_space<semaphore_mem>>) src(%arg7 : memref<448x16xf32, #tpu.memory_space<vmem>>) dst(%dma_wait3A_181 : memref<448x16xf32, #tpu.memory_space<hbm>>)
      tpu.yield
    }) : () -> ()
    %mul3A_98 = arith.constant 6272 : i32
    %mul3A_99 = arith.muli %arg1, %mul3A_98 : i32
    %add3A_100 = arith.constant 448 : i32
    %add3A_101 = arith.addi %mul3A_99, %add3A_100 : i32
    "tpu.region"() ({
      %run_scoped3A = tpu.sem_alloc : memref<!tpu.dma_semaphore, #tpu.memory_space<semaphore_mem>>
      %dma_start3A = arith.constant 0 : i32
      %dma_start3A_176 = tpu.memref_slice %arg8[%add3A_101, %dma_start3A] : memref<100352x16xf32, #tpu.memory_space<vmem_shared>> -> memref<448x16xf32, #tpu.memory_space<vmem_shared>>
      %dma_start3A_177 = arith.constant 0 : i32
      %dma_start3A_178 = tpu.memref_slice %arg8[%add3A_101, %dma_start3A_177] : memref<100352x16xf32, #tpu.memory_space<vmem_shared>> -> memref<448x16xf32, #tpu.memory_space<vmem_shared>>
      tpu.enqueue_dma source(%dma_start3A_178 : memref<448x16xf32, #tpu.memory_space<vmem_shared>>) target(%arg7 : memref<448x16xf32, #tpu.memory_space<vmem>>) target_semaphore(%run_scoped3A : memref<!tpu.dma_semaphore, #tpu.memory_space<semaphore_mem>>)
      %dma_wait3A = arith.constant 0 : i32
      %dma_wait3A_179 = tpu.memref_slice %arg8[%add3A_101, %dma_wait3A] : memref<100352x16xf32, #tpu.memory_space<vmem_shared>> -> memref<448x16xf32, #tpu.memory_space<vmem_shared>>
      %dma_wait3A_180 = arith.constant 0 : i32
      %dma_wait3A_181 = tpu.memref_slice %arg8[%add3A_101, %dma_wait3A_180] : memref<100352x16xf32, #tpu.memory_space<vmem_shared>> -> memref<448x16xf32, #tpu.memory_space<vmem_shared>>
      tpu.wait_dma2 semaphore(%run_scoped3A : memref<!tpu.dma_semaphore, #tpu.memory_space<semaphore_mem>>) src(%dma_wait3A_181 : memref<448x16xf32, #tpu.memory_space<vmem_shared>>) dst(%arg7 : memref<448x16xf32, #tpu.memory_space<vmem>>)
      tpu.yield
    }) : () -> ()
    %add3A_102 = arith.constant 448 : i32
    %add3A_103 = arith.addi %add3A_91, %add3A_102 : i32
    "tpu.region"() ({
      %run_scoped3A = tpu.sem_alloc : memref<!tpu.dma_semaphore, #tpu.memory_space<semaphore_mem>>
      %dma_start3A = arith.constant 0 : i32
      %dma_start3A_176 = tpu.memref_slice %arg4[%add3A_103, %dma_start3A] : memref<200704x16xf32, #tpu.memory_space<hbm>> -> memref<448x16xf32, #tpu.memory_space<hbm>>
      %dma_start3A_177 = arith.constant 0 : i32
      %dma_start3A_178 = tpu.memref_slice %arg4[%add3A_103, %dma_start3A_177] : memref<200704x16xf32, #tpu.memory_space<hbm>> -> memref<448x16xf32, #tpu.memory_space<hbm>>
      tpu.enqueue_dma source(%arg7 : memref<448x16xf32, #tpu.memory_space<vmem>>) target(%dma_start3A_178 : memref<448x16xf32, #tpu.memory_space<hbm>>) target_semaphore(%run_scoped3A : memref<!tpu.dma_semaphore, #tpu.memory_space<semaphore_mem>>)
      %dma_wait3A = arith.constant 0 : i32
      %dma_wait3A_179 = tpu.memref_slice %arg4[%add3A_103, %dma_wait3A] : memref<200704x16xf32, #tpu.memory_space<hbm>> -> memref<448x16xf32, #tpu.memory_space<hbm>>
      %dma_wait3A_180 = arith.constant 0 : i32
      %dma_wait3A_181 = tpu.memref_slice %arg4[%add3A_103, %dma_wait3A_180] : memref<200704x16xf32, #tpu.memory_space<hbm>> -> memref<448x16xf32, #tpu.memory_space<hbm>>
      tpu.wait_dma2 semaphore(%run_scoped3A : memref<!tpu.dma_semaphore, #tpu.memory_space<semaphore_mem>>) src(%arg7 : memref<448x16xf32, #tpu.memory_space<vmem>>) dst(%dma_wait3A_181 : memref<448x16xf32, #tpu.memory_space<hbm>>)
      tpu.yield
    }) : () -> ()
    %mul3A_104 = arith.constant 6272 : i32
    %mul3A_105 = arith.muli %arg1, %mul3A_104 : i32
    %add3A_106 = arith.constant 896 : i32
    %add3A_107 = arith.addi %mul3A_105, %add3A_106 : i32
    "tpu.region"() ({
      %run_scoped3A = tpu.sem_alloc : memref<!tpu.dma_semaphore, #tpu.memory_space<semaphore_mem>>
      %dma_start3A = arith.constant 0 : i32
      %dma_start3A_176 = tpu.memref_slice %arg8[%add3A_107, %dma_start3A] : memref<100352x16xf32, #tpu.memory_space<vmem_shared>> -> memref<448x16xf32, #tpu.memory_space<vmem_shared>>
      %dma_start3A_177 = arith.constant 0 : i32
      %dma_start3A_178 = tpu.memref_slice %arg8[%add3A_107, %dma_start3A_177] : memref<100352x16xf32, #tpu.memory_space<vmem_shared>> -> memref<448x16xf32, #tpu.memory_space<vmem_shared>>
      tpu.enqueue_dma source(%dma_start3A_178 : memref<448x16xf32, #tpu.memory_space<vmem_shared>>) target(%arg7 : memref<448x16xf32, #tpu.memory_space<vmem>>) target_semaphore(%run_scoped3A : memref<!tpu.dma_semaphore, #tpu.memory_space<semaphore_mem>>)
      %dma_wait3A = arith.constant 0 : i32
      %dma_wait3A_179 = tpu.memref_slice %arg8[%add3A_107, %dma_wait3A] : memref<100352x16xf32, #tpu.memory_space<vmem_shared>> -> memref<448x16xf32, #tpu.memory_space<vmem_shared>>
      %dma_wait3A_180 = arith.constant 0 : i32
      %dma_wait3A_181 = tpu.memref_slice %arg8[%add3A_107, %dma_wait3A_180] : memref<100352x16xf32, #tpu.memory_space<vmem_shared>> -> memref<448x16xf32, #tpu.memory_space<vmem_shared>>
      tpu.wait_dma2 semaphore(%run_scoped3A : memref<!tpu.dma_semaphore, #tpu.memory_space<semaphore_mem>>) src(%dma_wait3A_181 : memref<448x16xf32, #tpu.memory_space<vmem_shared>>) dst(%arg7 : memref<448x16xf32, #tpu.memory_space<vmem>>)
      tpu.yield
    }) : () -> ()
    %add3A_108 = arith.constant 896 : i32
    %add3A_109 = arith.addi %add3A_91, %add3A_108 : i32
    "tpu.region"() ({
      %run_scoped3A = tpu.sem_alloc : memref<!tpu.dma_semaphore, #tpu.memory_space<semaphore_mem>>
      %dma_start3A = arith.constant 0 : i32
      %dma_start3A_176 = tpu.memref_slice %arg4[%add3A_109, %dma_start3A] : memref<200704x16xf32, #tpu.memory_space<hbm>> -> memref<448x16xf32, #tpu.memory_space<hbm>>
      %dma_start3A_177 = arith.constant 0 : i32
      %dma_start3A_178 = tpu.memref_slice %arg4[%add3A_109, %dma_start3A_177] : memref<200704x16xf32, #tpu.memory_space<hbm>> -> memref<448x16xf32, #tpu.memory_space<hbm>>
      tpu.enqueue_dma source(%arg7 : memref<448x16xf32, #tpu.memory_space<vmem>>) target(%dma_start3A_178 : memref<448x16xf32, #tpu.memory_space<hbm>>) target_semaphore(%run_scoped3A : memref<!tpu.dma_semaphore, #tpu.memory_space<semaphore_mem>>)
      %dma_wait3A = arith.constant 0 : i32
      %dma_wait3A_179 = tpu.memref_slice %arg4[%add3A_109, %dma_wait3A] : memref<200704x16xf32, #tpu.memory_space<hbm>> -> memref<448x16xf32, #tpu.memory_space<hbm>>
      %dma_wait3A_180 = arith.constant 0 : i32
      %dma_wait3A_181 = tpu.memref_slice %arg4[%add3A_109, %dma_wait3A_180] : memref<200704x16xf32, #tpu.memory_space<hbm>> -> memref<448x16xf32, #tpu.memory_space<hbm>>
      tpu.wait_dma2 semaphore(%run_scoped3A : memref<!tpu.dma_semaphore, #tpu.memory_space<semaphore_mem>>) src(%arg7 : memref<448x16xf32, #tpu.memory_space<vmem>>) dst(%dma_wait3A_181 : memref<448x16xf32, #tpu.memory_space<hbm>>)
      tpu.yield
    }) : () -> ()
    %mul3A_110 = arith.constant 6272 : i32
    %mul3A_111 = arith.muli %arg1, %mul3A_110 : i32
    %add3A_112 = arith.constant 1344 : i32
    %add3A_113 = arith.addi %mul3A_111, %add3A_112 : i32
    "tpu.region"() ({
      %run_scoped3A = tpu.sem_alloc : memref<!tpu.dma_semaphore, #tpu.memory_space<semaphore_mem>>
      %dma_start3A = arith.constant 0 : i32
      %dma_start3A_176 = tpu.memref_slice %arg8[%add3A_113, %dma_start3A] : memref<100352x16xf32, #tpu.memory_space<vmem_shared>> -> memref<448x16xf32, #tpu.memory_space<vmem_shared>>
      %dma_start3A_177 = arith.constant 0 : i32
      %dma_start3A_178 = tpu.memref_slice %arg8[%add3A_113, %dma_start3A_177] : memref<100352x16xf32, #tpu.memory_space<vmem_shared>> -> memref<448x16xf32, #tpu.memory_space<vmem_shared>>
      tpu.enqueue_dma source(%dma_start3A_178 : memref<448x16xf32, #tpu.memory_space<vmem_shared>>) target(%arg7 : memref<448x16xf32, #tpu.memory_space<vmem>>) target_semaphore(%run_scoped3A : memref<!tpu.dma_semaphore, #tpu.memory_space<semaphore_mem>>)
      %dma_wait3A = arith.constant 0 : i32
      %dma_wait3A_179 = tpu.memref_slice %arg8[%add3A_113, %dma_wait3A] : memref<100352x16xf32, #tpu.memory_space<vmem_shared>> -> memref<448x16xf32, #tpu.memory_space<vmem_shared>>
      %dma_wait3A_180 = arith.constant 0 : i32
      %dma_wait3A_181 = tpu.memref_slice %arg8[%add3A_113, %dma_wait3A_180] : memref<100352x16xf32, #tpu.memory_space<vmem_shared>> -> memref<448x16xf32, #tpu.memory_space<vmem_shared>>
      tpu.wait_dma2 semaphore(%run_scoped3A : memref<!tpu.dma_semaphore, #tpu.memory_space<semaphore_mem>>) src(%dma_wait3A_181 : memref<448x16xf32, #tpu.memory_space<vmem_shared>>) dst(%arg7 : memref<448x16xf32, #tpu.memory_space<vmem>>)
      tpu.yield
    }) : () -> ()
    %add3A_114 = arith.constant 1344 : i32
    %add3A_115 = arith.addi %add3A_91, %add3A_114 : i32
    "tpu.region"() ({
      %run_scoped3A = tpu.sem_alloc : memref<!tpu.dma_semaphore, #tpu.memory_space<semaphore_mem>>
      %dma_start3A = arith.constant 0 : i32
      %dma_start3A_176 = tpu.memref_slice %arg4[%add3A_115, %dma_start3A] : memref<200704x16xf32, #tpu.memory_space<hbm>> -> memref<448x16xf32, #tpu.memory_space<hbm>>
      %dma_start3A_177 = arith.constant 0 : i32
      %dma_start3A_178 = tpu.memref_slice %arg4[%add3A_115, %dma_start3A_177] : memref<200704x16xf32, #tpu.memory_space<hbm>> -> memref<448x16xf32, #tpu.memory_space<hbm>>
      tpu.enqueue_dma source(%arg7 : memref<448x16xf32, #tpu.memory_space<vmem>>) target(%dma_start3A_178 : memref<448x16xf32, #tpu.memory_space<hbm>>) target_semaphore(%run_scoped3A : memref<!tpu.dma_semaphore, #tpu.memory_space<semaphore_mem>>)
      %dma_wait3A = arith.constant 0 : i32
      %dma_wait3A_179 = tpu.memref_slice %arg4[%add3A_115, %dma_wait3A] : memref<200704x16xf32, #tpu.memory_space<hbm>> -> memref<448x16xf32, #tpu.memory_space<hbm>>
      %dma_wait3A_180 = arith.constant 0 : i32
      %dma_wait3A_181 = tpu.memref_slice %arg4[%add3A_115, %dma_wait3A_180] : memref<200704x16xf32, #tpu.memory_space<hbm>> -> memref<448x16xf32, #tpu.memory_space<hbm>>
      tpu.wait_dma2 semaphore(%run_scoped3A : memref<!tpu.dma_semaphore, #tpu.memory_space<semaphore_mem>>) src(%arg7 : memref<448x16xf32, #tpu.memory_space<vmem>>) dst(%dma_wait3A_181 : memref<448x16xf32, #tpu.memory_space<hbm>>)
      tpu.yield
    }) : () -> ()
    %mul3A_116 = arith.constant 6272 : i32
    %mul3A_117 = arith.muli %arg1, %mul3A_116 : i32
    %add3A_118 = arith.constant 1792 : i32
    %add3A_119 = arith.addi %mul3A_117, %add3A_118 : i32
    "tpu.region"() ({
      %run_scoped3A = tpu.sem_alloc : memref<!tpu.dma_semaphore, #tpu.memory_space<semaphore_mem>>
      %dma_start3A = arith.constant 0 : i32
      %dma_start3A_176 = tpu.memref_slice %arg8[%add3A_119, %dma_start3A] : memref<100352x16xf32, #tpu.memory_space<vmem_shared>> -> memref<448x16xf32, #tpu.memory_space<vmem_shared>>
      %dma_start3A_177 = arith.constant 0 : i32
      %dma_start3A_178 = tpu.memref_slice %arg8[%add3A_119, %dma_start3A_177] : memref<100352x16xf32, #tpu.memory_space<vmem_shared>> -> memref<448x16xf32, #tpu.memory_space<vmem_shared>>
      tpu.enqueue_dma source(%dma_start3A_178 : memref<448x16xf32, #tpu.memory_space<vmem_shared>>) target(%arg7 : memref<448x16xf32, #tpu.memory_space<vmem>>) target_semaphore(%run_scoped3A : memref<!tpu.dma_semaphore, #tpu.memory_space<semaphore_mem>>)
      %dma_wait3A = arith.constant 0 : i32
      %dma_wait3A_179 = tpu.memref_slice %arg8[%add3A_119, %dma_wait3A] : memref<100352x16xf32, #tpu.memory_space<vmem_shared>> -> memref<448x16xf32, #tpu.memory_space<vmem_shared>>
      %dma_wait3A_180 = arith.constant 0 : i32
      %dma_wait3A_181 = tpu.memref_slice %arg8[%add3A_119, %dma_wait3A_180] : memref<100352x16xf32, #tpu.memory_space<vmem_shared>> -> memref<448x16xf32, #tpu.memory_space<vmem_shared>>
      tpu.wait_dma2 semaphore(%run_scoped3A : memref<!tpu.dma_semaphore, #tpu.memory_space<semaphore_mem>>) src(%dma_wait3A_181 : memref<448x16xf32, #tpu.memory_space<vmem_shared>>) dst(%arg7 : memref<448x16xf32, #tpu.memory_space<vmem>>)
      tpu.yield
    }) : () -> ()
    %add3A_120 = arith.constant 1792 : i32
    %add3A_121 = arith.addi %add3A_91, %add3A_120 : i32
    "tpu.region"() ({
      %run_scoped3A = tpu.sem_alloc : memref<!tpu.dma_semaphore, #tpu.memory_space<semaphore_mem>>
      %dma_start3A = arith.constant 0 : i32
      %dma_start3A_176 = tpu.memref_slice %arg4[%add3A_121, %dma_start3A] : memref<200704x16xf32, #tpu.memory_space<hbm>> -> memref<448x16xf32, #tpu.memory_space<hbm>>
      %dma_start3A_177 = arith.constant 0 : i32
      %dma_start3A_178 = tpu.memref_slice %arg4[%add3A_121, %dma_start3A_177] : memref<200704x16xf32, #tpu.memory_space<hbm>> -> memref<448x16xf32, #tpu.memory_space<hbm>>
      tpu.enqueue_dma source(%arg7 : memref<448x16xf32, #tpu.memory_space<vmem>>) target(%dma_start3A_178 : memref<448x16xf32, #tpu.memory_space<hbm>>) target_semaphore(%run_scoped3A : memref<!tpu.dma_semaphore, #tpu.memory_space<semaphore_mem>>)
      %dma_wait3A = arith.constant 0 : i32
      %dma_wait3A_179 = tpu.memref_slice %arg4[%add3A_121, %dma_wait3A] : memref<200704x16xf32, #tpu.memory_space<hbm>> -> memref<448x16xf32, #tpu.memory_space<hbm>>
      %dma_wait3A_180 = arith.constant 0 : i32
      %dma_wait3A_181 = tpu.memref_slice %arg4[%add3A_121, %dma_wait3A_180] : memref<200704x16xf32, #tpu.memory_space<hbm>> -> memref<448x16xf32, #tpu.memory_space<hbm>>
      tpu.wait_dma2 semaphore(%run_scoped3A : memref<!tpu.dma_semaphore, #tpu.memory_space<semaphore_mem>>) src(%arg7 : memref<448x16xf32, #tpu.memory_space<vmem>>) dst(%dma_wait3A_181 : memref<448x16xf32, #tpu.memory_space<hbm>>)
      tpu.yield
    }) : () -> ()
    %mul3A_122 = arith.constant 6272 : i32
    %mul3A_123 = arith.muli %arg1, %mul3A_122 : i32
    %add3A_124 = arith.constant 2240 : i32
    %add3A_125 = arith.addi %mul3A_123, %add3A_124 : i32
    "tpu.region"() ({
      %run_scoped3A = tpu.sem_alloc : memref<!tpu.dma_semaphore, #tpu.memory_space<semaphore_mem>>
      %dma_start3A = arith.constant 0 : i32
      %dma_start3A_176 = tpu.memref_slice %arg8[%add3A_125, %dma_start3A] : memref<100352x16xf32, #tpu.memory_space<vmem_shared>> -> memref<448x16xf32, #tpu.memory_space<vmem_shared>>
      %dma_start3A_177 = arith.constant 0 : i32
      %dma_start3A_178 = tpu.memref_slice %arg8[%add3A_125, %dma_start3A_177] : memref<100352x16xf32, #tpu.memory_space<vmem_shared>> -> memref<448x16xf32, #tpu.memory_space<vmem_shared>>
      tpu.enqueue_dma source(%dma_start3A_178 : memref<448x16xf32, #tpu.memory_space<vmem_shared>>) target(%arg7 : memref<448x16xf32, #tpu.memory_space<vmem>>) target_semaphore(%run_scoped3A : memref<!tpu.dma_semaphore, #tpu.memory_space<semaphore_mem>>)
      %dma_wait3A = arith.constant 0 : i32
      %dma_wait3A_179 = tpu.memref_slice %arg8[%add3A_125, %dma_wait3A] : memref<100352x16xf32, #tpu.memory_space<vmem_shared>> -> memref<448x16xf32, #tpu.memory_space<vmem_shared>>
      %dma_wait3A_180 = arith.constant 0 : i32
      %dma_wait3A_181 = tpu.memref_slice %arg8[%add3A_125, %dma_wait3A_180] : memref<100352x16xf32, #tpu.memory_space<vmem_shared>> -> memref<448x16xf32, #tpu.memory_space<vmem_shared>>
      tpu.wait_dma2 semaphore(%run_scoped3A : memref<!tpu.dma_semaphore, #tpu.memory_space<semaphore_mem>>) src(%dma_wait3A_181 : memref<448x16xf32, #tpu.memory_space<vmem_shared>>) dst(%arg7 : memref<448x16xf32, #tpu.memory_space<vmem>>)
      tpu.yield
    }) : () -> ()
    %add3A_126 = arith.constant 2240 : i32
    %add3A_127 = arith.addi %add3A_91, %add3A_126 : i32
    "tpu.region"() ({
      %run_scoped3A = tpu.sem_alloc : memref<!tpu.dma_semaphore, #tpu.memory_space<semaphore_mem>>
      %dma_start3A = arith.constant 0 : i32
      %dma_start3A_176 = tpu.memref_slice %arg4[%add3A_127, %dma_start3A] : memref<200704x16xf32, #tpu.memory_space<hbm>> -> memref<448x16xf32, #tpu.memory_space<hbm>>
      %dma_start3A_177 = arith.constant 0 : i32
      %dma_start3A_178 = tpu.memref_slice %arg4[%add3A_127, %dma_start3A_177] : memref<200704x16xf32, #tpu.memory_space<hbm>> -> memref<448x16xf32, #tpu.memory_space<hbm>>
      tpu.enqueue_dma source(%arg7 : memref<448x16xf32, #tpu.memory_space<vmem>>) target(%dma_start3A_178 : memref<448x16xf32, #tpu.memory_space<hbm>>) target_semaphore(%run_scoped3A : memref<!tpu.dma_semaphore, #tpu.memory_space<semaphore_mem>>)
      %dma_wait3A = arith.constant 0 : i32
      %dma_wait3A_179 = tpu.memref_slice %arg4[%add3A_127, %dma_wait3A] : memref<200704x16xf32, #tpu.memory_space<hbm>> -> memref<448x16xf32, #tpu.memory_space<hbm>>
      %dma_wait3A_180 = arith.constant 0 : i32
      %dma_wait3A_181 = tpu.memref_slice %arg4[%add3A_127, %dma_wait3A_180] : memref<200704x16xf32, #tpu.memory_space<hbm>> -> memref<448x16xf32, #tpu.memory_space<hbm>>
      tpu.wait_dma2 semaphore(%run_scoped3A : memref<!tpu.dma_semaphore, #tpu.memory_space<semaphore_mem>>) src(%arg7 : memref<448x16xf32, #tpu.memory_space<vmem>>) dst(%dma_wait3A_181 : memref<448x16xf32, #tpu.memory_space<hbm>>)
      tpu.yield
    }) : () -> ()
    %mul3A_128 = arith.constant 6272 : i32
    %mul3A_129 = arith.muli %arg1, %mul3A_128 : i32
    %add3A_130 = arith.constant 2688 : i32
    %add3A_131 = arith.addi %mul3A_129, %add3A_130 : i32
    "tpu.region"() ({
      %run_scoped3A = tpu.sem_alloc : memref<!tpu.dma_semaphore, #tpu.memory_space<semaphore_mem>>
      %dma_start3A = arith.constant 0 : i32
      %dma_start3A_176 = tpu.memref_slice %arg8[%add3A_131, %dma_start3A] : memref<100352x16xf32, #tpu.memory_space<vmem_shared>> -> memref<448x16xf32, #tpu.memory_space<vmem_shared>>
      %dma_start3A_177 = arith.constant 0 : i32
      %dma_start3A_178 = tpu.memref_slice %arg8[%add3A_131, %dma_start3A_177] : memref<100352x16xf32, #tpu.memory_space<vmem_shared>> -> memref<448x16xf32, #tpu.memory_space<vmem_shared>>
      tpu.enqueue_dma source(%dma_start3A_178 : memref<448x16xf32, #tpu.memory_space<vmem_shared>>) target(%arg7 : memref<448x16xf32, #tpu.memory_space<vmem>>) target_semaphore(%run_scoped3A : memref<!tpu.dma_semaphore, #tpu.memory_space<semaphore_mem>>)
      %dma_wait3A = arith.constant 0 : i32
      %dma_wait3A_179 = tpu.memref_slice %arg8[%add3A_131, %dma_wait3A] : memref<100352x16xf32, #tpu.memory_space<vmem_shared>> -> memref<448x16xf32, #tpu.memory_space<vmem_shared>>
      %dma_wait3A_180 = arith.constant 0 : i32
      %dma_wait3A_181 = tpu.memref_slice %arg8[%add3A_131, %dma_wait3A_180] : memref<100352x16xf32, #tpu.memory_space<vmem_shared>> -> memref<448x16xf32, #tpu.memory_space<vmem_shared>>
      tpu.wait_dma2 semaphore(%run_scoped3A : memref<!tpu.dma_semaphore, #tpu.memory_space<semaphore_mem>>) src(%dma_wait3A_181 : memref<448x16xf32, #tpu.memory_space<vmem_shared>>) dst(%arg7 : memref<448x16xf32, #tpu.memory_space<vmem>>)
      tpu.yield
    }) : () -> ()
    %add3A_132 = arith.constant 2688 : i32
    %add3A_133 = arith.addi %add3A_91, %add3A_132 : i32
    "tpu.region"() ({
      %run_scoped3A = tpu.sem_alloc : memref<!tpu.dma_semaphore, #tpu.memory_space<semaphore_mem>>
      %dma_start3A = arith.constant 0 : i32
      %dma_start3A_176 = tpu.memref_slice %arg4[%add3A_133, %dma_start3A] : memref<200704x16xf32, #tpu.memory_space<hbm>> -> memref<448x16xf32, #tpu.memory_space<hbm>>
      %dma_start3A_177 = arith.constant 0 : i32
      %dma_start3A_178 = tpu.memref_slice %arg4[%add3A_133, %dma_start3A_177] : memref<200704x16xf32, #tpu.memory_space<hbm>> -> memref<448x16xf32, #tpu.memory_space<hbm>>
      tpu.enqueue_dma source(%arg7 : memref<448x16xf32, #tpu.memory_space<vmem>>) target(%dma_start3A_178 : memref<448x16xf32, #tpu.memory_space<hbm>>) target_semaphore(%run_scoped3A : memref<!tpu.dma_semaphore, #tpu.memory_space<semaphore_mem>>)
      %dma_wait3A = arith.constant 0 : i32
      %dma_wait3A_179 = tpu.memref_slice %arg4[%add3A_133, %dma_wait3A] : memref<200704x16xf32, #tpu.memory_space<hbm>> -> memref<448x16xf32, #tpu.memory_space<hbm>>
      %dma_wait3A_180 = arith.constant 0 : i32
      %dma_wait3A_181 = tpu.memref_slice %arg4[%add3A_133, %dma_wait3A_180] : memref<200704x16xf32, #tpu.memory_space<hbm>> -> memref<448x16xf32, #tpu.memory_space<hbm>>
      tpu.wait_dma2 semaphore(%run_scoped3A : memref<!tpu.dma_semaphore, #tpu.memory_space<semaphore_mem>>) src(%arg7 : memref<448x16xf32, #tpu.memory_space<vmem>>) dst(%dma_wait3A_181 : memref<448x16xf32, #tpu.memory_space<hbm>>)
      tpu.yield
    }) : () -> ()
    %mul3A_134 = arith.constant 6272 : i32
    %mul3A_135 = arith.muli %arg1, %mul3A_134 : i32
    %add3A_136 = arith.constant 3136 : i32
    %add3A_137 = arith.addi %mul3A_135, %add3A_136 : i32
    "tpu.region"() ({
      %run_scoped3A = tpu.sem_alloc : memref<!tpu.dma_semaphore, #tpu.memory_space<semaphore_mem>>
      %dma_start3A = arith.constant 0 : i32
      %dma_start3A_176 = tpu.memref_slice %arg8[%add3A_137, %dma_start3A] : memref<100352x16xf32, #tpu.memory_space<vmem_shared>> -> memref<448x16xf32, #tpu.memory_space<vmem_shared>>
      %dma_start3A_177 = arith.constant 0 : i32
      %dma_start3A_178 = tpu.memref_slice %arg8[%add3A_137, %dma_start3A_177] : memref<100352x16xf32, #tpu.memory_space<vmem_shared>> -> memref<448x16xf32, #tpu.memory_space<vmem_shared>>
      tpu.enqueue_dma source(%dma_start3A_178 : memref<448x16xf32, #tpu.memory_space<vmem_shared>>) target(%arg7 : memref<448x16xf32, #tpu.memory_space<vmem>>) target_semaphore(%run_scoped3A : memref<!tpu.dma_semaphore, #tpu.memory_space<semaphore_mem>>)
      %dma_wait3A = arith.constant 0 : i32
      %dma_wait3A_179 = tpu.memref_slice %arg8[%add3A_137, %dma_wait3A] : memref<100352x16xf32, #tpu.memory_space<vmem_shared>> -> memref<448x16xf32, #tpu.memory_space<vmem_shared>>
      %dma_wait3A_180 = arith.constant 0 : i32
      %dma_wait3A_181 = tpu.memref_slice %arg8[%add3A_137, %dma_wait3A_180] : memref<100352x16xf32, #tpu.memory_space<vmem_shared>> -> memref<448x16xf32, #tpu.memory_space<vmem_shared>>
      tpu.wait_dma2 semaphore(%run_scoped3A : memref<!tpu.dma_semaphore, #tpu.memory_space<semaphore_mem>>) src(%dma_wait3A_181 : memref<448x16xf32, #tpu.memory_space<vmem_shared>>) dst(%arg7 : memref<448x16xf32, #tpu.memory_space<vmem>>)
      tpu.yield
    }) : () -> ()
    %add3A_138 = arith.constant 3136 : i32
    %add3A_139 = arith.addi %add3A_91, %add3A_138 : i32
    "tpu.region"() ({
      %run_scoped3A = tpu.sem_alloc : memref<!tpu.dma_semaphore, #tpu.memory_space<semaphore_mem>>
      %dma_start3A = arith.constant 0 : i32
      %dma_start3A_176 = tpu.memref_slice %arg4[%add3A_139, %dma_start3A] : memref<200704x16xf32, #tpu.memory_space<hbm>> -> memref<448x16xf32, #tpu.memory_space<hbm>>
      %dma_start3A_177 = arith.constant 0 : i32
      %dma_start3A_178 = tpu.memref_slice %arg4[%add3A_139, %dma_start3A_177] : memref<200704x16xf32, #tpu.memory_space<hbm>> -> memref<448x16xf32, #tpu.memory_space<hbm>>
      tpu.enqueue_dma source(%arg7 : memref<448x16xf32, #tpu.memory_space<vmem>>) target(%dma_start3A_178 : memref<448x16xf32, #tpu.memory_space<hbm>>) target_semaphore(%run_scoped3A : memref<!tpu.dma_semaphore, #tpu.memory_space<semaphore_mem>>)
      %dma_wait3A = arith.constant 0 : i32
      %dma_wait3A_179 = tpu.memref_slice %arg4[%add3A_139, %dma_wait3A] : memref<200704x16xf32, #tpu.memory_space<hbm>> -> memref<448x16xf32, #tpu.memory_space<hbm>>
      %dma_wait3A_180 = arith.constant 0 : i32
      %dma_wait3A_181 = tpu.memref_slice %arg4[%add3A_139, %dma_wait3A_180] : memref<200704x16xf32, #tpu.memory_space<hbm>> -> memref<448x16xf32, #tpu.memory_space<hbm>>
      tpu.wait_dma2 semaphore(%run_scoped3A : memref<!tpu.dma_semaphore, #tpu.memory_space<semaphore_mem>>) src(%arg7 : memref<448x16xf32, #tpu.memory_space<vmem>>) dst(%dma_wait3A_181 : memref<448x16xf32, #tpu.memory_space<hbm>>)
      tpu.yield
    }) : () -> ()
    %mul3A_140 = arith.constant 6272 : i32
    %mul3A_141 = arith.muli %arg1, %mul3A_140 : i32
    %add3A_142 = arith.constant 3584 : i32
    %add3A_143 = arith.addi %mul3A_141, %add3A_142 : i32
    "tpu.region"() ({
      %run_scoped3A = tpu.sem_alloc : memref<!tpu.dma_semaphore, #tpu.memory_space<semaphore_mem>>
      %dma_start3A = arith.constant 0 : i32
      %dma_start3A_176 = tpu.memref_slice %arg8[%add3A_143, %dma_start3A] : memref<100352x16xf32, #tpu.memory_space<vmem_shared>> -> memref<448x16xf32, #tpu.memory_space<vmem_shared>>
      %dma_start3A_177 = arith.constant 0 : i32
      %dma_start3A_178 = tpu.memref_slice %arg8[%add3A_143, %dma_start3A_177] : memref<100352x16xf32, #tpu.memory_space<vmem_shared>> -> memref<448x16xf32, #tpu.memory_space<vmem_shared>>
      tpu.enqueue_dma source(%dma_start3A_178 : memref<448x16xf32, #tpu.memory_space<vmem_shared>>) target(%arg7 : memref<448x16xf32, #tpu.memory_space<vmem>>) target_semaphore(%run_scoped3A : memref<!tpu.dma_semaphore, #tpu.memory_space<semaphore_mem>>)
      %dma_wait3A = arith.constant 0 : i32
      %dma_wait3A_179 = tpu.memref_slice %arg8[%add3A_143, %dma_wait3A] : memref<100352x16xf32, #tpu.memory_space<vmem_shared>> -> memref<448x16xf32, #tpu.memory_space<vmem_shared>>
      %dma_wait3A_180 = arith.constant 0 : i32
      %dma_wait3A_181 = tpu.memref_slice %arg8[%add3A_143, %dma_wait3A_180] : memref<100352x16xf32, #tpu.memory_space<vmem_shared>> -> memref<448x16xf32, #tpu.memory_space<vmem_shared>>
      tpu.wait_dma2 semaphore(%run_scoped3A : memref<!tpu.dma_semaphore, #tpu.memory_space<semaphore_mem>>) src(%dma_wait3A_181 : memref<448x16xf32, #tpu.memory_space<vmem_shared>>) dst(%arg7 : memref<448x16xf32, #tpu.memory_space<vmem>>)
      tpu.yield
    }) : () -> ()
    %add3A_144 = arith.constant 3584 : i32
    %add3A_145 = arith.addi %add3A_91, %add3A_144 : i32
    "tpu.region"() ({
      %run_scoped3A = tpu.sem_alloc : memref<!tpu.dma_semaphore, #tpu.memory_space<semaphore_mem>>
      %dma_start3A = arith.constant 0 : i32
      %dma_start3A_176 = tpu.memref_slice %arg4[%add3A_145, %dma_start3A] : memref<200704x16xf32, #tpu.memory_space<hbm>> -> memref<448x16xf32, #tpu.memory_space<hbm>>
      %dma_start3A_177 = arith.constant 0 : i32
      %dma_start3A_178 = tpu.memref_slice %arg4[%add3A_145, %dma_start3A_177] : memref<200704x16xf32, #tpu.memory_space<hbm>> -> memref<448x16xf32, #tpu.memory_space<hbm>>
      tpu.enqueue_dma source(%arg7 : memref<448x16xf32, #tpu.memory_space<vmem>>) target(%dma_start3A_178 : memref<448x16xf32, #tpu.memory_space<hbm>>) target_semaphore(%run_scoped3A : memref<!tpu.dma_semaphore, #tpu.memory_space<semaphore_mem>>)
      %dma_wait3A = arith.constant 0 : i32
      %dma_wait3A_179 = tpu.memref_slice %arg4[%add3A_145, %dma_wait3A] : memref<200704x16xf32, #tpu.memory_space<hbm>> -> memref<448x16xf32, #tpu.memory_space<hbm>>
      %dma_wait3A_180 = arith.constant 0 : i32
      %dma_wait3A_181 = tpu.memref_slice %arg4[%add3A_145, %dma_wait3A_180] : memref<200704x16xf32, #tpu.memory_space<hbm>> -> memref<448x16xf32, #tpu.memory_space<hbm>>
      tpu.wait_dma2 semaphore(%run_scoped3A : memref<!tpu.dma_semaphore, #tpu.memory_space<semaphore_mem>>) src(%arg7 : memref<448x16xf32, #tpu.memory_space<vmem>>) dst(%dma_wait3A_181 : memref<448x16xf32, #tpu.memory_space<hbm>>)
      tpu.yield
    }) : () -> ()
    %mul3A_146 = arith.constant 6272 : i32
    %mul3A_147 = arith.muli %arg1, %mul3A_146 : i32
    %add3A_148 = arith.constant 4032 : i32
    %add3A_149 = arith.addi %mul3A_147, %add3A_148 : i32
    "tpu.region"() ({
      %run_scoped3A = tpu.sem_alloc : memref<!tpu.dma_semaphore, #tpu.memory_space<semaphore_mem>>
      %dma_start3A = arith.constant 0 : i32
      %dma_start3A_176 = tpu.memref_slice %arg8[%add3A_149, %dma_start3A] : memref<100352x16xf32, #tpu.memory_space<vmem_shared>> -> memref<448x16xf32, #tpu.memory_space<vmem_shared>>
      %dma_start3A_177 = arith.constant 0 : i32
      %dma_start3A_178 = tpu.memref_slice %arg8[%add3A_149, %dma_start3A_177] : memref<100352x16xf32, #tpu.memory_space<vmem_shared>> -> memref<448x16xf32, #tpu.memory_space<vmem_shared>>
      tpu.enqueue_dma source(%dma_start3A_178 : memref<448x16xf32, #tpu.memory_space<vmem_shared>>) target(%arg7 : memref<448x16xf32, #tpu.memory_space<vmem>>) target_semaphore(%run_scoped3A : memref<!tpu.dma_semaphore, #tpu.memory_space<semaphore_mem>>)
      %dma_wait3A = arith.constant 0 : i32
      %dma_wait3A_179 = tpu.memref_slice %arg8[%add3A_149, %dma_wait3A] : memref<100352x16xf32, #tpu.memory_space<vmem_shared>> -> memref<448x16xf32, #tpu.memory_space<vmem_shared>>
      %dma_wait3A_180 = arith.constant 0 : i32
      %dma_wait3A_181 = tpu.memref_slice %arg8[%add3A_149, %dma_wait3A_180] : memref<100352x16xf32, #tpu.memory_space<vmem_shared>> -> memref<448x16xf32, #tpu.memory_space<vmem_shared>>
      tpu.wait_dma2 semaphore(%run_scoped3A : memref<!tpu.dma_semaphore, #tpu.memory_space<semaphore_mem>>) src(%dma_wait3A_181 : memref<448x16xf32, #tpu.memory_space<vmem_shared>>) dst(%arg7 : memref<448x16xf32, #tpu.memory_space<vmem>>)
      tpu.yield
    }) : () -> ()
    %add3A_150 = arith.constant 4032 : i32
    %add3A_151 = arith.addi %add3A_91, %add3A_150 : i32
    "tpu.region"() ({
      %run_scoped3A = tpu.sem_alloc : memref<!tpu.dma_semaphore, #tpu.memory_space<semaphore_mem>>
      %dma_start3A = arith.constant 0 : i32
      %dma_start3A_176 = tpu.memref_slice %arg4[%add3A_151, %dma_start3A] : memref<200704x16xf32, #tpu.memory_space<hbm>> -> memref<448x16xf32, #tpu.memory_space<hbm>>
      %dma_start3A_177 = arith.constant 0 : i32
      %dma_start3A_178 = tpu.memref_slice %arg4[%add3A_151, %dma_start3A_177] : memref<200704x16xf32, #tpu.memory_space<hbm>> -> memref<448x16xf32, #tpu.memory_space<hbm>>
      tpu.enqueue_dma source(%arg7 : memref<448x16xf32, #tpu.memory_space<vmem>>) target(%dma_start3A_178 : memref<448x16xf32, #tpu.memory_space<hbm>>) target_semaphore(%run_scoped3A : memref<!tpu.dma_semaphore, #tpu.memory_space<semaphore_mem>>)
      %dma_wait3A = arith.constant 0 : i32
      %dma_wait3A_179 = tpu.memref_slice %arg4[%add3A_151, %dma_wait3A] : memref<200704x16xf32, #tpu.memory_space<hbm>> -> memref<448x16xf32, #tpu.memory_space<hbm>>
      %dma_wait3A_180 = arith.constant 0 : i32
      %dma_wait3A_181 = tpu.memref_slice %arg4[%add3A_151, %dma_wait3A_180] : memref<200704x16xf32, #tpu.memory_space<hbm>> -> memref<448x16xf32, #tpu.memory_space<hbm>>
      tpu.wait_dma2 semaphore(%run_scoped3A : memref<!tpu.dma_semaphore, #tpu.memory_space<semaphore_mem>>) src(%arg7 : memref<448x16xf32, #tpu.memory_space<vmem>>) dst(%dma_wait3A_181 : memref<448x16xf32, #tpu.memory_space<hbm>>)
      tpu.yield
    }) : () -> ()
    %mul3A_152 = arith.constant 6272 : i32
    %mul3A_153 = arith.muli %arg1, %mul3A_152 : i32
    %add3A_154 = arith.constant 4480 : i32
    %add3A_155 = arith.addi %mul3A_153, %add3A_154 : i32
    "tpu.region"() ({
      %run_scoped3A = tpu.sem_alloc : memref<!tpu.dma_semaphore, #tpu.memory_space<semaphore_mem>>
      %dma_start3A = arith.constant 0 : i32
      %dma_start3A_176 = tpu.memref_slice %arg8[%add3A_155, %dma_start3A] : memref<100352x16xf32, #tpu.memory_space<vmem_shared>> -> memref<448x16xf32, #tpu.memory_space<vmem_shared>>
      %dma_start3A_177 = arith.constant 0 : i32
      %dma_start3A_178 = tpu.memref_slice %arg8[%add3A_155, %dma_start3A_177] : memref<100352x16xf32, #tpu.memory_space<vmem_shared>> -> memref<448x16xf32, #tpu.memory_space<vmem_shared>>
      tpu.enqueue_dma source(%dma_start3A_178 : memref<448x16xf32, #tpu.memory_space<vmem_shared>>) target(%arg7 : memref<448x16xf32, #tpu.memory_space<vmem>>) target_semaphore(%run_scoped3A : memref<!tpu.dma_semaphore, #tpu.memory_space<semaphore_mem>>)
      %dma_wait3A = arith.constant 0 : i32
      %dma_wait3A_179 = tpu.memref_slice %arg8[%add3A_155, %dma_wait3A] : memref<100352x16xf32, #tpu.memory_space<vmem_shared>> -> memref<448x16xf32, #tpu.memory_space<vmem_shared>>
      %dma_wait3A_180 = arith.constant 0 : i32
      %dma_wait3A_181 = tpu.memref_slice %arg8[%add3A_155, %dma_wait3A_180] : memref<100352x16xf32, #tpu.memory_space<vmem_shared>> -> memref<448x16xf32, #tpu.memory_space<vmem_shared>>
      tpu.wait_dma2 semaphore(%run_scoped3A : memref<!tpu.dma_semaphore, #tpu.memory_space<semaphore_mem>>) src(%dma_wait3A_181 : memref<448x16xf32, #tpu.memory_space<vmem_shared>>) dst(%arg7 : memref<448x16xf32, #tpu.memory_space<vmem>>)
      tpu.yield
    }) : () -> ()
    %add3A_156 = arith.constant 4480 : i32
    %add3A_157 = arith.addi %add3A_91, %add3A_156 : i32
    "tpu.region"() ({
      %run_scoped3A = tpu.sem_alloc : memref<!tpu.dma_semaphore, #tpu.memory_space<semaphore_mem>>
      %dma_start3A = arith.constant 0 : i32
      %dma_start3A_176 = tpu.memref_slice %arg4[%add3A_157, %dma_start3A] : memref<200704x16xf32, #tpu.memory_space<hbm>> -> memref<448x16xf32, #tpu.memory_space<hbm>>
      %dma_start3A_177 = arith.constant 0 : i32
      %dma_start3A_178 = tpu.memref_slice %arg4[%add3A_157, %dma_start3A_177] : memref<200704x16xf32, #tpu.memory_space<hbm>> -> memref<448x16xf32, #tpu.memory_space<hbm>>
      tpu.enqueue_dma source(%arg7 : memref<448x16xf32, #tpu.memory_space<vmem>>) target(%dma_start3A_178 : memref<448x16xf32, #tpu.memory_space<hbm>>) target_semaphore(%run_scoped3A : memref<!tpu.dma_semaphore, #tpu.memory_space<semaphore_mem>>)
      %dma_wait3A = arith.constant 0 : i32
      %dma_wait3A_179 = tpu.memref_slice %arg4[%add3A_157, %dma_wait3A] : memref<200704x16xf32, #tpu.memory_space<hbm>> -> memref<448x16xf32, #tpu.memory_space<hbm>>
      %dma_wait3A_180 = arith.constant 0 : i32
      %dma_wait3A_181 = tpu.memref_slice %arg4[%add3A_157, %dma_wait3A_180] : memref<200704x16xf32, #tpu.memory_space<hbm>> -> memref<448x16xf32, #tpu.memory_space<hbm>>
      tpu.wait_dma2 semaphore(%run_scoped3A : memref<!tpu.dma_semaphore, #tpu.memory_space<semaphore_mem>>) src(%arg7 : memref<448x16xf32, #tpu.memory_space<vmem>>) dst(%dma_wait3A_181 : memref<448x16xf32, #tpu.memory_space<hbm>>)
      tpu.yield
    }) : () -> ()
    %mul3A_158 = arith.constant 6272 : i32
    %mul3A_159 = arith.muli %arg1, %mul3A_158 : i32
    %add3A_160 = arith.constant 4928 : i32
    %add3A_161 = arith.addi %mul3A_159, %add3A_160 : i32
    "tpu.region"() ({
      %run_scoped3A = tpu.sem_alloc : memref<!tpu.dma_semaphore, #tpu.memory_space<semaphore_mem>>
      %dma_start3A = arith.constant 0 : i32
      %dma_start3A_176 = tpu.memref_slice %arg8[%add3A_161, %dma_start3A] : memref<100352x16xf32, #tpu.memory_space<vmem_shared>> -> memref<448x16xf32, #tpu.memory_space<vmem_shared>>
      %dma_start3A_177 = arith.constant 0 : i32
      %dma_start3A_178 = tpu.memref_slice %arg8[%add3A_161, %dma_start3A_177] : memref<100352x16xf32, #tpu.memory_space<vmem_shared>> -> memref<448x16xf32, #tpu.memory_space<vmem_shared>>
      tpu.enqueue_dma source(%dma_start3A_178 : memref<448x16xf32, #tpu.memory_space<vmem_shared>>) target(%arg7 : memref<448x16xf32, #tpu.memory_space<vmem>>) target_semaphore(%run_scoped3A : memref<!tpu.dma_semaphore, #tpu.memory_space<semaphore_mem>>)
      %dma_wait3A = arith.constant 0 : i32
      %dma_wait3A_179 = tpu.memref_slice %arg8[%add3A_161, %dma_wait3A] : memref<100352x16xf32, #tpu.memory_space<vmem_shared>> -> memref<448x16xf32, #tpu.memory_space<vmem_shared>>
      %dma_wait3A_180 = arith.constant 0 : i32
      %dma_wait3A_181 = tpu.memref_slice %arg8[%add3A_161, %dma_wait3A_180] : memref<100352x16xf32, #tpu.memory_space<vmem_shared>> -> memref<448x16xf32, #tpu.memory_space<vmem_shared>>
      tpu.wait_dma2 semaphore(%run_scoped3A : memref<!tpu.dma_semaphore, #tpu.memory_space<semaphore_mem>>) src(%dma_wait3A_181 : memref<448x16xf32, #tpu.memory_space<vmem_shared>>) dst(%arg7 : memref<448x16xf32, #tpu.memory_space<vmem>>)
      tpu.yield
    }) : () -> ()
    %add3A_162 = arith.constant 4928 : i32
    %add3A_163 = arith.addi %add3A_91, %add3A_162 : i32
    "tpu.region"() ({
      %run_scoped3A = tpu.sem_alloc : memref<!tpu.dma_semaphore, #tpu.memory_space<semaphore_mem>>
      %dma_start3A = arith.constant 0 : i32
      %dma_start3A_176 = tpu.memref_slice %arg4[%add3A_163, %dma_start3A] : memref<200704x16xf32, #tpu.memory_space<hbm>> -> memref<448x16xf32, #tpu.memory_space<hbm>>
      %dma_start3A_177 = arith.constant 0 : i32
      %dma_start3A_178 = tpu.memref_slice %arg4[%add3A_163, %dma_start3A_177] : memref<200704x16xf32, #tpu.memory_space<hbm>> -> memref<448x16xf32, #tpu.memory_space<hbm>>
      tpu.enqueue_dma source(%arg7 : memref<448x16xf32, #tpu.memory_space<vmem>>) target(%dma_start3A_178 : memref<448x16xf32, #tpu.memory_space<hbm>>) target_semaphore(%run_scoped3A : memref<!tpu.dma_semaphore, #tpu.memory_space<semaphore_mem>>)
      %dma_wait3A = arith.constant 0 : i32
      %dma_wait3A_179 = tpu.memref_slice %arg4[%add3A_163, %dma_wait3A] : memref<200704x16xf32, #tpu.memory_space<hbm>> -> memref<448x16xf32, #tpu.memory_space<hbm>>
      %dma_wait3A_180 = arith.constant 0 : i32
      %dma_wait3A_181 = tpu.memref_slice %arg4[%add3A_163, %dma_wait3A_180] : memref<200704x16xf32, #tpu.memory_space<hbm>> -> memref<448x16xf32, #tpu.memory_space<hbm>>
      tpu.wait_dma2 semaphore(%run_scoped3A : memref<!tpu.dma_semaphore, #tpu.memory_space<semaphore_mem>>) src(%arg7 : memref<448x16xf32, #tpu.memory_space<vmem>>) dst(%dma_wait3A_181 : memref<448x16xf32, #tpu.memory_space<hbm>>)
      tpu.yield
    }) : () -> ()
    %mul3A_164 = arith.constant 6272 : i32
    %mul3A_165 = arith.muli %arg1, %mul3A_164 : i32
    %add3A_166 = arith.constant 5376 : i32
    %add3A_167 = arith.addi %mul3A_165, %add3A_166 : i32
    "tpu.region"() ({
      %run_scoped3A = tpu.sem_alloc : memref<!tpu.dma_semaphore, #tpu.memory_space<semaphore_mem>>
      %dma_start3A = arith.constant 0 : i32
      %dma_start3A_176 = tpu.memref_slice %arg8[%add3A_167, %dma_start3A] : memref<100352x16xf32, #tpu.memory_space<vmem_shared>> -> memref<448x16xf32, #tpu.memory_space<vmem_shared>>
      %dma_start3A_177 = arith.constant 0 : i32
      %dma_start3A_178 = tpu.memref_slice %arg8[%add3A_167, %dma_start3A_177] : memref<100352x16xf32, #tpu.memory_space<vmem_shared>> -> memref<448x16xf32, #tpu.memory_space<vmem_shared>>
      tpu.enqueue_dma source(%dma_start3A_178 : memref<448x16xf32, #tpu.memory_space<vmem_shared>>) target(%arg7 : memref<448x16xf32, #tpu.memory_space<vmem>>) target_semaphore(%run_scoped3A : memref<!tpu.dma_semaphore, #tpu.memory_space<semaphore_mem>>)
      %dma_wait3A = arith.constant 0 : i32
      %dma_wait3A_179 = tpu.memref_slice %arg8[%add3A_167, %dma_wait3A] : memref<100352x16xf32, #tpu.memory_space<vmem_shared>> -> memref<448x16xf32, #tpu.memory_space<vmem_shared>>
      %dma_wait3A_180 = arith.constant 0 : i32
      %dma_wait3A_181 = tpu.memref_slice %arg8[%add3A_167, %dma_wait3A_180] : memref<100352x16xf32, #tpu.memory_space<vmem_shared>> -> memref<448x16xf32, #tpu.memory_space<vmem_shared>>
      tpu.wait_dma2 semaphore(%run_scoped3A : memref<!tpu.dma_semaphore, #tpu.memory_space<semaphore_mem>>) src(%dma_wait3A_181 : memref<448x16xf32, #tpu.memory_space<vmem_shared>>) dst(%arg7 : memref<448x16xf32, #tpu.memory_space<vmem>>)
      tpu.yield
    }) : () -> ()
    %add3A_168 = arith.constant 5376 : i32
    %add3A_169 = arith.addi %add3A_91, %add3A_168 : i32
    "tpu.region"() ({
      %run_scoped3A = tpu.sem_alloc : memref<!tpu.dma_semaphore, #tpu.memory_space<semaphore_mem>>
      %dma_start3A = arith.constant 0 : i32
      %dma_start3A_176 = tpu.memref_slice %arg4[%add3A_169, %dma_start3A] : memref<200704x16xf32, #tpu.memory_space<hbm>> -> memref<448x16xf32, #tpu.memory_space<hbm>>
      %dma_start3A_177 = arith.constant 0 : i32
      %dma_start3A_178 = tpu.memref_slice %arg4[%add3A_169, %dma_start3A_177] : memref<200704x16xf32, #tpu.memory_space<hbm>> -> memref<448x16xf32, #tpu.memory_space<hbm>>
      tpu.enqueue_dma source(%arg7 : memref<448x16xf32, #tpu.memory_space<vmem>>) target(%dma_start3A_178 : memref<448x16xf32, #tpu.memory_space<hbm>>) target_semaphore(%run_scoped3A : memref<!tpu.dma_semaphore, #tpu.memory_space<semaphore_mem>>)
      %dma_wait3A = arith.constant 0 : i32
      %dma_wait3A_179 = tpu.memref_slice %arg4[%add3A_169, %dma_wait3A] : memref<200704x16xf32, #tpu.memory_space<hbm>> -> memref<448x16xf32, #tpu.memory_space<hbm>>
      %dma_wait3A_180 = arith.constant 0 : i32
      %dma_wait3A_181 = tpu.memref_slice %arg4[%add3A_169, %dma_wait3A_180] : memref<200704x16xf32, #tpu.memory_space<hbm>> -> memref<448x16xf32, #tpu.memory_space<hbm>>
      tpu.wait_dma2 semaphore(%run_scoped3A : memref<!tpu.dma_semaphore, #tpu.memory_space<semaphore_mem>>) src(%arg7 : memref<448x16xf32, #tpu.memory_space<vmem>>) dst(%dma_wait3A_181 : memref<448x16xf32, #tpu.memory_space<hbm>>)
      tpu.yield
    }) : () -> ()
    %mul3A_170 = arith.constant 6272 : i32
    %mul3A_171 = arith.muli %arg1, %mul3A_170 : i32
    %add3A_172 = arith.constant 5824 : i32
    %add3A_173 = arith.addi %mul3A_171, %add3A_172 : i32
    "tpu.region"() ({
      %run_scoped3A = tpu.sem_alloc : memref<!tpu.dma_semaphore, #tpu.memory_space<semaphore_mem>>
      %dma_start3A = arith.constant 0 : i32
      %dma_start3A_176 = tpu.memref_slice %arg8[%add3A_173, %dma_start3A] : memref<100352x16xf32, #tpu.memory_space<vmem_shared>> -> memref<448x16xf32, #tpu.memory_space<vmem_shared>>
      %dma_start3A_177 = arith.constant 0 : i32
      %dma_start3A_178 = tpu.memref_slice %arg8[%add3A_173, %dma_start3A_177] : memref<100352x16xf32, #tpu.memory_space<vmem_shared>> -> memref<448x16xf32, #tpu.memory_space<vmem_shared>>
      tpu.enqueue_dma source(%dma_start3A_178 : memref<448x16xf32, #tpu.memory_space<vmem_shared>>) target(%arg7 : memref<448x16xf32, #tpu.memory_space<vmem>>) target_semaphore(%run_scoped3A : memref<!tpu.dma_semaphore, #tpu.memory_space<semaphore_mem>>)
      %dma_wait3A = arith.constant 0 : i32
      %dma_wait3A_179 = tpu.memref_slice %arg8[%add3A_173, %dma_wait3A] : memref<100352x16xf32, #tpu.memory_space<vmem_shared>> -> memref<448x16xf32, #tpu.memory_space<vmem_shared>>
      %dma_wait3A_180 = arith.constant 0 : i32
      %dma_wait3A_181 = tpu.memref_slice %arg8[%add3A_173, %dma_wait3A_180] : memref<100352x16xf32, #tpu.memory_space<vmem_shared>> -> memref<448x16xf32, #tpu.memory_space<vmem_shared>>
      tpu.wait_dma2 semaphore(%run_scoped3A : memref<!tpu.dma_semaphore, #tpu.memory_space<semaphore_mem>>) src(%dma_wait3A_181 : memref<448x16xf32, #tpu.memory_space<vmem_shared>>) dst(%arg7 : memref<448x16xf32, #tpu.memory_space<vmem>>)
      tpu.yield
    }) : () -> ()
    %add3A_174 = arith.constant 5824 : i32
    %add3A_175 = arith.addi %add3A_91, %add3A_174 : i32
    "tpu.region"() ({
      %run_scoped3A = tpu.sem_alloc : memref<!tpu.dma_semaphore, #tpu.memory_space<semaphore_mem>>
      %dma_start3A = arith.constant 0 : i32
      %dma_start3A_176 = tpu.memref_slice %arg4[%add3A_175, %dma_start3A] : memref<200704x16xf32, #tpu.memory_space<hbm>> -> memref<448x16xf32, #tpu.memory_space<hbm>>
      %dma_start3A_177 = arith.constant 0 : i32
      %dma_start3A_178 = tpu.memref_slice %arg4[%add3A_175, %dma_start3A_177] : memref<200704x16xf32, #tpu.memory_space<hbm>> -> memref<448x16xf32, #tpu.memory_space<hbm>>
      tpu.enqueue_dma source(%arg7 : memref<448x16xf32, #tpu.memory_space<vmem>>) target(%dma_start3A_178 : memref<448x16xf32, #tpu.memory_space<hbm>>) target_semaphore(%run_scoped3A : memref<!tpu.dma_semaphore, #tpu.memory_space<semaphore_mem>>)
      %dma_wait3A = arith.constant 0 : i32
      %dma_wait3A_179 = tpu.memref_slice %arg4[%add3A_175, %dma_wait3A] : memref<200704x16xf32, #tpu.memory_space<hbm>> -> memref<448x16xf32, #tpu.memory_space<hbm>>
      %dma_wait3A_180 = arith.constant 0 : i32
      %dma_wait3A_181 = tpu.memref_slice %arg4[%add3A_175, %dma_wait3A_180] : memref<200704x16xf32, #tpu.memory_space<hbm>> -> memref<448x16xf32, #tpu.memory_space<hbm>>
      tpu.wait_dma2 semaphore(%run_scoped3A : memref<!tpu.dma_semaphore, #tpu.memory_space<semaphore_mem>>) src(%arg7 : memref<448x16xf32, #tpu.memory_space<vmem>>) dst(%dma_wait3A_181 : memref<448x16xf32, #tpu.memory_space<hbm>>)
      tpu.yield
    }) : () -> ()
    return
  }
}

#map = affine_map<(d0, d1) -> (0, 0)>
module attributes {stable_mosaic.version = 14 : i64} {
  func.func @merge(%arg0: i32, %arg1: i32, %arg2: memref<200704x16xf32, #tpu.memory_space<hbm>>, %arg3: memref<100000x16xf32, #tpu.memory_space<hbm>>, %arg4: memref<3128x16xf32, #tpu.memory_space<vmem>>, %arg5: memref<3128x16xf32, #tpu.memory_space<vmem>>, %arg6: memref<!tpu.dma_semaphore, #tpu.memory_space<semaphore_mem>>) attributes {dimension_semantics = [#tpu.dimension_semantics<core_parallel>, #tpu.dimension_semantics<subcore_parallel>], iteration_bounds = array<i64: 2, 16>, scalar_prefetch = 0 : i64, scratch_operands = 3 : i64, tpu.core_type = #tpu.core_type<sc_vector_subcore>, window_params = [{transform_indices = #map}, {transform_indices = #map}]} {
    %mul3A = arith.constant 16 : i32
    %mul3A_0 = arith.muli %arg0, %mul3A : i32
    %add3A = arith.addi %mul3A_0, %arg1 : i32
    %mul3A_1 = arith.constant 3128 : i32
    %mul3A_2 = arith.muli %add3A, %mul3A_1 : i32
    %min3A = arith.constant 96872 : i32
    %min3A_3 = arith.minsi %mul3A_2, %min3A : i32
    %dma_start3A = arith.constant 0 : i32
    %dma_start3A_4 = tpu.memref_slice %arg2[%min3A_3, %dma_start3A] : memref<200704x16xf32, #tpu.memory_space<hbm>> -> memref<3128x16xf32, #tpu.memory_space<hbm>>
    %dma_start3A_5 = arith.constant 0 : i32
    %dma_start3A_6 = tpu.memref_slice %arg2[%min3A_3, %dma_start3A_5] : memref<200704x16xf32, #tpu.memory_space<hbm>> -> memref<3128x16xf32, #tpu.memory_space<hbm>>
    tpu.enqueue_dma source(%dma_start3A_6 : memref<3128x16xf32, #tpu.memory_space<hbm>>) target(%arg4 : memref<3128x16xf32, #tpu.memory_space<vmem>>) target_semaphore(%arg6 : memref<!tpu.dma_semaphore, #tpu.memory_space<semaphore_mem>>)
    %add3A_7 = arith.constant 100352 : i32
    %add3A_8 = arith.addi %add3A_7, %min3A_3 : i32
    %dma_start3A_9 = arith.constant 0 : i32
    %dma_start3A_10 = tpu.memref_slice %arg2[%add3A_8, %dma_start3A_9] : memref<200704x16xf32, #tpu.memory_space<hbm>> -> memref<3128x16xf32, #tpu.memory_space<hbm>>
    %dma_start3A_11 = arith.constant 0 : i32
    %dma_start3A_12 = tpu.memref_slice %arg2[%add3A_8, %dma_start3A_11] : memref<200704x16xf32, #tpu.memory_space<hbm>> -> memref<3128x16xf32, #tpu.memory_space<hbm>>
    tpu.enqueue_dma source(%dma_start3A_12 : memref<3128x16xf32, #tpu.memory_space<hbm>>) target(%arg5 : memref<3128x16xf32, #tpu.memory_space<vmem>>) target_semaphore(%arg6 : memref<!tpu.dma_semaphore, #tpu.memory_space<semaphore_mem>>)
    %dma_wait3A = arith.constant 0 : i32
    %dma_wait3A_13 = tpu.memref_slice %arg2[%min3A_3, %dma_wait3A] : memref<200704x16xf32, #tpu.memory_space<hbm>> -> memref<3128x16xf32, #tpu.memory_space<hbm>>
    %dma_wait3A_14 = arith.constant 0 : i32
    %dma_wait3A_15 = tpu.memref_slice %arg2[%min3A_3, %dma_wait3A_14] : memref<200704x16xf32, #tpu.memory_space<hbm>> -> memref<3128x16xf32, #tpu.memory_space<hbm>>
    tpu.wait_dma2 semaphore(%arg6 : memref<!tpu.dma_semaphore, #tpu.memory_space<semaphore_mem>>) src(%dma_wait3A_15 : memref<3128x16xf32, #tpu.memory_space<hbm>>) dst(%arg4 : memref<3128x16xf32, #tpu.memory_space<vmem>>)
    %dma_wait3A_16 = arith.constant 0 : i32
    %dma_wait3A_17 = tpu.memref_slice %arg2[%add3A_8, %dma_wait3A_16] : memref<200704x16xf32, #tpu.memory_space<hbm>> -> memref<3128x16xf32, #tpu.memory_space<hbm>>
    %dma_wait3A_18 = arith.constant 0 : i32
    %dma_wait3A_19 = tpu.memref_slice %arg2[%add3A_8, %dma_wait3A_18] : memref<200704x16xf32, #tpu.memory_space<hbm>> -> memref<3128x16xf32, #tpu.memory_space<hbm>>
    tpu.wait_dma2 semaphore(%arg6 : memref<!tpu.dma_semaphore, #tpu.memory_space<semaphore_mem>>) src(%dma_wait3A_19 : memref<3128x16xf32, #tpu.memory_space<hbm>>) dst(%arg5 : memref<3128x16xf32, #tpu.memory_space<vmem>>)
    %scan3A = arith.constant 0 : i32
    %scan3A_20 = arith.constant 0 : i32
    %scan3A_21 = arith.constant 3128 : i32
    %scan3A_22 = arith.addi %scan3A_20, %scan3A_21 : i32
    %scan3A_23 = arith.constant 1 : i32
    scf.for %scan3A_25 = %scan3A_20 to %scan3A_22 step %scan3A_23  : i32 {
      %get3A = arith.index_cast %scan3A_25 : i32 to index
      %get3A_26 = arith.constant 0 : index
      %get3A_27 = tpu.vector_load %arg4[%get3A, %get3A_26] {strides = array<i32>} : memref<3128x16xf32, #tpu.memory_space<vmem>>, vector<1x16xf32>,
      %get3A_28 = vector.shape_cast %get3A_27 : vector<1x16xf32> to vector<16xf32>
      %get3A_29 = arith.index_cast %scan3A_25 : i32 to index
      %get3A_30 = arith.constant 0 : index
      %get3A_31 = tpu.vector_load %arg5[%get3A_29, %get3A_30] {strides = array<i32>} : memref<3128x16xf32, #tpu.memory_space<vmem>>, vector<1x16xf32>,
      %get3A_32 = vector.shape_cast %get3A_31 : vector<1x16xf32> to vector<16xf32>
      %add3A_33 = arith.addf %get3A_28, %get3A_32 : vector<16xf32>
      %swap3A = arith.index_cast %scan3A_25 : i32 to index
      %swap3A_34 = arith.constant 0 : index
      %swap3A_35 = tpu.vector_load %arg4[%swap3A, %swap3A_34] {strides = array<i32>} : memref<3128x16xf32, #tpu.memory_space<vmem>>, vector<1x16xf32>,
      %swap3A_36 = vector.shape_cast %swap3A_35 : vector<1x16xf32> to vector<16xf32>
      %swap3A_37 = vector.shape_cast %add3A_33 : vector<16xf32> to vector<1x16xf32>
      tpu.vector_store %arg4[%swap3A, %swap3A_34], %swap3A_37 {strides = array<i32>} : memref<3128x16xf32, #tpu.memory_space<vmem>>, vector<1x16xf32>,
    }
    %scan3A_24 = arith.constant 3128 : i32
    "tpu.region"() ({
      %run_scoped3A = tpu.sem_alloc : memref<!tpu.dma_semaphore, #tpu.memory_space<semaphore_mem>>
      %dma_start3A_25 = arith.constant 0 : i32
      %dma_start3A_26 = tpu.memref_slice %arg3[%min3A_3, %dma_start3A_25] : memref<100000x16xf32, #tpu.memory_space<hbm>> -> memref<3128x16xf32, #tpu.memory_space<hbm>>
      %dma_start3A_27 = arith.constant 0 : i32
      %dma_start3A_28 = tpu.memref_slice %arg3[%min3A_3, %dma_start3A_27] : memref<100000x16xf32, #tpu.memory_space<hbm>> -> memref<3128x16xf32, #tpu.memory_space<hbm>>
      tpu.enqueue_dma source(%arg4 : memref<3128x16xf32, #tpu.memory_space<vmem>>) target(%dma_start3A_28 : memref<3128x16xf32, #tpu.memory_space<hbm>>) target_semaphore(%run_scoped3A : memref<!tpu.dma_semaphore, #tpu.memory_space<semaphore_mem>>)
      %dma_wait3A_29 = arith.constant 0 : i32
      %dma_wait3A_30 = tpu.memref_slice %arg3[%min3A_3, %dma_wait3A_29] : memref<100000x16xf32, #tpu.memory_space<hbm>> -> memref<3128x16xf32, #tpu.memory_space<hbm>>
      %dma_wait3A_31 = arith.constant 0 : i32
      %dma_wait3A_32 = tpu.memref_slice %arg3[%min3A_3, %dma_wait3A_31] : memref<100000x16xf32, #tpu.memory_space<hbm>> -> memref<3128x16xf32, #tpu.memory_space<hbm>>
      tpu.wait_dma2 semaphore(%run_scoped3A : memref<!tpu.dma_semaphore, #tpu.memory_space<semaphore_mem>>) src(%arg4 : memref<3128x16xf32, #tpu.memory_space<vmem>>) dst(%dma_wait3A_32 : memref<3128x16xf32, #tpu.memory_space<hbm>>)
      tpu.yield
    }) : () -> ()
    return
  }
}

</mosaic_0001>

<sc_bundles>
// kernel: kernel.4.cloned.1.call-start
scs
__scs_entry_jumppad:
0x0: {  	(pc) =	sbr.rel $0x88, $3  }
0x1: {  	(tag) =	ssettag $0x0;
	lr =	simm.s32 $0x1  }
0x2: {  	[smem:$0x3F9F] =	sst lr;
	_ =	strace $0xD0000000  }
0x3: {  	_ = 	snop  }
0x4: {  	_ = 	snop  }
0x5: {  	_ = 	snop  }
0x6: {  	_ = 	snop  }
0x7: {  	_ = 	snop  }
__scs_overlays_trampoline_lowered:
0x8: {  	[smem:$0x3FAE] =	sst s0  }
0x9: {  	[smem:$0x3FAF] =	sst s1  }
0xa: {  	[smem:$0x3FB0] =	sst s2  }
0xb: {  	[smem:$0x3FB1] =	sst s3  }
0xc: {  	[smem:$0x3FB2] =	sst s4  }
0xd: {  	[smem:$0x3FB3] =	sst s5  }
0xe: {  	[smem:$0x3FB4] =	sst s6  }
0xf: {  	[smem:$0x3FB5] =	sst s7  }
0x10: {  	[smem:$0x3FB6] =	sst s8  }
0x11: {  	[smem:$0x3FB7] =	sst s9;
	s0 =	simm.s32 @!p0 $0x0  }
0x12: {  	s1 =	sld [smem:$0x3F9D];
	s0 =	simm.s32 @p0 $0x1  }
0x13: {  	[smem:$0x3FB8] =	sst s0;
	s0 =	simm.s32 @!p1 $0x0  }
0x14: {  	s2 =	sld [smem:$0x3F9C];
	s0 =	simm.s32 @p1 $0x1  }
0x15: {  	[smem:$0x3FB9] =	sst s0;
	s0 =	simm.s32 @!p2 $0x0  }
0x16: {  	s3 =	sld [smem:$0x3FDB];
	s0 =	simm.s32 @p2 $0x1  }
0x17: {  	s4 =	simm.s32 $0x1BF5;
	[smem:$0x3FBB] =	sst s0  }
0x18: {  	s0 =	sld [smem:$0x3F9E];
	_ =	swait.ge [sflag:s4], $0x0  }
0x19: {  	s7 =	sld [smem:$0x3F9F]  }
0x1a: {  	s8 =	sadd.s32 $0xFFFFE003, lr  }
0x1b: {  	s9 =	sadd.s32 $0xFFFFFEF7, lr;
	s5 =	simm.s32 $0xFFFFFFFF;
	p2 =	slt.u32 s8, $0xFFFFF086  }
0x1c: {  	p1 =	slt.u32 s9, $0xF7A;
	s5 =	simm.s32 @!p2 $0x0  }
0x1d: {  	s5 =	simm.s32 @p1 $0x1;
	p0 =	seq.s32 s7, s2  }
0x1e: {  	s7 =	smul.u32 @!p0 $0xF7A, s2;
	p2 =	seq.s32 @!p0 s5, $0x0  }
0x1f: {  	s9 =	smul.u32 $0xF7A, s1;
	s8 =	simm.s32 @!p0 $0x1BF5;
	p2 =	por !p2, p0  }
0x20: {  	[sflag:s8] =	ssyncset.s32 @!p0 $0xFFFFF086;
	s6 =	sadd.s32 @!p0 s3, s7;
	s7 =	simm.s32 @!p0 $0x108  }
0x21: {  	s3 =	sadd.s32 s3, s9;
	s6 =	sadd.s32 @!p0 $0x88, s6;
	s7 =	simm.s32 @p2 $0x1082  }
0x22: {  	[simem:s7], [sflag:s8] =	dma.local @!p0 [hbm:s6], $0xF7A  }
0x23: {  	s9 =	sor.u32 $0xD0000000, s2;
	s6 =	simm.s32 $0x108;
	_ =	swait.ge @!p0 [sflag:s8], $0x0  }
0x24: {  	s3 =	sadd.s32 $0x88, s3;
	s6 =	simm.s32 @!p1 $0x1082;
	[sflag:s4] =	ssyncset.s32 $0xFFFFF086  }
0x25: {  	[simem:s6], [sflag:s4] =	dma.local [hbm:s3], $0xF7A  }
0x26: {  	[smem:$0x3F9F] =	sst s1;
	(tag) =	ssettag s2;
	_ =	strace s9  }
0x27: {  	s1 =	sld [smem:$0x3FAF]  }
0x28: {  	s2 =	sld [smem:$0x3FB0]  }
0x29: {  	s4 =	sld [smem:$0x3FB2]  }
0x2a: {  	p0 =	seq.s32 s5, $0x0;
	s5 =	sld [smem:$0x3FB3]  }
0x2b: {  	s6 =	sld [smem:$0x3FB4]  }
0x2c: {  	s7 =	sld [smem:$0x3FB5]  }
0x2d: {  	s3 =	simm.s32 $0x108;
	s8 =	sld [smem:$0x3FB6]  }
0x2e: {  	s3 =	simm.s32 @!p0 $0x1082;
	s9 =	sld [smem:$0x3FB7]  }
0x2f: {  	lr =	sadd.s32 s0, s3;
	s0 =	sld [smem:$0x3FAE]  }
0x30: {  	s3 =	sld [smem:$0x3FB1]  }
0x31: {  	[smem:$0x3FBA] =	sst s10  }
0x32: {  	s10 =	sld [smem:$0x3FB8];
	_ =	sdelay $0x3  }
0x33: {  	p0 =	seq.s32 s10, $0x1;
	s10 =	sld [smem:$0x3FBA];
	_ =	sdelay $0x3  }
0x34: {  	[smem:$0x3FBA] =	sst s10  }
0x35: {  	s10 =	sld [smem:$0x3FB9];
	_ =	sdelay $0x3  }
0x36: {  	p1 =	seq.s32 s10, $0x1;
	s10 =	sld [smem:$0x3FBA];
	_ =	sdelay $0x3  }
0x37: {  	[smem:$0x3FBA] =	sst s10  }
0x38: {  	s10 =	sld [smem:$0x3FBB]  }
0x39: {  	_ = 	snop;
	(pc) =	sbr.ind lr, $3  }
0x3a: {  	_ = 	snop  }
0x3b: {  	_ = 	snop  }
0x3c: {  	p2 =	seq.s32 s10, $0x1;
	s10 =	sld [smem:$0x3FBA]  }
0x3d: {  	_ =	shalt  }
0x3e: {  	_ =	shalt  }
0x3f: {  	_ =	shalt  }
0x40: {  	_ =	shalt  }
0x41: {  	_ =	shalt  }
0x42: {  	_ =	shalt  }
0x43: {  	_ =	shalt  }
0x44: {  	_ =	shalt  }
0x45: {  	_ =	shalt  }
0x46: {  	_ =	shalt  }
0x47: {  	_ =	shalt  }
0x48: {  	_ =	shalt  }
0x49: {  	_ =	shalt  }
0x4a: {  	_ =	shalt  }
0x4b: {  	_ =	shalt  }
0x4c: {  	_ =	shalt  }
0x4d: {  	_ =	shalt  }
0x4e: {  	_ =	shalt  }
0x4f: {  	_ =	shalt  }
0x50: {  	_ =	shalt  }
0x51: {  	_ =	shalt  }
0x52: {  	_ =	shalt  }
0x53: {  	_ =	shalt  }
0x54: {  	_ =	shalt  }
0x55: {  	_ =	shalt  }
0x56: {  	_ =	shalt  }
0x57: {  	_ =	shalt  }
0x58: {  	_ =	shalt  }
0x59: {  	_ =	shalt  }
0x5a: {  	_ =	shalt  }
0x5b: {  	_ =	shalt  }
0x5c: {  	_ =	shalt  }
0x5d: {  	_ =	shalt  }
0x5e: {  	_ =	shalt  }
0x5f: {  	_ =	shalt  }
0x60: {  	_ =	shalt  }
0x61: {  	_ =	shalt  }
0x62: {  	_ =	shalt  }
0x63: {  	_ =	shalt  }
0x64: {  	_ =	shalt  }
0x65: {  	_ =	shalt  }
0x66: {  	_ =	shalt  }
0x67: {  	_ =	shalt  }
0x68: {  	_ =	shalt  }
0x69: {  	_ =	shalt  }
0x6a: {  	_ =	shalt  }
0x6b: {  	_ =	shalt  }
0x6c: {  	_ =	shalt  }
0x6d: {  	_ =	shalt  }
0x6e: {  	_ =	shalt  }
0x6f: {  	_ =	shalt  }
0x70: {  	_ =	shalt  }
0x71: {  	_ =	shalt  }
0x72: {  	_ =	shalt  }
0x73: {  	_ =	shalt  }
0x74: {  	_ =	shalt  }
0x75: {  	_ =	shalt  }
0x76: {  	_ =	shalt  }
0x77: {  	_ =	shalt  }
0x78: {  	_ =	shalt  }
0x79: {  	_ =	shalt  }
0x7a: {  	_ =	shalt  }
0x7b: {  	_ =	shalt  }
0x7c: {  	_ =	shalt  }
0x7d: {  	_ =	shalt  }
0x7e: {  	_ =	shalt  }
0x7f: {  	_ =	shalt  }
0x80: {  	_ =	shalt  }
0x81: {  	_ =	shalt  }
0x82: {  	_ =	shalt  }
0x83: {  	_ =	shalt  }
0x84: {  	_ =	shalt  }
0x85: {  	_ =	shalt  }
0x86: {  	_ =	shalt  }
0x87: {  	_ =	shalt  }
.Lfunc_end0:
.L_simem_size_0:
called_computation_lowered:
.L_overlay_start_0:
0x88: {  	s2 =	sld [smem:$0x3FD9]  }
0x89: {  	s3 =	sld [smem:$0x3FFE];
	_ =	sdelay $0x1  }
0x8a: {  	s1 =	srdreg.scid  }
0x8b: {  	s0 =	sand.u32 $0x1, s1  }
0x8c: {  	s17 =	sshll.u32 s0, $0xA;
	s2 =	sadd.s32 s3, s2  }
0x8d: {  	s2 =	sadd.s32 s2, s17  }
0x8e: {  	[smem:$0x3FC6] =	sst s2  }
0x8f: {  	_ = 	snop  }
0x90: {  	s2 =	sld [smem:$0x3FC8];
	(tm) =	ssettm $0x1  }
0x91: {  	s18 =	sld [smem:$0x3FFB];
	_ =	sdelay $0x3  }
0x92: {  	_ =	strace s18  }
0x93: {  	s3 =	sld [smem:$0x3FFC];
	_ =	sdelay $0x3  }
0x94: {  	_ =	strace s3  }
0x95: {  	s3 =	sld [smem:$0x3FFD];
	_ =	sdelay $0x3  }
0x96: {  	_ =	strace s3  }
0x97: {  	_ =	strace $0x8FFFFFFF  }
0x98: {  	s19 =	sld [smem:$0x3FDB];
	_ =	sdelay $0x1  }
0x99: {  	s4 =	simm.s32 $_scs_section_size  }
0x9a: {  	s5 =	simm.s32 $_size__tile_overlayer_lowered;
	s6 =	simm.s32 $_tile_overlayer_lowered  }
0x9b: {  	s22 =	simm.s32 $0x1BFF;
	s21 =	sshll.u32 s6, $0x1;
	s3 =	sadd.s32 s4, s19  }
0x9c: {  	s7 =	simm.s32 $0x0;
	s20 =	sshll.u32 s5, $0x1;
	s5 =	sadd.s32 s21, s3  }
0x9d: {  	[timem:s7], [sflag:s22] =	dma.local [hbm:s5], s20  }
0x9e: {  	_ =	swait.ge [sflag:s22], s20  }
0x9f: {  	s4 =	ssub.s32 $0x0, s20;
	[sflag:s22] =	ssyncset.done $0x0  }
0xa0: {  	[sflag:s22] =	ssyncadd.s32 s4;
	_ =	sdelay $0x1  }
0xa1: {  	s23 =	simm.s32 $0x1B8B  }
0xa2: {  	_ =	swait.ge [sflag:s23], $0x1  }
0xa3: {  	[sflag:s23] =	ssyncset.done $0x0  }
0xa4: {  	s25 =	simm.s32 $0x1B8E;
	s24 =	sld [smem:$0x3FFE];
	[sflag:s23] =	ssyncadd.s32 $0xFFFFFFFF  }
0xa5: {  	s26 =	simm.s32 $execute0_lowered;
	[smem:$0x3FD2] =	sst s25  }
0xa6: {  	s5 =	sshll.u32 s26, $0x1;
	_ =	strace $0x80000046;
	[dreg:$0x1] =	wrdreg $0xFFFFFFFF  }
0xa7: {  	s28 =	simm.s32 $_size_execute0_lowered;
	s3 =	sadd.s32 s3, s5;
	[dreg:$0x0] =	wrdreg $0x0  }
0xa8: {  	s5 =	sshll.u32 s28, $0x1;
	[dreg:$0x2] =	wrdreg s3  }
0xa9: {  	[dreg:$0x3] =	wrdreg s5  }
0xaa: {  	[dreg:$0x4] =	wrdreg $0xC0  }
0xab: {  	_ =	task [dreg:s7], $0x5FFFF  }
0xac: {  	[dreg:$0x1] =	wrdreg $0xFFFFFFFF  }
0xad: {  	[dreg:$0x0] =	wrdreg $0x60  }
0xae: {  	[dreg:$0x2] =	wrdreg s24  }
0xaf: {  	[dreg:$0x3] =	wrdreg s2  }
0xb0: {  	[dreg:$0x4] =	wrdreg $0x60000  }
0xb1: {  	[dreg:$0x5] =	wrdreg $0x9  }
0xb2: {  	_ =	task.clear_ibuf [dreg:s7], $0x6FFFF;
	_ =	strace $0x90000046  }
0xb3: {  	s29 =	simm.s32 $0x9;
	_ =	strace $0x80000048  }
0xb4: {  	_ =	swait.ge [sflag:s29], $0x1  }
0xb5: {  	[sflag:s29] =	ssyncadd.s32 $0xFFFFFFFF  }
0xb6: {  	_ =	strace $0x90000048  }
0xb7: {  	_ =	sfence  }
0xb8: {  	s30 =	sld [smem:$0x0];
	_ =	sdelay $0x2  }
0xb9: {  	s31 =	sshll.u32 s1, $0xD;
	s1 =	sshrl.u32 s1, $0x2  }
0xba: {  	s3 =	sand.u32 $0x4000, s31;
	s1 =	sadd.s32 s1, s30  }
0xbb: {  	s0 =	sor.u32 s3, s0;
	s1 =	sshll.u32 s1, $0x11  }
0xbc: {  	s0 =	sor.u32 s1, s0  }
0xbd: {  	s0 =	sadd.s32 $0x8F2B, s0  }
0xbe: {  	[sflag:s0] =	ssyncadd.remote.s32 $0x1  }
0xbf: {  	_ =	sfence.sel $0xFFFF  }
0xc0: {  	[dreg:$0x0] =	wrdreg $0xFFFFFFFF;
	(pc) =	sbr.abs _section_cstart, $3  }
0xc1: {  	[dreg:$0x1] =	wrdreg $0xFFFFFFFF  }
0xc2: {  	_ =	task.clear_ibuf [dreg:s7], $0x2FFFF;
	_ =	strace $0x9FFFFFFF  }
0xc3: {  	(tm) =	ssettm $0x7FFFFFFF  }
tec
execute0_lowered:
.L_overlay_start_1:
0x0: {  	(tag) =	ssettag $0x1  }
0x1: {  	s0 =	rddreg [dreg:$0x0];
	s13 =	stileid.u32  }
0x2: {  	s1 =	rddreg [dreg:$0x1];
	s4 =	smul.u32 $0x1880, s13  }
0x3: {  	s3 =	srdreg.scid;
	s8 =	smul.u32 $0x62000, s13  }
0x4: {  	s2 =	rddreg [dreg:$0x2];
	s6 =	sand.u32 $0x1, s3;
	s15 =	smul.u32 $0xC3, s13  }
0x5: {  	s3 =	simm.s32 $0x0;
	s7 =	sadd.s32 $0x30D4800, s0;
	s5 =	smul.u32 $0x18800, s6  }
0x6: {  	[smem:$0x7FF] =	sst s3;
	s22 =	sshll.u32 s6, $0x4;
	s23 =	ssub.s32 $0x2, s6  }
0x7: {  	s6 =	smul.u32 $0xC30, s6;
	_ =	strace $0x80000047;
	s9 =	sshrl.u32 s23, $0x1  }
0x8: {  	s8 =	sshrl.u32 s8, $0x2;
	s4 =	sadd.s32 s4, s5;
	s5 =	sor.u32 s13, s22  }
0x9: {  	s9 =	ssub.s32 s23, s9;
	s6 =	sadd.s32 s15, s6;
	s4 =	sshll.u32 s4, $0x1  }
0xa: {  	s10 =	smul.u32 $0xC3, s5;
	s24 =	smin.u32 s5, $0xA;
	p0 =	slt.u32 s5, $0xA  }
0xb: {  	s5 =	simm.s32 $0xC4;
	s15 =	smax.u32 s9, $0x1;
	s0 =	sadd.s32 s4, s0  }
0xc: {  	s4 =	sadd.s32 s8, s2;
	s5 =	simm.s32 @!p0 $0xC3;
	[dreg:$0x16] =	wrdreg s15  }
0xd: {  	s6 =	sadd.s32 s24, s6;
	s26 =	sadd.s32 $0x800, s0;
	[dreg:$0x19] =	wrdreg s4  }
0xe: {  	s15 =	simm.s32 $0x3;
	s14 =	sadd.s32 $0xF00, s0;
	[dreg:$0x6] =	wrdreg s26  }
0xf: {  	s10 =	sadd.s32 s24, s10;
	s16 =	sadd.s32 $0x1280, s0;
	[dreg:$0x8] =	wrdreg s14  }
0x10: {  	s17 =	sadd.s32 $0x1600, s0;
	s18 =	sadd.s32 $0x1980, s0;
	[dreg:$0x9] =	wrdreg s16  }
0x11: {  	s19 =	sadd.s32 $0x1D00, s0;
	s20 =	sadd.s32 $0x2080, s0;
	[dreg:$0xa] =	wrdreg s17  }
0x12: {  	s21 =	sadd.s32 $0x2400, s0;
	s22 =	sadd.s32 $0x2780, s0;
	[dreg:$0xb] =	wrdreg s18  }
0x13: {  	s13 =	sadd.s32 $0x2E80, s0;
	s28 =	sadd.s32 $0xA800, s4;
	[dreg:$0xc] =	wrdreg s19  }
0x14: {  	s29 =	sadd.s32 $0xC400, s4;
	s30 =	sadd.s32 $0xE000, s4;
	[dreg:$0xd] =	wrdreg s20  }
0x15: {  	s31 =	sadd.s32 $0xFC00, s4;
	s11 =	sshll.u32 s10, $0xA;
	[dreg:$0xe] =	wrdreg s21  }
0x16: {  	s12 =	sshll.u32 s10, $0x6;
	s10 =	sadd.s32 $0x1, s10;
	[dreg:$0xf] =	wrdreg s22  }
0x17: {  	s26 =	sshll.u32 s6, $0x6;
	s6 =	sshll.u32 s6, $0xA;
	[dreg:$0x13] =	wrdreg s13  }
0x18: {  	s14 =	sadd.s32 $0x3200, s0;
	s22 =	sadd.s32 $0x3800, s4;
	s18 =	sadd.s32 $0x11800, s4  }
0x19: {  	s19 =	sadd.s32 $0x13400, s4;
	s20 =	sadd.s32 $0x15000, s4;
	[dreg:$0x14] =	wrdreg s14  }
0x1a: {  	s21 =	sadd.s32 $0x16C00, s4;
	s11 =	sadd.s32 s7, s11;
	[dreg:$0x1a] =	wrdreg s18  }
0x1b: {  	s25 =	sadd.s32 s1, s12;
	s12 =	sadd.s32 $0xB80, s0;
	[dreg:$0x1b] =	wrdreg s19  }
0x1c: {  	s23 =	sshll.u32 s10, $0x6;
	s24 =	sshll.u32 s10, $0xA;
	[dreg:$0x1c] =	wrdreg s20  }
0x1d: {  	s6 =	sadd.s32 s7, s6;
	[dreg:$0x1d] =	wrdreg s21;
	s14 =	simm.s32 $0x4400  }
0x1e: {  	s18 =	simm.s32 $0x80;
	s19 =	simm.s32 $0x2;
	[dreg:$0x4] =	wrdreg s11  }
0x1f: {  	s20 =	simm.s32 $0x0;
	[dreg:$0x5] =	wrdreg s25;
	s25 =	sand.u32 $0x1FFFFFC0, s23  }
0x20: {  	[dreg:$0x7] =	wrdreg s12;
	s8 =	sand.u32 $0x1FFFFC00, s24;
	s12 =	sadd.s32 $0x2B00, s0  }
0x21: {  	s0 =	sadd.s32 $0x3580, s0;
	s23 =	sadd.s32 $0x5400, s4;
	[dreg:$0x11] =	wrdreg s12  }
0x22: {  	s24 =	sadd.s32 $0x7000, s4;
	s10 =	sadd.s32 s1, s25;
	[dreg:$0x15] =	wrdreg s0  }
0x23: {  	s1 =	sadd.s32 s1, s26;
	s8 =	sadd.s32 s7, s8;
	[dreg:$0x10] =	wrdreg s10  }
0x24: {  	s25 =	sadd.s32 $0x800, s6;
	[dreg:$0x12] =	wrdreg s8;
	s16 =	ssub.s32 $0xFFFFFF80, s1  }
0x25: {  	s26 =	sadd.s32 $0x8C00, s4;
	s17 =	sadd.s32 $0x80, s1;
	[dreg:$0x17] =	wrdreg s16  }
0x26: {  	v0 =	vimm.f32 $0.0e+00;
	s1 =	sadd.s32 $0x1C00, s4;
	[dreg:$0x18] =	wrdreg s17;
	s17 =	simm.s32 $0x1  }
.LBB2_1:
0x27: {  	s16 =	simm.s32 $0x40;
	s21 =	simm.s32 $0x0  }
.LBB2_2:
0x28: {  	p0 =	sne.s32 s16, $0x6FC0;
	[tilespmem:s21+$0x4400] =	vst v0;
	s21 =	smov.u32 s16;
	s16 =	sadd.s32 $0x40, s16  }
.Ltmp0:
0x29: {  	(pc) =	sbr.rel @p0 .LBB2_2-.Ltmp0, $2  }
0x2a: {  	_ =	sdelay $0x2  }
0x2b: {  	s21 =	sshra.s32 s21, $0x2  }
0x2c: {  	[tilespmem:s21+$0x4400] =	vst v0;
	s0 =	rddreg [dreg:$0x19]  }
0x2d: {  	[spmem:s0] =	stream.linear.scatter [tilespmem:s14], [sflag:$0x3], $0x1C00, $0x38;
	[tilespmem:$0x1E800] =	vst v63  }
0x2e: {  	_ =	swait.ge [sflag:s15], $0x1C00  }
0x2f: {  	[sflag:s15] =	ssyncset.done $0x0  }
0x30: {  	[sflag:s15] =	ssyncadd.s32 $0xFFFFE400  }
0x31: {  	[spmem:s1] =	stream.linear.scatter [tilespmem:s14], [sflag:$0x3], $0x1C00, $0x38;
	[tilespmem:$0x1E800] =	vst v63  }
0x32: {  	_ =	swait.ge [sflag:s15], $0x1C00  }
0x33: {  	[sflag:s15] =	ssyncset.done $0x0  }
0x34: {  	[sflag:s15] =	ssyncadd.s32 $0xFFFFE400  }
0x35: {  	[spmem:s22] =	stream.linear.scatter [tilespmem:s14], [sflag:$0x3], $0x1C00, $0x38;
	[tilespmem:$0x1E800] =	vst v63  }
0x36: {  	_ =	swait.ge [sflag:s15], $0x1C00  }
0x37: {  	[sflag:s15] =	ssyncset.done $0x0  }
0x38: {  	[sflag:s15] =	ssyncadd.s32 $0xFFFFE400  }
0x39: {  	[spmem:s23] =	stream.linear.scatter [tilespmem:s14], [sflag:$0x3], $0x1C00, $0x38;
	[tilespmem:$0x1E800] =	vst v63  }
0x3a: {  	_ =	swait.ge [sflag:s15], $0x1C00  }
0x3b: {  	[sflag:s15] =	ssyncset.done $0x0  }
0x3c: {  	[sflag:s15] =	ssyncadd.s32 $0xFFFFE400  }
0x3d: {  	[spmem:s24] =	stream.linear.scatter [tilespmem:s14], [sflag:$0x3], $0x1C00, $0x38;
	[tilespmem:$0x1E800] =	vst v63  }
0x3e: {  	_ =	swait.ge [sflag:s15], $0x1C00  }
0x3f: {  	[sflag:s15] =	ssyncset.done $0x0  }
0x40: {  	[sflag:s15] =	ssyncadd.s32 $0xFFFFE400  }
0x41: {  	[spmem:s26] =	stream.linear.scatter [tilespmem:s14], [sflag:$0x3], $0x1C00, $0x38;
	[tilespmem:$0x1E800] =	vst v63  }
0x42: {  	_ =	swait.ge [sflag:s15], $0x1C00  }
0x43: {  	[sflag:s15] =	ssyncset.done $0x0  }
0x44: {  	[sflag:s15] =	ssyncadd.s32 $0xFFFFE400  }
0x45: {  	[spmem:s28] =	stream.linear.scatter [tilespmem:s14], [sflag:$0x3], $0x1C00, $0x38;
	[tilespmem:$0x1E800] =	vst v63  }
0x46: {  	_ =	swait.ge [sflag:s15], $0x1C00  }
0x47: {  	[sflag:s15] =	ssyncset.done $0x0  }
0x48: {  	[sflag:s15] =	ssyncadd.s32 $0xFFFFE400  }
0x49: {  	[spmem:s29] =	stream.linear.scatter [tilespmem:s14], [sflag:$0x3], $0x1C00, $0x38;
	[tilespmem:$0x1E800] =	vst v63  }
0x4a: {  	_ =	swait.ge [sflag:s15], $0x1C00  }
0x4b: {  	[sflag:s15] =	ssyncset.done $0x0  }
0x4c: {  	[sflag:s15] =	ssyncadd.s32 $0xFFFFE400  }
0x4d: {  	[spmem:s30] =	stream.linear.scatter [tilespmem:s14], [sflag:$0x3], $0x1C00, $0x38;
	[tilespmem:$0x1E800] =	vst v63  }
0x4e: {  	_ =	swait.ge [sflag:s15], $0x1C00  }
0x4f: {  	[sflag:s15] =	ssyncset.done $0x0  }
0x50: {  	[sflag:s15] =	ssyncadd.s32 $0xFFFFE400  }
0x51: {  	[spmem:s31] =	stream.linear.scatter [tilespmem:s14], [sflag:$0x3], $0x1C00, $0x38;
	[tilespmem:$0x1E800] =	vst v63  }
0x52: {  	_ =	swait.ge [sflag:s15], $0x1C00  }
0x53: {  	[sflag:s15] =	ssyncset.done $0x0  }
0x54: {  	s8 =	smov.u32 s23;
	s23 =	rddreg [dreg:$0x1a];
	[sflag:s15] =	ssyncadd.s32 $0xFFFFE400  }
0x55: {  	[spmem:s23] =	stream.linear.scatter [tilespmem:s14], [sflag:$0x3], $0x1C00, $0x38;
	[tilespmem:$0x1E800] =	vst v63  }
0x56: {  	_ =	swait.ge [sflag:s15], $0x1C00  }
0x57: {  	[sflag:s15] =	ssyncset.done $0x0  }
0x58: {  	s9 =	smov.u32 s24;
	s24 =	rddreg [dreg:$0x1b];
	[sflag:s15] =	ssyncadd.s32 $0xFFFFE400  }
0x59: {  	[spmem:s24] =	stream.linear.scatter [tilespmem:s14], [sflag:$0x3], $0x1C00, $0x38;
	[tilespmem:$0x1E800] =	vst v63  }
0x5a: {  	_ =	swait.ge [sflag:s15], $0x1C00  }
0x5b: {  	[sflag:s15] =	ssyncset.done $0x0  }
0x5c: {  	s10 =	smov.u32 s26;
	s26 =	rddreg [dreg:$0x1c];
	[sflag:s15] =	ssyncadd.s32 $0xFFFFE400  }
0x5d: {  	[spmem:s26] =	stream.linear.scatter [tilespmem:s14], [sflag:$0x3], $0x1C00, $0x38;
	[tilespmem:$0x1E800] =	vst v63  }
0x5e: {  	_ =	swait.ge [sflag:s15], $0x1C00  }
0x5f: {  	[sflag:s15] =	ssyncset.done $0x0  }
0x60: {  	s6 =	smov.u32 s1;
	s1 =	rddreg [dreg:$0x1d];
	[sflag:s15] =	ssyncadd.s32 $0xFFFFE400  }
0x61: {  	[spmem:s1] =	stream.linear.scatter [tilespmem:s14], [sflag:$0x3], $0x1C00, $0x38;
	[tilespmem:$0x1E800] =	vst v63  }
0x62: {  	_ =	swait.ge [sflag:s15], $0x1C00  }
0x63: {  	[sflag:s15] =	ssyncset.done $0x0  }
0x64: {  	[sflag:s15] =	ssyncadd.s32 $0xFFFFE400  }
0x65: {  	[bflag:$0x0] =	sbarrier.arrive $0xFFFF  }
0x66: {  	s16 =	rddreg [dreg:$0x4]  }
0x67: {  	[tilespmem:s3], [sflag:$0x1] =	stream.linear.gather [hbm4b:s16+s3], $0x2000, $0x38;
	[tilespmem:$0x1E800] =	vst v63  }
0x68: {  	s7 =	smov.u32 s22;
	s22 =	simm.s32 $0x4000;
	s21 =	rddreg [dreg:$0x5]  }
0x69: {  	[tilespmem:s22], [sflag:$0x1] =	stream.linear.gather [hbm4b:s21+s3], $0x200, $0x38;
	[tilespmem:$0x1E800] =	vst v63  }
0x6a: {  	s23 =	rddreg [dreg:$0x12];
	s16 =	simm.s32 $0x2000  }
0x6b: {  	[tilespmem:s16], [sflag:$0x1] =	stream.linear.gather [hbm4b:s23+s3], $0x2000, $0x38;
	[tilespmem:$0x1E800] =	vst v63  }
0x6c: {  	s26 =	simm.s32 $0x4200;
	s24 =	rddreg [dreg:$0x10]  }
0x6d: {  	[tilespmem:s26], [sflag:$0x1] =	stream.linear.gather [hbm4b:s24+s3], $0x200, $0x38;
	[tilespmem:$0x1E800] =	vst v63  }
0x6e: {  	_ =	swait.ge [sflag:s17], $0x2000  }
0x6f: {  	[sflag:s17] =	ssyncset.done $0x0  }
0x70: {  	[sflag:s17] =	ssyncadd.s32 $0xFFFFE000  }
0x71: {  	_ =	swait.ge [sflag:s17], $0x200  }
0x72: {  	[sflag:s17] =	ssyncset.done $0x0  }
0x73: {  	[sflag:s17] =	ssyncadd.s32 $0xFFFFFE00  }
0x74: {  	[spmem:s2] =	stream.indirect.scatter.add.f32 [tilespmem:s3], [sflag:$0x2], $0x10, s22, s18, $0xb8;
	[tilespmem:$0x1E800] =	vst v63  }
0x75: {  	s21 =	simm.s32 $0x800;
	s16 =	simm.s32 $0x4080  }
0x76: {  	[spmem:s2] =	stream.indirect.scatter.add.f32 [tilespmem:s21], [sflag:$0x2], $0x10, s16, s18, $0xb8;
	[tilespmem:$0x1E800] =	vst v63  }
0x77: {  	s23 =	simm.s32 $0x1000;
	s22 =	simm.s32 $0x4100  }
0x78: {  	[spmem:s2] =	stream.indirect.scatter.add.f32 [tilespmem:s23], [sflag:$0x2], $0x10, s22, s18, $0xb8;
	[tilespmem:$0x1E800] =	vst v63  }
0x79: {  	s24 =	simm.s32 $0x4180;
	s26 =	simm.s32 $0x1800  }
0x7a: {  	[spmem:s2] =	stream.indirect.scatter.add.f32 [tilespmem:s26], [sflag:$0x2], $0x10, s24, s18, $0xb8;
	[tilespmem:$0x1E800] =	vst v63  }
0x7b: {  	_ =	swait.ge [sflag:s19], $0x800  }
0x7c: {  	[sflag:s19] =	ssyncset.done $0x0  }
0x7d: {  	[sflag:s19] =	ssyncadd.s32 $0xFFFFF800  }
0x7e: {  	_ =	swait.ge [sflag:s19], $0x800  }
0x7f: {  	[sflag:s19] =	ssyncset.done $0x0  }
0x80: {  	[sflag:s19] =	ssyncadd.s32 $0xFFFFF800  }
0x81: {  	_ =	swait.ge [sflag:s19], $0x800  }
0x82: {  	[sflag:s19] =	ssyncset.done $0x0  }
0x83: {  	[sflag:s19] =	ssyncadd.s32 $0xFFFFF800  }
0x84: {  	s0 =	simm.s32 $0x2;
	_ =	swait.ge [sflag:s19], $0x800  }
0x85: {  	s16 =	sand.u32 $0x1, s0;
	[sflag:s19] =	ssyncset.done $0x0  }
0x86: {  	s21 =	sshll.u32 s16, $0xD;
	s22 =	sshll.u32 s16, $0x9;
	[sflag:s19] =	ssyncadd.s32 $0xFFFFF800  }
0x87: {  	[tilespmem:s21], [sflag:$0x1] =	stream.linear.gather [hbm4b:s25+s3], $0x2000, $0x38;
	[tilespmem:$0x1E800] =	vst v63  }
0x88: {  	s24 =	sor.u32 $0x4000, s22;
	s0 =	rddreg [dreg:$0x18]  }
0x89: {  	[tilespmem:s24], [sflag:$0x1] =	stream.linear.gather [hbm4b:s0+s3], $0x200, $0x38;
	[tilespmem:$0x1E800] =	vst v63  }
0x8a: {  	_ =	swait.ge [sflag:s17], $0x2000  }
0x8b: {  	[sflag:s17] =	ssyncset.done $0x0  }
0x8c: {  	s11 =	smov.u32 s28;
	s1 =	simm.s32 $0x1;
	[sflag:s17] =	ssyncadd.s32 $0xFFFFE000  }
0x8d: {  	s12 =	smov.u32 s29;
	s16 =	sand.u32 $0x1, s1;
	_ =	swait.ge [sflag:s17], $0x200  }
0x8e: {  	s13 =	smov.u32 s30;
	s29 =	sshll.u32 s16, $0x9;
	[sflag:s17] =	ssyncset.done $0x0  }
0x8f: {  	s30 =	sshll.u32 s16, $0xD;
	s23 =	sor.u32 $0x4000, s29;
	[sflag:s17] =	ssyncadd.s32 $0xFFFFFE00  }
0x90: {  	[spmem:s2] =	stream.indirect.scatter.add.f32 [tilespmem:s30], [sflag:$0x2], $0x10, s23, s18, $0xb8;
	[tilespmem:$0x1E800] =	vst v63  }
0x91: {  	p0 =	sne.s32 s5, $0x3;
	s26 =	sor.u32 $0x800, s30;
	s1 =	sor.u32 $0x4080, s29  }
0x92: {  	[spmem:s2] =	stream.indirect.scatter.add.f32 [tilespmem:s26], [sflag:$0x2], $0x10, s1, s18, $0xb8;
	[tilespmem:$0x1E800] =	vst v63  }
.Ltmp1:
0x93: {  	s4 =	smov.u32 s31;
	s28 =	sadd.s32 $0x400, s25;
	(pc) =	sbr.rel @!p0 .LBB2_5-.Ltmp1, $4  }
0x94: {  	s31 =	sor.u32 $0x4180, s29;
	s26 =	sor.u32 $0x1000, s30;
	s1 =	sor.u32 $0x4100, s29  }
0x95: {  	[spmem:s2] =	stream.indirect.scatter.add.f32 [tilespmem:s26], [sflag:$0x2], $0x10, s1, s18, $0xb8;
	[tilespmem:$0x1E800] =	vst v63  }
0x96: {  	s16 =	sadd.s32 $0x40, s0;
	s23 =	simm.s32 $0x3;
	s1 =	rddreg [dreg:$0x17]  }
0x97: {  	s30 =	sor.u32 $0x1800, s30;
	s26 =	sadd.s32 $0x400, s25;
	s29 =	sadd.s32 $0xFFFFFFC0, s1  }
.LBB2_4:
0x98: {  	[spmem:s2] =	stream.indirect.scatter.add.f32 [tilespmem:s30], [sflag:$0x2], $0x10, s31, s18, $0xb8;
	[tilespmem:$0x1E800] =	vst v63  }
0x99: {  	s30 =	smov.u32 s23;
	s23 =	sadd.s32 $0x1, s23;
	_ =	swait.ge [sflag:s19], $0x800  }
0x9a: {  	p0 =	sne.s32 s5, s23;
	[sflag:s19] =	ssyncset.done $0x0  }
0x9b: {  	[sflag:s19] =	ssyncadd.s32 $0xFFFFF800  }
0x9c: {  	_ =	swait.ge [sflag:s19], $0x800  }
0x9d: {  	[sflag:s19] =	ssyncset.done $0x0  }
0x9e: {  	[sflag:s19] =	ssyncadd.s32 $0xFFFFF800  }
0x9f: {  	_ =	swait.ge [sflag:s19], $0x800  }
0xa0: {  	[sflag:s19] =	ssyncset.done $0x0  }
0xa1: {  	[sflag:s19] =	ssyncadd.s32 $0xFFFFF800  }
0xa2: {  	_ =	swait.ge [sflag:s19], $0x800  }
0xa3: {  	s22 =	sand.u32 $0x1, s30;
	[sflag:s19] =	ssyncset.done $0x0  }
0xa4: {  	s21 =	sshll.u32 s22, $0xD;
	s22 =	sshll.u32 s22, $0x9;
	[sflag:s19] =	ssyncadd.s32 $0xFFFFF800  }
0xa5: {  	[tilespmem:s21], [sflag:$0x1] =	stream.linear.gather [hbm4b:s26+s3], $0x2000, $0x38;
	[tilespmem:$0x1E800] =	vst v63  }
0xa6: {  	s24 =	sor.u32 $0x4000, s22  }
0xa7: {  	[tilespmem:s24], [sflag:$0x1] =	stream.linear.gather [hbm4b:s16+s3], $0x200, $0x38;
	[tilespmem:$0x1E800] =	vst v63  }
0xa8: {  	_ =	swait.ge [sflag:s17], $0x2000  }
0xa9: {  	[sflag:s17] =	ssyncset.done $0x0  }
0xaa: {  	s30 =	sadd.s32 $0xFFFFFFFF, s30;
	[sflag:s17] =	ssyncadd.s32 $0xFFFFE000  }
0xab: {  	s30 =	sand.u32 $0x1, s30;
	s26 =	sadd.s32 $0x400, s26;
	_ =	swait.ge [sflag:s17], $0x200  }
0xac: {  	s31 =	sshll.u32 s30, $0x9;
	s16 =	sadd.s32 $0x40, s16;
	[sflag:s17] =	ssyncset.done $0x0  }
0xad: {  	s30 =	sshll.u32 s30, $0xD;
	s1 =	sor.u32 $0x4000, s31;
	[sflag:s17] =	ssyncadd.s32 $0xFFFFFE00  }
0xae: {  	[spmem:s2] =	stream.indirect.scatter.add.f32 [tilespmem:s30], [sflag:$0x2], $0x10, s1, s18, $0xb8;
	[tilespmem:$0x1E800] =	vst v63  }
.Ltmp2:
0xaf: {  	s0 =	sor.u32 $0x4080, s31;
	s1 =	sor.u32 $0x800, s30;
	(pc) =	sbr.rel @p0 .LBB2_4-.Ltmp2, $4  }
0xb0: {  	[spmem:s2] =	stream.indirect.scatter.add.f32 [tilespmem:s1], [sflag:$0x2], $0x10, s0, s18, $0xb8;
	[tilespmem:$0x1E800] =	vst v63  }
0xb1: {  	s28 =	sadd.s32 $0x400, s28;
	s0 =	sor.u32 $0x1000, s30;
	s1 =	sor.u32 $0x4100, s31  }
0xb2: {  	[spmem:s2] =	stream.indirect.scatter.add.f32 [tilespmem:s0], [sflag:$0x2], $0x10, s1, s18, $0xb8;
	[tilespmem:$0x1E800] =	vst v63  }
0xb3: {  	s29 =	sadd.s32 $0xFFFFFFC0, s29;
	s30 =	sor.u32 $0x1800, s30;
	s31 =	sor.u32 $0x4180, s31  }
.LBB2_5:
0xb4: {  	[spmem:s2] =	stream.indirect.scatter.add.f32 [tilespmem:s30], [sflag:$0x2], $0x10, s31, s18, $0xb8;
	[tilespmem:$0x1E800] =	vst v63  }
0xb5: {  	_ =	swait.ge [sflag:s19], $0x800  }
0xb6: {  	[sflag:s19] =	ssyncset.done $0x0  }
0xb7: {  	[sflag:s19] =	ssyncadd.s32 $0xFFFFF800  }
0xb8: {  	_ =	swait.ge [sflag:s19], $0x800  }
0xb9: {  	[sflag:s19] =	ssyncset.done $0x0  }
0xba: {  	[sflag:s19] =	ssyncadd.s32 $0xFFFFF800  }
0xbb: {  	_ =	swait.ge [sflag:s19], $0x800  }
0xbc: {  	[sflag:s19] =	ssyncset.done $0x0  }
0xbd: {  	[sflag:s19] =	ssyncadd.s32 $0xFFFFF800  }
0xbe: {  	_ =	swait.ge [sflag:s19], $0x800  }
0xbf: {  	[sflag:s19] =	ssyncset.done $0x0  }
0xc0: {  	[sflag:s19] =	ssyncadd.s32 $0xFFFFF800  }
0xc1: {  	_ =	swait.ge [sflag:s17], $0x2000  }
0xc2: {  	[sflag:s17] =	ssyncset.done $0x0  }
0xc3: {  	[sflag:s17] =	ssyncadd.s32 $0xFFFFE000  }
0xc4: {  	_ =	swait.ge [sflag:s17], $0x200  }
0xc5: {  	[sflag:s17] =	ssyncset.done $0x0  }
0xc6: {  	[sflag:s17] =	ssyncadd.s32 $0xFFFFFE00  }
0xc7: {  	[spmem:s2] =	stream.indirect.scatter.add.f32 [tilespmem:s21], [sflag:$0x2], $0x10, s24, s18, $0xb8;
	[tilespmem:$0x1E800] =	vst v63  }
0xc8: {  	s0 =	sadd.s32 $0x800, s21;
	s1 =	sadd.s32 $0x4080, s22  }
0xc9: {  	[spmem:s2] =	stream.indirect.scatter.add.f32 [tilespmem:s0], [sflag:$0x2], $0x10, s1, s18, $0xb8;
	[tilespmem:$0x1E800] =	vst v63  }
0xca: {  	s16 =	sadd.s32 $0x4100, s22;
	s1 =	sadd.s32 $0x1000, s21  }
0xcb: {  	[spmem:s2] =	stream.indirect.scatter.add.f32 [tilespmem:s1], [sflag:$0x2], $0x10, s16, s18, $0xb8;
	[tilespmem:$0x1E800] =	vst v63  }
0xcc: {  	s23 =	sadd.s32 $0x1800, s21;
	s24 =	sadd.s32 $0x4180, s22  }
0xcd: {  	[spmem:s2] =	stream.indirect.scatter.add.f32 [tilespmem:s23], [sflag:$0x2], $0x10, s24, s18, $0xb8;
	[tilespmem:$0x1E800] =	vst v63  }
0xce: {  	_ =	swait.ge [sflag:s19], $0x800  }
0xcf: {  	[sflag:s19] =	ssyncset.done $0x0  }
0xd0: {  	[sflag:s19] =	ssyncadd.s32 $0xFFFFF800  }
0xd1: {  	_ =	swait.ge [sflag:s19], $0x800  }
0xd2: {  	[sflag:s19] =	ssyncset.done $0x0  }
0xd3: {  	[sflag:s19] =	ssyncadd.s32 $0xFFFFF800  }
0xd4: {  	_ =	swait.ge [sflag:s19], $0x800  }
0xd5: {  	[sflag:s19] =	ssyncset.done $0x0  }
0xd6: {  	[sflag:s19] =	ssyncadd.s32 $0xFFFFF800  }
0xd7: {  	_ =	swait.ge [sflag:s19], $0x800  }
0xd8: {  	[sflag:s19] =	ssyncset.done $0x0  }
0xd9: {  	[sflag:s19] =	ssyncadd.s32 $0xFFFFF800  }
0xda: {  	[bflag:$0x0] =	sbarrier.arrive $0xFFFF  }
0xdb: {  	s26 =	rddreg [dreg:$0x19]  }
0xdc: {  	[tilespmem:s14], [sflag:$0x3] =	stream.linear.gather [spmem:s26], $0x1C00, $0x38;
	[tilespmem:$0x1E800] =	vst v63  }
0xdd: {  	_ =	swait.ge [sflag:s15], $0x1C00  }
0xde: {  	[sflag:s15] =	ssyncset.done $0x0  }
0xdf: {  	s1 =	rddreg [dreg:$0x6];
	[sflag:s15] =	ssyncadd.s32 $0xFFFFE400  }
0xe0: {  	[hbm4b:s1+s3] =	stream.linear.scatter [tilespmem:s14], [sflag:$0x3], $0x1C00, $0x38;
	[tilespmem:$0x1E800] =	vst v63  }
0xe1: {  	_ =	swait.ge [sflag:s15], $0x1C00  }
0xe2: {  	[sflag:s15] =	ssyncset.done $0x0  }
0xe3: {  	[sflag:s15] =	ssyncadd.s32 $0xFFFFE400  }
0xe4: {  	[tilespmem:s14], [sflag:$0x3] =	stream.linear.gather [spmem:s6], $0x1C00, $0x38;
	[tilespmem:$0x1E800] =	vst v63  }
0xe5: {  	_ =	swait.ge [sflag:s15], $0x1C00  }
0xe6: {  	[sflag:s15] =	ssyncset.done $0x0  }
0xe7: {  	s1 =	smov.u32 s6;
	s6 =	rddreg [dreg:$0x7];
	[sflag:s15] =	ssyncadd.s32 $0xFFFFE400  }
0xe8: {  	[hbm4b:s6+s3] =	stream.linear.scatter [tilespmem:s14], [sflag:$0x3], $0x1C00, $0x38;
	[tilespmem:$0x1E800] =	vst v63  }
0xe9: {  	_ =	swait.ge [sflag:s15], $0x1C00  }
0xea: {  	[sflag:s15] =	ssyncset.done $0x0  }
0xeb: {  	[sflag:s15] =	ssyncadd.s32 $0xFFFFE400  }
0xec: {  	[tilespmem:s14], [sflag:$0x3] =	stream.linear.gather [spmem:s7], $0x1C00, $0x38;
	[tilespmem:$0x1E800] =	vst v63  }
0xed: {  	_ =	swait.ge [sflag:s15], $0x1C00  }
0xee: {  	[sflag:s15] =	ssyncset.done $0x0  }
0xef: {  	s22 =	smov.u32 s7;
	s7 =	rddreg [dreg:$0x8];
	[sflag:s15] =	ssyncadd.s32 $0xFFFFE400  }
0xf0: {  	[hbm4b:s7+s3] =	stream.linear.scatter [tilespmem:s14], [sflag:$0x3], $0x1C00, $0x38;
	[tilespmem:$0x1E800] =	vst v63  }
0xf1: {  	_ =	swait.ge [sflag:s15], $0x1C00  }
0xf2: {  	[sflag:s15] =	ssyncset.done $0x0  }
0xf3: {  	[sflag:s15] =	ssyncadd.s32 $0xFFFFE400  }
0xf4: {  	[tilespmem:s14], [sflag:$0x3] =	stream.linear.gather [spmem:s8], $0x1C00, $0x38;
	[tilespmem:$0x1E800] =	vst v63  }
0xf5: {  	_ =	swait.ge [sflag:s15], $0x1C00  }
0xf6: {  	[sflag:s15] =	ssyncset.done $0x0  }
0xf7: {  	s23 =	smov.u32 s8;
	s8 =	rddreg [dreg:$0x9];
	[sflag:s15] =	ssyncadd.s32 $0xFFFFE400  }
0xf8: {  	[hbm4b:s8+s3] =	stream.linear.scatter [tilespmem:s14], [sflag:$0x3], $0x1C00, $0x38;
	[tilespmem:$0x1E800] =	vst v63  }
0xf9: {  	_ =	swait.ge [sflag:s15], $0x1C00  }
0xfa: {  	[sflag:s15] =	ssyncset.done $0x0  }
0xfb: {  	[sflag:s15] =	ssyncadd.s32 $0xFFFFE400  }
0xfc: {  	[tilespmem:s14], [sflag:$0x3] =	stream.linear.gather [spmem:s9], $0x1C00, $0x38;
	[tilespmem:$0x1E800] =	vst v63  }
0xfd: {  	_ =	swait.ge [sflag:s15], $0x1C00  }
0xfe: {  	[sflag:s15] =	ssyncset.done $0x0  }
0xff: {  	s24 =	smov.u32 s9;
	s9 =	rddreg [dreg:$0xa];
	[sflag:s15] =	ssyncadd.s32 $0xFFFFE400  }
0x100: {  	[hbm4b:s9+s3] =	stream.linear.scatter [tilespmem:s14], [sflag:$0x3], $0x1C00, $0x38;
	[tilespmem:$0x1E800] =	vst v63  }
0x101: {  	_ =	swait.ge [sflag:s15], $0x1C00  }
0x102: {  	[sflag:s15] =	ssyncset.done $0x0  }
0x103: {  	[sflag:s15] =	ssyncadd.s32 $0xFFFFE400  }
0x104: {  	[tilespmem:s14], [sflag:$0x3] =	stream.linear.gather [spmem:s10], $0x1C00, $0x38;
	[tilespmem:$0x1E800] =	vst v63  }
0x105: {  	_ =	swait.ge [sflag:s15], $0x1C00  }
0x106: {  	[sflag:s15] =	ssyncset.done $0x0  }
0x107: {  	s26 =	smov.u32 s10;
	s10 =	rddreg [dreg:$0xb];
	[sflag:s15] =	ssyncadd.s32 $0xFFFFE400  }
0x108: {  	[hbm4b:s10+s3] =	stream.linear.scatter [tilespmem:s14], [sflag:$0x3], $0x1C00, $0x38;
	[tilespmem:$0x1E800] =	vst v63  }
0x109: {  	_ =	swait.ge [sflag:s15], $0x1C00  }
0x10a: {  	[sflag:s15] =	ssyncset.done $0x0  }
0x10b: {  	[sflag:s15] =	ssyncadd.s32 $0xFFFFE400  }
0x10c: {  	[tilespmem:s14], [sflag:$0x3] =	stream.linear.gather [spmem:s11], $0x1C00, $0x38;
	[tilespmem:$0x1E800] =	vst v63  }
0x10d: {  	_ =	swait.ge [sflag:s15], $0x1C00  }
0x10e: {  	[sflag:s15] =	ssyncset.done $0x0  }
0x10f: {  	s28 =	smov.u32 s11;
	s11 =	rddreg [dreg:$0xc];
	[sflag:s15] =	ssyncadd.s32 $0xFFFFE400  }
0x110: {  	[hbm4b:s11+s3] =	stream.linear.scatter [tilespmem:s14], [sflag:$0x3], $0x1C00, $0x38;
	[tilespmem:$0x1E800] =	vst v63  }
0x111: {  	_ =	swait.ge [sflag:s15], $0x1C00  }
0x112: {  	[sflag:s15] =	ssyncset.done $0x0  }
0x113: {  	[sflag:s15] =	ssyncadd.s32 $0xFFFFE400  }
0x114: {  	[tilespmem:s14], [sflag:$0x3] =	stream.linear.gather [spmem:s12], $0x1C00, $0x38;
	[tilespmem:$0x1E800] =	vst v63  }
0x115: {  	_ =	swait.ge [sflag:s15], $0x1C00  }
0x116: {  	[sflag:s15] =	ssyncset.done $0x0  }
0x117: {  	s16 =	rddreg [dreg:$0xd];
	[sflag:s15] =	ssyncadd.s32 $0xFFFFE400  }
0x118: {  	[hbm4b:s16+s3] =	stream.linear.scatter [tilespmem:s14], [sflag:$0x3], $0x1C00, $0x38;
	[tilespmem:$0x1E800] =	vst v63  }
0x119: {  	_ =	swait.ge [sflag:s15], $0x1C00  }
0x11a: {  	[sflag:s15] =	ssyncset.done $0x0  }
0x11b: {  	[sflag:s15] =	ssyncadd.s32 $0xFFFFE400  }
0x11c: {  	[tilespmem:s14], [sflag:$0x3] =	stream.linear.gather [spmem:s13], $0x1C00, $0x38;
	[tilespmem:$0x1E800] =	vst v63  }
0x11d: {  	_ =	swait.ge [sflag:s15], $0x1C00  }
0x11e: {  	[sflag:s15] =	ssyncset.done $0x0  }
0x11f: {  	s21 =	rddreg [dreg:$0xe];
	[sflag:s15] =	ssyncadd.s32 $0xFFFFE400  }
0x120: {  	[hbm4b:s21+s3] =	stream.linear.scatter [tilespmem:s14], [sflag:$0x3], $0x1C00, $0x38;
	[tilespmem:$0x1E800] =	vst v63  }
0x121: {  	_ =	swait.ge [sflag:s15], $0x1C00  }
0x122: {  	[sflag:s15] =	ssyncset.done $0x0  }
0x123: {  	[sflag:s15] =	ssyncadd.s32 $0xFFFFE400  }
0x124: {  	[tilespmem:s14], [sflag:$0x3] =	stream.linear.gather [spmem:s4], $0x1C00, $0x38;
	[tilespmem:$0x1E800] =	vst v63  }
0x125: {  	_ =	swait.ge [sflag:s15], $0x1C00  }
0x126: {  	[sflag:s15] =	ssyncset.done $0x0  }
0x127: {  	s6 =	rddreg [dreg:$0xf];
	[sflag:s15] =	ssyncadd.s32 $0xFFFFE400  }
0x128: {  	[hbm4b:s6+s3] =	stream.linear.scatter [tilespmem:s14], [sflag:$0x3], $0x1C00, $0x38;
	[tilespmem:$0x1E800] =	vst v63  }
0x129: {  	_ =	swait.ge [sflag:s15], $0x1C00  }
0x12a: {  	[sflag:s15] =	ssyncset.done $0x0  }
0x12b: {  	s7 =	rddreg [dreg:$0x1a];
	[sflag:s15] =	ssyncadd.s32 $0xFFFFE400  }
0x12c: {  	[tilespmem:s14], [sflag:$0x3] =	stream.linear.gather [spmem:s7], $0x1C00, $0x38;
	[tilespmem:$0x1E800] =	vst v63  }
0x12d: {  	_ =	swait.ge [sflag:s15], $0x1C00  }
0x12e: {  	[sflag:s15] =	ssyncset.done $0x0  }
0x12f: {  	s8 =	rddreg [dreg:$0x11];
	[sflag:s15] =	ssyncadd.s32 $0xFFFFE400  }
0x130: {  	[hbm4b:s8+s3] =	stream.linear.scatter [tilespmem:s14], [sflag:$0x3], $0x1C00, $0x38;
	[tilespmem:$0x1E800] =	vst v63  }
0x131: {  	_ =	swait.ge [sflag:s15], $0x1C00  }
0x132: {  	[sflag:s15] =	ssyncset.done $0x0  }
0x133: {  	s9 =	rddreg [dreg:$0x1b];
	[sflag:s15] =	ssyncadd.s32 $0xFFFFE400  }
0x134: {  	[tilespmem:s14], [sflag:$0x3] =	stream.linear.gather [spmem:s9], $0x1C00, $0x38;
	[tilespmem:$0x1E800] =	vst v63  }
0x135: {  	_ =	swait.ge [sflag:s15], $0x1C00  }
0x136: {  	[sflag:s15] =	ssyncset.done $0x0  }
0x137: {  	s10 =	rddreg [dreg:$0x13];
	[sflag:s15] =	ssyncadd.s32 $0xFFFFE400  }
0x138: {  	[hbm4b:s10+s3] =	stream.linear.scatter [tilespmem:s14], [sflag:$0x3], $0x1C00, $0x38;
	[tilespmem:$0x1E800] =	vst v63  }
0x139: {  	_ =	swait.ge [sflag:s15], $0x1C00  }
0x13a: {  	[sflag:s15] =	ssyncset.done $0x0  }
0x13b: {  	s11 =	rddreg [dreg:$0x1c];
	[sflag:s15] =	ssyncadd.s32 $0xFFFFE400  }
0x13c: {  	[tilespmem:s14], [sflag:$0x3] =	stream.linear.gather [spmem:s11], $0x1C00, $0x38;
	[tilespmem:$0x1E800] =	vst v63  }
0x13d: {  	_ =	swait.ge [sflag:s15], $0x1C00  }
0x13e: {  	[sflag:s15] =	ssyncset.done $0x0  }
0x13f: {  	s29 =	smov.u32 s12;
	s12 =	rddreg [dreg:$0x14];
	[sflag:s15] =	ssyncadd.s32 $0xFFFFE400  }
0x140: {  	[hbm4b:s12+s3] =	stream.linear.scatter [tilespmem:s14], [sflag:$0x3], $0x1C00, $0x38;
	[tilespmem:$0x1E800] =	vst v63  }
0x141: {  	_ =	swait.ge [sflag:s15], $0x1C00  }
0x142: {  	[sflag:s15] =	ssyncset.done $0x0  }
0x143: {  	s30 =	smov.u32 s13;
	s13 =	rddreg [dreg:$0x1d];
	[sflag:s15] =	ssyncadd.s32 $0xFFFFE400  }
0x144: {  	[tilespmem:s14], [sflag:$0x3] =	stream.linear.gather [spmem:s13], $0x1C00, $0x38;
	[tilespmem:$0x1E800] =	vst v63  }
0x145: {  	_ =	swait.ge [sflag:s15], $0x1C00  }
0x146: {  	[sflag:s15] =	ssyncset.done $0x0  }
0x147: {  	s16 =	rddreg [dreg:$0x15];
	[sflag:s15] =	ssyncadd.s32 $0xFFFFE400  }
0x148: {  	[hbm4b:s16+s3] =	stream.linear.scatter [tilespmem:s14], [sflag:$0x3], $0x1C00, $0x38;
	[tilespmem:$0x1E800] =	vst v63  }
0x149: {  	_ =	swait.ge [sflag:s15], $0x1C00  }
0x14a: {  	s20 =	sadd.s32 $0x1, s20;
	s21 =	rddreg [dreg:$0x16]  }
0x14b: {  	p0 =	sne.s32 s20, s21  }
.Ltmp3:
0x14c: {  	_ = 	snop;
	(pc) =	sbr.rel @p0 .LBB2_1-.Ltmp3, $3  }
0x14d: {  	_ =	sdelay $0x1  }
0x14e: {  	[sflag:s15] =	ssyncset.done $0x0  }
0x14f: {  	s31 =	smov.u32 s4;
	[sflag:s15] =	ssyncadd.s32 $0xFFFFE400  }
0x150: {  	_ =	sfence.sel $0x180000  }
0x151: {  	[bflag:$0x0] =	sbarrier.arrive $0xFFFF  }
0x152: {  	_ =	strace $0x90000047  }
0x153: {  	s0 =	stileid.u32;
	[bflag:$0x2] =	sbarrier.arrive $0xFFFF  }
0x154: {  	p0 =	sne.s32 s0, $0x0;
	s0 =	rddreg [dreg:$0x3]  }
0x155: {  	s0 =	sadd.s32 @!p0 $0x100000, s0  }
0x156: {  	[sflag:s0] =	ssyncadd.tile.s32 @!p0 $0x1;
	_ =	shalt  }
.Lfunc_end2:
_tile_overlayer_lowered:
.L_overlay_start_2:
0x157: {  	(tag) =	ssettag $0x2  }
0x158: {  	s0 =	rddreg [dreg:$0x0];
	s2 =	stileid.u32  }
0x159: {  	s1 =	rddreg [dreg:$0x1];
	p0 =	sne.s32 s2, $0x0  }
0x15a: {  	s3 =	rddreg [dreg:$0x2];
	[bflag:$0x3] =	sbarrier.arrive $0xFFFF;
	s2 =	simm.s32 @!p0 $0x1C03  }
0x15b: {  	[timem:s3], [sflag:s2] =	dma.local @!p0 [hbm:s0], s1  }
0x15c: {  	s0 =	simm.s32 @!p0 $0x3  }
0x15d: {  	_ =	swait.ge @!p0 [sflag:s0], s1  }
0x15e: {  	s1 =	ssub.s32 @!p0 $0x0, s1;
	[sflag:s0] =	ssyncset.done @!p0 $0x0  }
0x15f: {  	[sflag:s0] =	ssyncadd.s32 @!p0 s1  }
0x160: {  	[bflag:$0x3] =	sbarrier.arrive $0xFFFF  }
0x161: {  	_ =	shalt  }

// kernel: kernel.7.cloned.1.call-start
scs
__scs_entry_jumppad:
0x0: {  	(pc) =	sbr.rel $0x88, $3  }
0x1: {  	(tag) =	ssettag $0x0;
	lr =	simm.s32 $0x1  }
0x2: {  	[smem:$0x3F9F] =	sst lr;
	_ =	strace $0xD0000000  }
0x3: {  	_ = 	snop  }
0x4: {  	_ = 	snop  }
0x5: {  	_ = 	snop  }
0x6: {  	_ = 	snop  }
0x7: {  	_ = 	snop  }
__scs_overlays_trampoline_lowered:
0x8: {  	[smem:$0x3FAE] =	sst s0  }
0x9: {  	[smem:$0x3FAF] =	sst s1  }
0xa: {  	[smem:$0x3FB0] =	sst s2  }
0xb: {  	[smem:$0x3FB1] =	sst s3  }
0xc: {  	[smem:$0x3FB2] =	sst s4  }
0xd: {  	[smem:$0x3FB3] =	sst s5  }
0xe: {  	[smem:$0x3FB4] =	sst s6  }
0xf: {  	[smem:$0x3FB5] =	sst s7  }
0x10: {  	[smem:$0x3FB6] =	sst s8  }
0x11: {  	[smem:$0x3FB7] =	sst s9;
	s0 =	simm.s32 @!p0 $0x0  }
0x12: {  	s1 =	sld [smem:$0x3F9D];
	s0 =	simm.s32 @p0 $0x1  }
0x13: {  	[smem:$0x3FB8] =	sst s0;
	s0 =	simm.s32 @!p1 $0x0  }
0x14: {  	s2 =	sld [smem:$0x3F9C];
	s0 =	simm.s32 @p1 $0x1  }
0x15: {  	[smem:$0x3FB9] =	sst s0;
	s0 =	simm.s32 @!p2 $0x0  }
0x16: {  	s3 =	sld [smem:$0x3FDB];
	s0 =	simm.s32 @p2 $0x1  }
0x17: {  	s4 =	simm.s32 $0x1BF5;
	[smem:$0x3FBB] =	sst s0  }
0x18: {  	s0 =	sld [smem:$0x3F9E];
	_ =	swait.ge [sflag:s4], $0x0  }
0x19: {  	s7 =	sld [smem:$0x3F9F]  }
0x1a: {  	s8 =	sadd.s32 $0xFFFFE003, lr  }
0x1b: {  	s9 =	sadd.s32 $0xFFFFFEF7, lr;
	s5 =	simm.s32 $0xFFFFFFFF;
	p2 =	slt.u32 s8, $0xFFFFF086  }
0x1c: {  	p1 =	slt.u32 s9, $0xF7A;
	s5 =	simm.s32 @!p2 $0x0  }
0x1d: {  	s5 =	simm.s32 @p1 $0x1;
	p0 =	seq.s32 s7, s2  }
0x1e: {  	s7 =	smul.u32 @!p0 $0xF7A, s2;
	p2 =	seq.s32 @!p0 s5, $0x0  }
0x1f: {  	s9 =	smul.u32 $0xF7A, s1;
	s8 =	simm.s32 @!p0 $0x1BF5;
	p2 =	por !p2, p0  }
0x20: {  	[sflag:s8] =	ssyncset.s32 @!p0 $0xFFFFF086;
	s6 =	sadd.s32 @!p0 s3, s7;
	s7 =	simm.s32 @!p0 $0x108  }
0x21: {  	s3 =	sadd.s32 s3, s9;
	s6 =	sadd.s32 @!p0 $0x88, s6;
	s7 =	simm.s32 @p2 $0x1082  }
0x22: {  	[simem:s7], [sflag:s8] =	dma.local @!p0 [hbm:s6], $0xF7A  }
0x23: {  	s9 =	sor.u32 $0xD0000000, s2;
	s6 =	simm.s32 $0x108;
	_ =	swait.ge @!p0 [sflag:s8], $0x0  }
0x24: {  	s3 =	sadd.s32 $0x88, s3;
	s6 =	simm.s32 @!p1 $0x1082;
	[sflag:s4] =	ssyncset.s32 $0xFFFFF086  }
0x25: {  	[simem:s6], [sflag:s4] =	dma.local [hbm:s3], $0xF7A  }
0x26: {  	[smem:$0x3F9F] =	sst s1;
	(tag) =	ssettag s2;
	_ =	strace s9  }
0x27: {  	s1 =	sld [smem:$0x3FAF]  }
0x28: {  	s2 =	sld [smem:$0x3FB0]  }
0x29: {  	s4 =	sld [smem:$0x3FB2]  }
0x2a: {  	p0 =	seq.s32 s5, $0x0;
	s5 =	sld [smem:$0x3FB3]  }
0x2b: {  	s6 =	sld [smem:$0x3FB4]  }
0x2c: {  	s7 =	sld [smem:$0x3FB5]  }
0x2d: {  	s3 =	simm.s32 $0x108;
	s8 =	sld [smem:$0x3FB6]  }
0x2e: {  	s3 =	simm.s32 @!p0 $0x1082;
	s9 =	sld [smem:$0x3FB7]  }
0x2f: {  	lr =	sadd.s32 s0, s3;
	s0 =	sld [smem:$0x3FAE]  }
0x30: {  	s3 =	sld [smem:$0x3FB1]  }
0x31: {  	[smem:$0x3FBA] =	sst s10  }
0x32: {  	s10 =	sld [smem:$0x3FB8];
	_ =	sdelay $0x3  }
0x33: {  	p0 =	seq.s32 s10, $0x1;
	s10 =	sld [smem:$0x3FBA];
	_ =	sdelay $0x3  }
0x34: {  	[smem:$0x3FBA] =	sst s10  }
0x35: {  	s10 =	sld [smem:$0x3FB9];
	_ =	sdelay $0x3  }
0x36: {  	p1 =	seq.s32 s10, $0x1;
	s10 =	sld [smem:$0x3FBA];
	_ =	sdelay $0x3  }
0x37: {  	[smem:$0x3FBA] =	sst s10  }
0x38: {  	s10 =	sld [smem:$0x3FBB]  }
0x39: {  	_ = 	snop;
	(pc) =	sbr.ind lr, $3  }
0x3a: {  	_ = 	snop  }
0x3b: {  	_ = 	snop  }
0x3c: {  	p2 =	seq.s32 s10, $0x1;
	s10 =	sld [smem:$0x3FBA]  }
0x3d: {  	_ =	shalt  }
0x3e: {  	_ =	shalt  }
0x3f: {  	_ =	shalt  }
0x40: {  	_ =	shalt  }
0x41: {  	_ =	shalt  }
0x42: {  	_ =	shalt  }
0x43: {  	_ =	shalt  }
0x44: {  	_ =	shalt  }
0x45: {  	_ =	shalt  }
0x46: {  	_ =	shalt  }
0x47: {  	_ =	shalt  }
0x48: {  	_ =	shalt  }
0x49: {  	_ =	shalt  }
0x4a: {  	_ =	shalt  }
0x4b: {  	_ =	shalt  }
0x4c: {  	_ =	shalt  }
0x4d: {  	_ =	shalt  }
0x4e: {  	_ =	shalt  }
0x4f: {  	_ =	shalt  }
0x50: {  	_ =	shalt  }
0x51: {  	_ =	shalt  }
0x52: {  	_ =	shalt  }
0x53: {  	_ =	shalt  }
0x54: {  	_ =	shalt  }
0x55: {  	_ =	shalt  }
0x56: {  	_ =	shalt  }
0x57: {  	_ =	shalt  }
0x58: {  	_ =	shalt  }
0x59: {  	_ =	shalt  }
0x5a: {  	_ =	shalt  }
0x5b: {  	_ =	shalt  }
0x5c: {  	_ =	shalt  }
0x5d: {  	_ =	shalt  }
0x5e: {  	_ =	shalt  }
0x5f: {  	_ =	shalt  }
0x60: {  	_ =	shalt  }
0x61: {  	_ =	shalt  }
0x62: {  	_ =	shalt  }
0x63: {  	_ =	shalt  }
0x64: {  	_ =	shalt  }
0x65: {  	_ =	shalt  }
0x66: {  	_ =	shalt  }
0x67: {  	_ =	shalt  }
0x68: {  	_ =	shalt  }
0x69: {  	_ =	shalt  }
0x6a: {  	_ =	shalt  }
0x6b: {  	_ =	shalt  }
0x6c: {  	_ =	shalt  }
0x6d: {  	_ =	shalt  }
0x6e: {  	_ =	shalt  }
0x6f: {  	_ =	shalt  }
0x70: {  	_ =	shalt  }
0x71: {  	_ =	shalt  }
0x72: {  	_ =	shalt  }
0x73: {  	_ =	shalt  }
0x74: {  	_ =	shalt  }
0x75: {  	_ =	shalt  }
0x76: {  	_ =	shalt  }
0x77: {  	_ =	shalt  }
0x78: {  	_ =	shalt  }
0x79: {  	_ =	shalt  }
0x7a: {  	_ =	shalt  }
0x7b: {  	_ =	shalt  }
0x7c: {  	_ =	shalt  }
0x7d: {  	_ =	shalt  }
0x7e: {  	_ =	shalt  }
0x7f: {  	_ =	shalt  }
0x80: {  	_ =	shalt  }
0x81: {  	_ =	shalt  }
0x82: {  	_ =	shalt  }
0x83: {  	_ =	shalt  }
0x84: {  	_ =	shalt  }
0x85: {  	_ =	shalt  }
0x86: {  	_ =	shalt  }
0x87: {  	_ =	shalt  }
.Lfunc_end0:
.L_simem_size_0:
called_computation.1_lowered:
.L_overlay_start_0:
0x88: {  	s2 =	sld [smem:$0x3FD9]  }
0x89: {  	s3 =	sld [smem:$0x3FFE];
	_ =	sdelay $0x1  }
0x8a: {  	s1 =	srdreg.scid  }
0x8b: {  	s0 =	sand.u32 $0x1, s1  }
0x8c: {  	s17 =	sshll.u32 s0, $0xA;
	s2 =	sadd.s32 s3, s2  }
0x8d: {  	s2 =	sadd.s32 s2, s17  }
0x8e: {  	[smem:$0x3FC6] =	sst s2  }
0x8f: {  	_ = 	snop  }
0x90: {  	s2 =	sld [smem:$0x3FD0];
	(tm) =	ssettm $0x1  }
0x91: {  	s18 =	sld [smem:$0x3FFB];
	_ =	sdelay $0x3  }
0x92: {  	_ =	strace s18  }
0x93: {  	s3 =	sld [smem:$0x3FFC];
	_ =	sdelay $0x3  }
0x94: {  	_ =	strace s3  }
0x95: {  	s3 =	sld [smem:$0x3FFD];
	_ =	sdelay $0x3  }
0x96: {  	_ =	strace s3  }
0x97: {  	_ =	strace $0x8FFFFFFF  }
0x98: {  	s19 =	sld [smem:$0x3FDB];
	_ =	sdelay $0x1  }
0x99: {  	s4 =	simm.s32 $_scs_section_size  }
0x9a: {  	s5 =	simm.s32 $_size__tile_overlayer_lowered;
	s6 =	simm.s32 $_tile_overlayer_lowered  }
0x9b: {  	s22 =	simm.s32 $0x1BFF;
	s21 =	sshll.u32 s6, $0x1;
	s3 =	sadd.s32 s4, s19  }
0x9c: {  	s7 =	simm.s32 $0x0;
	s20 =	sshll.u32 s5, $0x1;
	s5 =	sadd.s32 s21, s3  }
0x9d: {  	[timem:s7], [sflag:s22] =	dma.local [hbm:s5], s20  }
0x9e: {  	_ =	swait.ge [sflag:s22], s20  }
0x9f: {  	s4 =	ssub.s32 $0x0, s20;
	[sflag:s22] =	ssyncset.done $0x0  }
0xa0: {  	[sflag:s22] =	ssyncadd.s32 s4;
	_ =	sdelay $0x1  }
0xa1: {  	s23 =	simm.s32 $0x1B8B  }
0xa2: {  	_ =	swait.ge [sflag:s23], $0x1  }
0xa3: {  	[sflag:s23] =	ssyncset.done $0x0  }
0xa4: {  	s25 =	simm.s32 $0x1B8E;
	s24 =	sld [smem:$0x3FFE];
	[sflag:s23] =	ssyncadd.s32 $0xFFFFFFFF  }
0xa5: {  	s26 =	simm.s32 $execute0_lowered;
	[smem:$0x3FD2] =	sst s25  }
0xa6: {  	s5 =	sshll.u32 s26, $0x1;
	_ =	strace $0x80000049;
	[dreg:$0x1] =	wrdreg $0xFFFFFFFF  }
0xa7: {  	s28 =	simm.s32 $_size_execute0_lowered;
	s3 =	sadd.s32 s3, s5;
	[dreg:$0x0] =	wrdreg $0x0  }
0xa8: {  	s5 =	sshll.u32 s28, $0x1;
	[dreg:$0x2] =	wrdreg s3  }
0xa9: {  	[dreg:$0x3] =	wrdreg s5  }
0xaa: {  	[dreg:$0x4] =	wrdreg $0xC0  }
0xab: {  	_ =	task [dreg:s7], $0x5FFFF  }
0xac: {  	[dreg:$0x1] =	wrdreg $0xFFFFFFFF  }
0xad: {  	[dreg:$0x0] =	wrdreg $0x60  }
0xae: {  	[dreg:$0x2] =	wrdreg s24  }
0xaf: {  	[dreg:$0x3] =	wrdreg s2  }
0xb0: {  	[dreg:$0x4] =	wrdreg $0x9  }
0xb1: {  	_ =	task.clear_ibuf [dreg:s7], $0x5FFFF;
	_ =	strace $0x90000049  }
0xb2: {  	s29 =	simm.s32 $0x9;
	_ =	strace $0x8000004B  }
0xb3: {  	_ =	swait.ge [sflag:s29], $0x1  }
0xb4: {  	[sflag:s29] =	ssyncadd.s32 $0xFFFFFFFF  }
0xb5: {  	_ =	strace $0x9000004B  }
0xb6: {  	_ =	sfence  }
0xb7: {  	s30 =	sld [smem:$0x0];
	_ =	sdelay $0x2  }
0xb8: {  	s31 =	sshll.u32 s1, $0xD;
	s1 =	sshrl.u32 s1, $0x2  }
0xb9: {  	s3 =	sand.u32 $0x4000, s31;
	s1 =	sadd.s32 s1, s30  }
0xba: {  	s0 =	sor.u32 s3, s0;
	s1 =	sshll.u32 s1, $0x11  }
0xbb: {  	s0 =	sor.u32 s1, s0  }
0xbc: {  	s0 =	sadd.s32 $0x8F2B, s0  }
0xbd: {  	[sflag:s0] =	ssyncadd.remote.s32 $0x1  }
0xbe: {  	_ =	sfence.sel $0xFFFF  }
0xbf: {  	[dreg:$0x0] =	wrdreg $0xFFFFFFFF;
	(pc) =	sbr.abs _section_cstart, $3  }
0xc0: {  	[dreg:$0x1] =	wrdreg $0xFFFFFFFF  }
0xc1: {  	_ =	task.clear_ibuf [dreg:s7], $0x2FFFF;
	_ =	strace $0x9FFFFFFF  }
0xc2: {  	(tm) =	ssettm $0x7FFFFFFF  }
0xc3: {  	_ =	shalt  }
tec
execute0_lowered:
.L_overlay_start_1:
0x0: {  	(tag) =	ssettag $0x1  }
0x1: {  	s0 =	srdreg.scid  }
0x2: {  	s3 =	sand.u32 $0x1, s0  }
0x3: {  	s4 =	rddreg [dreg:$0x0];
	s0 =	stileid.u32;
	s1 =	sshll.u32 s3, $0x4  }
0x4: {  	s6 =	rddreg [dreg:$0x1];
	s2 =	simm.s32 $0x0;
	s1 =	sor.u32 s0, s1  }
0x5: {  	s8 =	simm.s32 $0x1;
	s9 =	simm.s32 $0x2;
	s5 =	smul.u32 $0xC38, s1  }
0x6: {  	s10 =	simm.s32 $0x0;
	[smem:$0x7FF] =	sst s2;
	s3 =	ssub.s32 $0x2, s3  }
0x7: {  	s7 =	sshrl.u32 s3, $0x1;
	s1 =	rddreg [dreg:$0x2];
	s5 =	smin.u32 s5, $0x17A68  }
0x8: {  	_ =	strace $0x8000004A;
	s7 =	ssub.s32 s3, s7;
	s5 =	sshll.u32 s5, $0x1  }
0x9: {  	s4 =	sadd.s32 s5, s4;
	s5 =	sadd.s32 s6, s5;
	s6 =	smax.u32 s7, $0x1  }
0xa: {  	s7 =	simm.s32 $0xC380;
	s3 =	sadd.s32 $0x800, s4;
	s4 =	sadd.s32 $0x31800, s4  }
.LBB2_1:
0xb: {  	[tilespmem:s2], [sflag:$0x1] =	stream.linear.gather [hbm4b:s3+s2], $0xC380, $0x38;
	[tilespmem:$0x18700] =	vst v63  }
0xc: {  	_ = 	snop  }
0xd: {  	[tilespmem:s7], [sflag:$0x1] =	stream.linear.gather [hbm4b:s4+s2], $0xC380, $0x38;
	[tilespmem:$0x18700] =	vst v63  }
0xe: {  	_ =	swait.ge [sflag:s8], $0xC380  }
0xf: {  	[sflag:s8] =	ssyncset.done $0x0  }
0x10: {  	[sflag:s8] =	ssyncadd.s32 $0xFFFF3C80  }
0x11: {  	_ =	swait.ge [sflag:s8], $0xC380  }
0x12: {  	[sflag:s8] =	ssyncset.done $0x0  }
0x13: {  	s11 =	simm.s32 $0x0;
	[sflag:s8] =	ssyncadd.s32 $0xFFFF3C80  }
0x14: {  	s12 =	simm.s32 $0x40;
	v0 =	vld [tilespmem:s11+$0xC380]  }
.LBB2_2:
0x15: {  	p0 =	sne.s32 s12, $0x30DC0;
	v1 =	vld [tilespmem:s11+$0x0];
	_ =	sdelay $0x2  }
.Ltmp0:
0x16: {  	(pc) =	sbr.rel @p0 .LBB2_2-.Ltmp0, $4  }
0x17: {  	_ = 	snop  }
0x18: {  	v1 =	vadd.f32 v0, v1  }
0x19: {  	s13 =	sshra.s32 s12, $0x2  }
0x1a: {  	s12 =	sadd.s32 $0x40, s12;
	v0 =	vld [tilespmem:s13+$0xC380];
	[tilespmem:s11+$0x0] =	vst v1;
	s11 =	smov.u32 s13  }
0x1b: {  	v1 =	vld [tilespmem:s11+$0x0];
	_ =	sdelay $0x4  }
0x1c: {  	s10 =	sadd.s32 $0x1, s10;
	v0 =	vadd.f32 v0, v1  }
0x1d: {  	p0 =	sne.s32 s10, s6  }
.Ltmp1:
0x1e: {  	[tilespmem:s11+$0x0] =	vst v0;
	(pc) =	sbr.rel @p0 .LBB2_1-.Ltmp1, $4  }
0x1f: {  	[hbm4b:s5+s2] =	stream.linear.scatter [tilespmem:s2], [sflag:$0x2], $0xC380, $0x38;
	[tilespmem:$0x18700] =	vst v63  }
0x20: {  	_ =	swait.ge [sflag:s9], $0xC380  }
0x21: {  	[sflag:s9] =	ssyncset.done $0x0  }
0x22: {  	[sflag:s9] =	ssyncadd.s32 $0xFFFF3C80  }
0x23: {  	_ =	sfence.sel $0x180000  }
0x24: {  	[bflag:$0x0] =	sbarrier.arrive $0xFFFF  }
0x25: {  	p0 =	sne.s32 s0, $0x0;
	_ =	strace $0x9000004A  }
0x26: {  	s0 =	sadd.s32 @!p0 $0x100000, s1;
	[bflag:$0x2] =	sbarrier.arrive $0xFFFF  }
0x27: {  	[sflag:s0] =	ssyncadd.tile.s32 @!p0 $0x1;
	_ =	shalt  }
.Lfunc_end2:
_tile_overlayer_lowered:
.L_overlay_start_2:
0x28: {  	(tag) =	ssettag $0x2  }
0x29: {  	s0 =	rddreg [dreg:$0x0];
	s2 =	stileid.u32  }
0x2a: {  	s1 =	rddreg [dreg:$0x1];
	p0 =	sne.s32 s2, $0x0  }
0x2b: {  	s3 =	rddreg [dreg:$0x2];
	[bflag:$0x3] =	sbarrier.arrive $0xFFFF;
	s2 =	simm.s32 @!p0 $0x1C02  }
0x2c: {  	[timem:s3], [sflag:s2] =	dma.local @!p0 [hbm:s0], s1  }
0x2d: {  	s0 =	simm.s32 @!p0 $0x2  }
0x2e: {  	_ =	swait.ge @!p0 [sflag:s0], s1  }
0x2f: {  	s1 =	ssub.s32 @!p0 $0x0, s1;
	[sflag:s0] =	ssyncset.done @!p0 $0x0  }
0x30: {  	[sflag:s0] =	ssyncadd.s32 @!p0 s1  }
0x31: {  	[bflag:$0x3] =	sbarrier.arrive $0xFFFF  }
0x32: {  	_ =	shalt  }

</sc_bundles>
